<compile_context>
chip_gen: v7x
topology: tpu7x:2x2x1
jax: 0.10.2.dev20260603
libtpu: 0.0.44.dev20260713+nightly
codegen_flags: <defaults>
</compile_context>

<pallas_src>
import functools

import jax
import jax.numpy as jnp
import numpy as np
from jax import lax
from jax.experimental import pallas as pl
from jax.experimental.pallas import tpu as pltpu
from jax.experimental.pallas import tpu_sc as plsc

N = 4096
D_IN = 1024
D_H = 512
D_QK = 256
NNB = 9

NC = 2
NS = 16
LANES = 16
NW = NC * NS
ROWS_PER_W = N // NW
CHUNK = 16
NCHUNKS = ROWS_PER_W // CHUNK
NPAIR = D_QK // (2 * LANES)

_PERM = np.arange(D_QK).reshape(NPAIR, LANES, 2).transpose(0, 2, 1).reshape(-1)



def _proj_body(x_ref, w1_ref, b1_ref, wq_ref, wk_ref, wv_ref, bv_ref,
               q_ref, k_ref, v_ref):
    bf = jnp.bfloat16
    dense = jnp.dot(x_ref[...].astype(bf), w1_ref[...].astype(bf),
                    preferred_element_type=jnp.float32)
    dense = jnp.maximum(dense + b1_ref[...], 0.0).astype(bf)
    q_ref[...] = jnp.dot(dense, wq_ref[...].astype(bf),
                         preferred_element_type=jnp.float32) * (1.0 / 16.0)
    k_ref[...] = jnp.dot(dense, wk_ref[...].astype(bf),
                         preferred_element_type=jnp.float32).astype(bf)
    v_ref[...] = jnp.dot(dense, wv_ref[...].astype(bf),
                         preferred_element_type=jnp.float32) + bv_ref[...]


_PROJ_TILE = 512


def _projections(x, W1, b1, Wq, Wk, Wv, bv):
    grid = (N // _PROJ_TILE,)
    out_shape = [
        jax.ShapeDtypeStruct((N, D_QK), jnp.float32),
        jax.ShapeDtypeStruct((N, D_QK), jnp.bfloat16),
        jax.ShapeDtypeStruct((N, D_QK), jnp.float32),
    ]
    return pl.pallas_call(
        _proj_body,
        grid=grid,
        in_specs=[
            pl.BlockSpec((_PROJ_TILE, D_IN), lambda i: (i, 0)),
            pl.BlockSpec((D_IN, D_H), lambda i: (0, 0)),
            pl.BlockSpec((1, D_H), lambda i: (0, 0)),
            pl.BlockSpec((D_H, D_QK), lambda i: (0, 0)),
            pl.BlockSpec((D_H, D_QK), lambda i: (0, 0)),
            pl.BlockSpec((D_H, D_QK), lambda i: (0, 0)),
            pl.BlockSpec((1, D_QK), lambda i: (0, 0)),
        ],
        out_specs=[pl.BlockSpec((_PROJ_TILE, D_QK), lambda i: (i, 0))] * 3,
        out_shape=out_shape,
    )(x, W1, b1, Wq, Wk, Wv, bv)



def _sc_body(q_hbm, k_hbm, idx_hbm, out_hbm, qc0_v, qc1_v, idx_v, g0_v, g1_v,
             res_v, sem0, sem1, qsem0, qsem1):
    wid = lax.axis_index("s") * NC + lax.axis_index("c")
    row0 = wid * ROWS_PER_W
    pltpu.sync_copy(idx_hbm.at[pl.ds(row0 * NNB, ROWS_PER_W * NNB)], idx_v)

    lane = jnp.arange(LANES, dtype=jnp.int32)
    bufs = (g0_v, g1_v)
    qbufs = (qc0_v, qc1_v)
    sems = (sem0, sem1)
    qsems = (qsem0, qsem1)

    def _gather(ci, buf, sem):
        return pltpu.make_async_copy(
            k_hbm.at[idx_v.at[pl.ds(ci * CHUNK * NNB, CHUNK * NNB)]],
            buf, sem)

    def _qcopy(ci, buf, sem):
        return pltpu.make_async_copy(
            q_hbm.at[pl.ds(row0 + ci * CHUNK, CHUNK)], buf, sem)

    def _fire(ci, b):
        _gather(ci, bufs[b], sems[b]).start()
        _qcopy(ci, qbufs[b], qsems[b]).start()

    _fire(0, 0)

    def compute_chunk(ci, g_v, q_v):
        def row_body(r, carry):
            v3, v5, v9 = carry
            rr = r
            g0 = r * NNB
            t3 = jnp.zeros((LANES,), jnp.float32)
            t5 = jnp.zeros((LANES,), jnp.float32)
            t9 = jnp.zeros((LANES,), jnp.float32)
            for c in range(NPAIR):
                sl = pl.ds(c * LANES, LANES)
                gld = lambda j: plsc.bitcast(g_v[g0 + j, sl], jnp.bfloat16)
                s = gld(0) + gld(1) + gld(2)
                a, b = plsc.unpack(s, format=plsc.PackFormat.INTERLEAVED)
                qa = q_v[rr, pl.ds(c * 2 * LANES, LANES)]
                qb = q_v[rr, pl.ds(c * 2 * LANES + LANES, LANES)]
                t3 = t3 + qa * a + qb * b
                s = s + gld(3) + gld(4)
                a, b = plsc.unpack(s, format=plsc.PackFormat.INTERLEAVED)
                t5 = t5 + qa * a + qb * b
                s = s + gld(5) + gld(6) + gld(7) + gld(8)
                a, b = plsc.unpack(s, format=plsc.PackFormat.INTERLEAVED)
                t9 = t9 + qa * a + qb * b
            m = lane == r
            v3 = jnp.where(m, jnp.sum(t3), v3)
            v5 = jnp.where(m, jnp.sum(t5), v5)
            v9 = jnp.where(m, jnp.sum(t9), v9)
            return v3, v5, v9

        zero = jnp.zeros((LANES,), jnp.float32)
        v3, v5, v9 = lax.fori_loop(0, CHUNK, row_body, (zero, zero, zero))
        res_v[0, pl.ds(ci * CHUNK, CHUNK)] = v3
        res_v[1, pl.ds(ci * CHUNK, CHUNK)] = v5
        res_v[2, pl.ds(ci * CHUNK, CHUNK)] = v9

    def super_body(s, _):
        for b in range(2):
            ci = 2 * s + b

            @pl.when(ci + 1 < NCHUNKS)
            def _():
                _fire(ci + 1, 1 - b)

            _gather(ci, bufs[b], sems[b]).wait()
            _qcopy(ci, qbufs[b], qsems[b]).wait()
            compute_chunk(ci, bufs[b], qbufs[b])
        return 0

    lax.fori_loop(0, NCHUNKS // 2, super_body, 0)
    pltpu.sync_copy(res_v, out_hbm.at[:, pl.ds(row0, ROWS_PER_W)])


def _sc_gather_dot(q, kmat, nbr_flat):
    mesh = plsc.VectorSubcoreMesh(core_axis_name="c", subcore_axis_name="s",
                                  num_cores=NC, num_subcores=NS)
    kern = functools.partial(
        pl.kernel,
        out_type=jax.ShapeDtypeStruct((3, N), jnp.float32),
        mesh=mesh,
        compiler_params=pltpu.CompilerParams(needs_layout_passes=False),
        scratch_types=[
            pltpu.VMEM((CHUNK, D_QK), jnp.float32),
            pltpu.VMEM((CHUNK, D_QK), jnp.float32),
            pltpu.VMEM((ROWS_PER_W * NNB,), jnp.int32),
            pltpu.VMEM((CHUNK * NNB, D_QK // 2), jnp.int32),
            pltpu.VMEM((CHUNK * NNB, D_QK // 2), jnp.int32),
            pltpu.VMEM((3, ROWS_PER_W), jnp.float32),
            pltpu.SemaphoreType.DMA,
            pltpu.SemaphoreType.DMA,
            pltpu.SemaphoreType.DMA,
            pltpu.SemaphoreType.DMA,
        ],
    )(_sc_body)
    return kern(q, kmat, nbr_flat)



def _pool_body(a_ref, v_ref, wout_ref, bout_ref, o_ref):
    A = a_ref[...]
    m = jnp.max(A, axis=1, keepdims=True)
    e = jnp.exp(A - m)
    alpha = e / jnp.sum(e, axis=1, keepdims=True)
    s3 = jnp.dot(alpha, v_ref[...], preferred_element_type=jnp.float32)
    s = jnp.sum(s3, axis=0, keepdims=True)
    logits = jnp.dot(s, wout_ref[...],
                     preferred_element_type=jnp.float32) + bout_ref[...]
    ls = logits - jnp.max(logits, axis=1, keepdims=True)
    el = jnp.exp(ls)
    o_ref[...] = el / jnp.sum(el, axis=1, keepdims=True)


def _pool(A, value, Wout, bout):
    return pl.pallas_call(
        _pool_body,
        out_shape=jax.ShapeDtypeStruct((1, 2), jnp.float32),
    )(A, value, Wout, bout)



def kernel(x, neighbor_idx, W1, b1, Wq, Wk, Wv, bv, Wout, bout):
    q, kmat, value = _projections(x, W1, b1.reshape(1, -1), Wq[:, _PERM],
                                  Wk, Wv, bv.reshape(1, -1))
    nbr_flat = neighbor_idx.astype(jnp.int32).reshape(-1)
    k32 = jax.lax.bitcast_convert_type(
        kmat.reshape(N, D_QK // 2, 2), jnp.int32)
    A = _sc_gather_dot(q, k32, nbr_flat)
    return _pool(A, value, Wout, bout.reshape(1, -1))

# --- scband reference (transcript-rebuilt; emitter-appended) ---
"""Pipeline reference for scband-charm-89146341196444 (READ-ONLY COPY).

The authoritative reference and input builder live on the scoring server;
editing this copy changes nothing except your own understanding.
"""

import jax, jax.numpy as jnp
import numpy as np


def _glorot(k, shape):
    lim = jnp.sqrt(6.0 / (shape[0] + shape[1]))
    return jax.random.uniform(k, shape, jnp.float32, -lim, lim)


def setup_inputs(seed: int = 0) -> dict:
    key = jax.random.key(seed)
    ks = jax.random.split(key, 8)
    n, d = 4096, 1024
    x = jax.random.normal(ks[0], (n, d), dtype=jnp.float32)
    neighbor_idx = jax.random.randint(ks[1], (n, 9), 0, n, dtype=jnp.int32)
    W1 = _glorot(ks[2], (d, 512))
    b1 = jnp.zeros((512,), jnp.float32)
    Wq = _glorot(ks[3], (512, 256))
    Wk = _glorot(ks[4], (512, 256))
    Wv = _glorot(ks[5], (512, 256))
    bv = jnp.zeros((256,), jnp.float32)
    Wout = _glorot(ks[6], (256, 2))
    bout = jnp.zeros((2,), jnp.float32)
    return {"x": x, "neighbor_idx": neighbor_idx, "W1": W1, "b1": b1,
            "Wq": Wq, "Wk": Wk, "Wv": Wv, "bv": bv, "Wout": Wout, "bout": bout}


def reference(x, neighbor_idx, W1, b1, Wq, Wk, Wv, bv, Wout, bout):
    # _fc1: Dense(512, relu)
    dense = jax.nn.relu(x @ W1 + b1)
    # CustomAttention: q = dense@Wq, k = dense@Wk, attn = q k^T / sqrt(dk)
    q = dense @ Wq
    kmat = dense @ Wk
    dk = jnp.asarray(Wq.shape[1], jnp.float32)
    attn = (q @ kmat.T) / jnp.sqrt(dk)
    # wv: Dense(256)
    value = dense @ Wv + bv
    pools = []
    for kval in (2, 4, 8):
        # NeighborAggregator: sparse adjacency (rows i, cols=Idx[i,:k+1]) elementwise-multiplied
        # with attn, then sparse row reduce_sum == gather attn at neighbor cols and sum
        idx = neighbor_idx[:, :kval + 1].astype(jnp.int32)
        gathered = jnp.take_along_axis(attn, idx, axis=1)
        A_raw = jnp.sum(gathered, axis=1)
        alpha = jax.nn.softmax(A_raw)
        pools.append(alpha[:, None] * value)
    spp_pool = jnp.concatenate(pools, axis=0)
    # Last_Sigmoid (subtyping=True): sum over instances, dense, softmax
    s = jnp.sum(spp_pool, axis=0, keepdims=True)
    out = jax.nn.softmax(s @ Wout + bout)
    return out

if __name__ == "__main__":
    import jax
    _d = setup_inputs()
    print(jax.jit(kernel)(*tuple(_d.values())))

</pallas_src>

<mosaic_0001>
#map = affine_map<(d0, d1) -> (0, 0)>
#map1 = affine_map<(d0, d1) -> (0)>
module attributes {stable_mosaic.version = 14 : i64} {
  func.func @_sc_body(%arg0: i32, %arg1: i32, %arg2: memref<4096x256xf32, #tpu.memory_space<hbm>>, %arg3: memref<4096x128xi32, #tpu.memory_space<hbm>>, %arg4: memref<36864xi32, #tpu.memory_space<hbm>>, %arg5: memref<3x4096xf32, #tpu.memory_space<hbm>>, %arg6: memref<16x256xf32, #tpu.memory_space<vmem>>, %arg7: memref<16x256xf32, #tpu.memory_space<vmem>>, %arg8: memref<1152xi32, #tpu.memory_space<vmem>>, %arg9: memref<144x128xi32, #tpu.memory_space<vmem>>, %arg10: memref<144x128xi32, #tpu.memory_space<vmem>>, %arg11: memref<3x128xf32, #tpu.memory_space<vmem>>, %arg12: memref<!tpu.dma_semaphore, #tpu.memory_space<semaphore_mem>>, %arg13: memref<!tpu.dma_semaphore, #tpu.memory_space<semaphore_mem>>, %arg14: memref<!tpu.dma_semaphore, #tpu.memory_space<semaphore_mem>>, %arg15: memref<!tpu.dma_semaphore, #tpu.memory_space<semaphore_mem>>) attributes {dimension_semantics = [#tpu.dimension_semantics<core_parallel>, #tpu.dimension_semantics<subcore_parallel>], iteration_bounds = array<i64: 2, 16>, scalar_prefetch = 0 : i64, scratch_operands = 10 : i64, tpu.core_type = #tpu.core_type<sc_vector_subcore>, window_params = [{transform_indices = #map}, {transform_indices = #map}, {transform_indices = #map1}, {transform_indices = #map}]} {
    %mul3A = arith.constant 2 : i32
    %mul3A_0 = arith.muli %arg1, %mul3A : i32
    %add3A = arith.addi %mul3A_0, %arg0 : i32
    %mul3A_1 = arith.constant 128 : i32
    %mul3A_2 = arith.muli %add3A, %mul3A_1 : i32
    %mul3A_3 = arith.constant 9 : i32
    %mul3A_4 = arith.muli %mul3A_2, %mul3A_3 : i32
    "tpu.region"() ({
      %run_scoped3A = tpu.sem_alloc : memref<!tpu.dma_semaphore, #tpu.memory_space<semaphore_mem>>
      %dma_start3A_21 = tpu.memref_slice %arg4[%mul3A_4] : memref<36864xi32, #tpu.memory_space<hbm>> -> memref<1152xi32, #tpu.memory_space<hbm>>
      %dma_start3A_22 = tpu.memref_slice %arg4[%mul3A_4] : memref<36864xi32, #tpu.memory_space<hbm>> -> memref<1152xi32, #tpu.memory_space<hbm>>
      tpu.enqueue_dma source(%dma_start3A_22 : memref<1152xi32, #tpu.memory_space<hbm>>) target(%arg8 : memref<1152xi32, #tpu.memory_space<vmem>>) target_semaphore(%run_scoped3A : memref<!tpu.dma_semaphore, #tpu.memory_space<semaphore_mem>>)
      %dma_wait3A = tpu.memref_slice %arg4[%mul3A_4] : memref<36864xi32, #tpu.memory_space<hbm>> -> memref<1152xi32, #tpu.memory_space<hbm>>
      %dma_wait3A_23 = tpu.memref_slice %arg4[%mul3A_4] : memref<36864xi32, #tpu.memory_space<hbm>> -> memref<1152xi32, #tpu.memory_space<hbm>>
      tpu.wait_dma2 semaphore(%run_scoped3A : memref<!tpu.dma_semaphore, #tpu.memory_space<semaphore_mem>>) src(%dma_wait3A_23 : memref<1152xi32, #tpu.memory_space<hbm>>) dst(%arg8 : memref<1152xi32, #tpu.memory_space<vmem>>)
      tpu.yield
    }) : () -> ()
    %iota3A = tpu.iota {dimensions = array<i32: 0>} : vector<16xi32>
    %dma_start3A = arith.constant 0 : i32
    %dma_start3A_5 = tpu.memref_slice %arg8[%dma_start3A] : memref<1152xi32, #tpu.memory_space<vmem>> -> memref<144xi32, #tpu.memory_space<vmem>>
    %dma_start3A_6 = arith.constant 0 : i32
    %dma_start3A_7 = arith.constant 0 : i32
    %dma_start3A_8 = tpu.memref_slice %arg3[%dma_start3A_6, %dma_start3A_7] : memref<4096x128xi32, #tpu.memory_space<hbm>> -> memref<4096x128xi32, #tpu.memory_space<hbm>>
    tpu.enqueue_indirect_dma source(%dma_start3A_8 : memref<4096x128xi32, #tpu.memory_space<hbm>>) target(%arg9 : memref<144x128xi32, #tpu.memory_space<vmem>>) offsets(%dma_start3A_5 : memref<144xi32, #tpu.memory_space<vmem>>) semaphore(%arg12 : memref<!tpu.dma_semaphore, #tpu.memory_space<semaphore_mem>>)
    %add3A_9 = arith.constant 0 : i32
    %add3A_10 = arith.addi %mul3A_2, %add3A_9 : i32
    %dma_start3A_11 = arith.constant 0 : i32
    %dma_start3A_12 = tpu.memref_slice %arg2[%add3A_10, %dma_start3A_11] : memref<4096x256xf32, #tpu.memory_space<hbm>> -> memref<16x256xf32, #tpu.memory_space<hbm>>
    %dma_start3A_13 = arith.constant 0 : i32
    %dma_start3A_14 = tpu.memref_slice %arg2[%add3A_10, %dma_start3A_13] : memref<4096x256xf32, #tpu.memory_space<hbm>> -> memref<16x256xf32, #tpu.memory_space<hbm>>
    tpu.enqueue_dma source(%dma_start3A_14 : memref<16x256xf32, #tpu.memory_space<hbm>>) target(%arg6 : memref<16x256xf32, #tpu.memory_space<vmem>>) target_semaphore(%arg14 : memref<!tpu.dma_semaphore, #tpu.memory_space<semaphore_mem>>)
    %scan3A = arith.constant 0 : i32
    %scan3A_15 = arith.constant 0 : i32
    %scan3A_16 = arith.constant 4 : i32
    %scan3A_17 = arith.addi %scan3A_15, %scan3A_16 : i32
    %scan3A_18 = arith.constant 1 : i32
    %scan3A_19 = scf.for %scan3A_21 = %scan3A_15 to %scan3A_17 step %scan3A_18 iter_args(%scan3A_22 = %scan3A) -> (i32)  : i32 {
      %mul3A_23 = arith.constant 2 : i32
      %mul3A_24 = arith.muli %mul3A_23, %scan3A_21 : i32
      %add3A_25 = arith.constant 0 : i32
      %add3A_26 = arith.addi %mul3A_24, %add3A_25 : i32
      %add3A_27 = arith.constant 1 : i32
      %add3A_28 = arith.addi %add3A_26, %add3A_27 : i32
      %lt3A = arith.constant 8 : i32
      %lt3A_29 = arith.cmpi slt, %add3A_28, %lt3A : i32
      %convert_element_type3A = arith.extui %lt3A_29 : i1 to i32
      %cond3A = arith.constant 0 : i32
      %cond3A_30 = arith.cmpi ne, %convert_element_type3A, %cond3A : i32
      scf.if %cond3A_30 {
        %add3A_122 = arith.constant 1 : i32
        %add3A_123 = arith.addi %add3A_26, %add3A_122 : i32
        %mul3A_124 = arith.constant 16 : i32
        %mul3A_125 = arith.muli %add3A_123, %mul3A_124 : i32
        %mul3A_126 = arith.constant 9 : i32
        %mul3A_127 = arith.muli %mul3A_125, %mul3A_126 : i32
        %dma_start3A_128 = tpu.memref_slice %arg8[%mul3A_127] : memref<1152xi32, #tpu.memory_space<vmem>> -> memref<144xi32, #tpu.memory_space<vmem>>
        %dma_start3A_129 = arith.constant 0 : i32
        %dma_start3A_130 = arith.constant 0 : i32
        %dma_start3A_131 = tpu.memref_slice %arg3[%dma_start3A_129, %dma_start3A_130] : memref<4096x128xi32, #tpu.memory_space<hbm>> -> memref<4096x128xi32, #tpu.memory_space<hbm>>
        tpu.enqueue_indirect_dma source(%dma_start3A_131 : memref<4096x128xi32, #tpu.memory_space<hbm>>) target(%arg10 : memref<144x128xi32, #tpu.memory_space<vmem>>) offsets(%dma_start3A_128 : memref<144xi32, #tpu.memory_space<vmem>>) semaphore(%arg13 : memref<!tpu.dma_semaphore, #tpu.memory_space<semaphore_mem>>)
        %mul3A_132 = arith.constant 16 : i32
        %mul3A_133 = arith.muli %add3A_123, %mul3A_132 : i32
        %add3A_134 = arith.addi %mul3A_2, %mul3A_133 : i32
        %dma_start3A_135 = arith.constant 0 : i32
        %dma_start3A_136 = tpu.memref_slice %arg2[%add3A_134, %dma_start3A_135] : memref<4096x256xf32, #tpu.memory_space<hbm>> -> memref<16x256xf32, #tpu.memory_space<hbm>>
        %dma_start3A_137 = arith.constant 0 : i32
        %dma_start3A_138 = tpu.memref_slice %arg2[%add3A_134, %dma_start3A_137] : memref<4096x256xf32, #tpu.memory_space<hbm>> -> memref<16x256xf32, #tpu.memory_space<hbm>>
        tpu.enqueue_dma source(%dma_start3A_138 : memref<16x256xf32, #tpu.memory_space<hbm>>) target(%arg7 : memref<16x256xf32, #tpu.memory_space<vmem>>) target_semaphore(%arg15 : memref<!tpu.dma_semaphore, #tpu.memory_space<semaphore_mem>>)
      } else {
      }
      %mul3A_31 = arith.constant 16 : i32
      %mul3A_32 = arith.muli %add3A_26, %mul3A_31 : i32
      %mul3A_33 = arith.constant 9 : i32
      %mul3A_34 = arith.muli %mul3A_32, %mul3A_33 : i32
      %dma_wait3A = tpu.memref_slice %arg8[%mul3A_34] : memref<1152xi32, #tpu.memory_space<vmem>> -> memref<144xi32, #tpu.memory_space<vmem>>
      %dma_wait3A_35 = arith.constant 0 : i32
      %dma_wait3A_36 = arith.constant 0 : i32
      %dma_wait3A_37 = tpu.memref_slice %arg3[%dma_wait3A_35, %dma_wait3A_36] : memref<4096x128xi32, #tpu.memory_space<hbm>> -> memref<4096x128xi32, #tpu.memory_space<hbm>>
      tpu.wait_indirect_dma semaphore(%arg12 : memref<!tpu.dma_semaphore, #tpu.memory_space<semaphore_mem>>) src(%dma_wait3A_37 : memref<4096x128xi32, #tpu.memory_space<hbm>>) dst(%arg9 : memref<144x128xi32, #tpu.memory_space<vmem>>)
      %mul3A_38 = arith.constant 16 : i32
      %mul3A_39 = arith.muli %add3A_26, %mul3A_38 : i32
      %add3A_40 = arith.addi %mul3A_2, %mul3A_39 : i32
      %dma_wait3A_41 = arith.constant 0 : i32
      %dma_wait3A_42 = tpu.memref_slice %arg2[%add3A_40, %dma_wait3A_41] : memref<4096x256xf32, #tpu.memory_space<hbm>> -> memref<16x256xf32, #tpu.memory_space<hbm>>
      %dma_wait3A_43 = arith.constant 0 : i32
      %dma_wait3A_44 = tpu.memref_slice %arg2[%add3A_40, %dma_wait3A_43] : memref<4096x256xf32, #tpu.memory_space<hbm>> -> memref<16x256xf32, #tpu.memory_space<hbm>>
      tpu.wait_dma2 semaphore(%arg14 : memref<!tpu.dma_semaphore, #tpu.memory_space<semaphore_mem>>) src(%dma_wait3A_44 : memref<16x256xf32, #tpu.memory_space<hbm>>) dst(%arg6 : memref<16x256xf32, #tpu.memory_space<vmem>>)
      %broadcast_in_dim3A = arith.constant 0.000000e+00 : f32
      %broadcast_in_dim3A_45 = vector.broadcast %broadcast_in_dim3A : f32 to vector<16xf32>
      %scan3A_46 = arith.constant 0 : i32
      %scan3A_47 = arith.constant 16 : i32
      %scan3A_48 = arith.addi %scan3A_46, %scan3A_47 : i32
      %scan3A_49 = arith.constant 1 : i32
      %scan3A_50:3 = scf.for %scan3A_122 = %scan3A_46 to %scan3A_48 step %scan3A_49 iter_args(%scan3A_123 = %broadcast_in_dim3A_45, %scan3A_124 = %broadcast_in_dim3A_45, %scan3A_125 = %broadcast_in_dim3A_45) -> (vector<16xf32>, vector<16xf32>, vector<16xf32>)  : i32 {
        %mul3A_126 = arith.constant 9 : i32
        %mul3A_127 = arith.muli %scan3A_122, %mul3A_126 : i32
        %broadcast_in_dim3A_128 = arith.constant 0.000000e+00 : f32
        %broadcast_in_dim3A_129 = vector.broadcast %broadcast_in_dim3A_128 : f32 to vector<16xf32>
        %broadcast_in_dim3A_130 = arith.constant 0.000000e+00 : f32
        %broadcast_in_dim3A_131 = vector.broadcast %broadcast_in_dim3A_130 : f32 to vector<16xf32>
        %broadcast_in_dim3A_132 = arith.constant 0.000000e+00 : f32
        %broadcast_in_dim3A_133 = vector.broadcast %broadcast_in_dim3A_132 : f32 to vector<16xf32>
        %add3A_134 = arith.constant 0 : i32
        %add3A_135 = arith.addi %mul3A_127, %add3A_134 : i32
        %get3A = arith.index_cast %add3A_135 : i32 to index
        %get3A_136 = arith.constant 0 : index
        %get3A_137 = tpu.vector_load %arg9[%get3A, %get3A_136] {strides = array<i32>} : memref<144x128xi32, #tpu.memory_space<vmem>>, vector<16xi32>,
        %bitcast3A = vector.bitcast %get3A_137 : vector<16xi32> to vector<32xbf16>
        %add3A_138 = arith.constant 1 : i32
        %add3A_139 = arith.addi %mul3A_127, %add3A_138 : i32
        %get3A_140 = arith.index_cast %add3A_139 : i32 to index
        %get3A_141 = arith.constant 0 : index
        %get3A_142 = tpu.vector_load %arg9[%get3A_140, %get3A_141] {strides = array<i32>} : memref<144x128xi32, #tpu.memory_space<vmem>>, vector<16xi32>,
        %bitcast3A_143 = vector.bitcast %get3A_142 : vector<16xi32> to vector<32xbf16>
        %add3A_144 = arith.addf %bitcast3A, %bitcast3A_143 : vector<32xbf16>
        %add3A_145 = arith.constant 2 : i32
        %add3A_146 = arith.addi %mul3A_127, %add3A_145 : i32
        %get3A_147 = arith.index_cast %add3A_146 : i32 to index
        %get3A_148 = arith.constant 0 : index
        %get3A_149 = tpu.vector_load %arg9[%get3A_147, %get3A_148] {strides = array<i32>} : memref<144x128xi32, #tpu.memory_space<vmem>>, vector<16xi32>,
        %bitcast3A_150 = vector.bitcast %get3A_149 : vector<16xi32> to vector<32xbf16>
        %add3A_151 = arith.addf %add3A_144, %bitcast3A_150 : vector<32xbf16>
        %unpack3A = tpu.unpack_subelements %add3A_151, 0 {pack_format = #tpu.pack_format<interleaved>} : vector<32xbf16> -> vector<16xf32>
        %unpack3A_152 = tpu.unpack_subelements %add3A_151, 1 {pack_format = #tpu.pack_format<interleaved>} : vector<32xbf16> -> vector<16xf32>
        %get3A_153 = arith.index_cast %scan3A_122 : i32 to index
        %get3A_154 = arith.constant 0 : index
        %get3A_155 = tpu.vector_load %arg6[%get3A_153, %get3A_154] {strides = array<i32>} : memref<16x256xf32, #tpu.memory_space<vmem>>, vector<16xf32>,
        %get3A_156 = arith.index_cast %scan3A_122 : i32 to index
        %get3A_157 = arith.constant 16 : index
        %get3A_158 = tpu.vector_load %arg6[%get3A_156, %get3A_157] {strides = array<i32>} : memref<16x256xf32, #tpu.memory_space<vmem>>, vector<16xf32>,
        %mul3A_159 = arith.mulf %get3A_155, %unpack3A : vector<16xf32>
        %add3A_160 = arith.addf %broadcast_in_dim3A_129, %mul3A_159 : vector<16xf32>
        %mul3A_161 = arith.mulf %get3A_158, %unpack3A_152 : vector<16xf32>
        %add3A_162 = arith.addf %add3A_160, %mul3A_161 : vector<16xf32>
        %add3A_163 = arith.constant 3 : i32
        %add3A_164 = arith.addi %mul3A_127, %add3A_163 : i32
        %get3A_165 = arith.index_cast %add3A_164 : i32 to index
        %get3A_166 = arith.constant 0 : index
        %get3A_167 = tpu.vector_load %arg9[%get3A_165, %get3A_166] {strides = array<i32>} : memref<144x128xi32, #tpu.memory_space<vmem>>, vector<16xi32>,
        %bitcast3A_168 = vector.bitcast %get3A_167 : vector<16xi32> to vector<32xbf16>
        %add3A_169 = arith.addf %add3A_151, %bitcast3A_168 : vector<32xbf16>
        %add3A_170 = arith.constant 4 : i32
        %add3A_171 = arith.addi %mul3A_127, %add3A_170 : i32
        %get3A_172 = arith.index_cast %add3A_171 : i32 to index
        %get3A_173 = arith.constant 0 : index
        %get3A_174 = tpu.vector_load %arg9[%get3A_172, %get3A_173] {strides = array<i32>} : memref<144x128xi32, #tpu.memory_space<vmem>>, vector<16xi32>,
        %bitcast3A_175 = vector.bitcast %get3A_174 : vector<16xi32> to vector<32xbf16>
        %add3A_176 = arith.addf %add3A_169, %bitcast3A_175 : vector<32xbf16>
        %unpack3A_177 = tpu.unpack_subelements %add3A_176, 0 {pack_format = #tpu.pack_format<interleaved>} : vector<32xbf16> -> vector<16xf32>
        %unpack3A_178 = tpu.unpack_subelements %add3A_176, 1 {pack_format = #tpu.pack_format<interleaved>} : vector<32xbf16> -> vector<16xf32>
        %mul3A_179 = arith.mulf %get3A_155, %unpack3A_177 : vector<16xf32>
        %add3A_180 = arith.addf %broadcast_in_dim3A_131, %mul3A_179 : vector<16xf32>
        %mul3A_181 = arith.mulf %get3A_158, %unpack3A_178 : vector<16xf32>
        %add3A_182 = arith.addf %add3A_180, %mul3A_181 : vector<16xf32>
        %add3A_183 = arith.constant 5 : i32
        %add3A_184 = arith.addi %mul3A_127, %add3A_183 : i32
        %get3A_185 = arith.index_cast %add3A_184 : i32 to index
        %get3A_186 = arith.constant 0 : index
        %get3A_187 = tpu.vector_load %arg9[%get3A_185, %get3A_186] {strides = array<i32>} : memref<144x128xi32, #tpu.memory_space<vmem>>, vector<16xi32>,
        %bitcast3A_188 = vector.bitcast %get3A_187 : vector<16xi32> to vector<32xbf16>
        %add3A_189 = arith.addf %add3A_176, %bitcast3A_188 : vector<32xbf16>
        %add3A_190 = arith.constant 6 : i32
        %add3A_191 = arith.addi %mul3A_127, %add3A_190 : i32
        %get3A_192 = arith.index_cast %add3A_191 : i32 to index
        %get3A_193 = arith.constant 0 : index
        %get3A_194 = tpu.vector_load %arg9[%get3A_192, %get3A_193] {strides = array<i32>} : memref<144x128xi32, #tpu.memory_space<vmem>>, vector<16xi32>,
        %bitcast3A_195 = vector.bitcast %get3A_194 : vector<16xi32> to vector<32xbf16>
        %add3A_196 = arith.addf %add3A_189, %bitcast3A_195 : vector<32xbf16>
        %add3A_197 = arith.constant 7 : i32
        %add3A_198 = arith.addi %mul3A_127, %add3A_197 : i32
        %get3A_199 = arith.index_cast %add3A_198 : i32 to index
        %get3A_200 = arith.constant 0 : index
        %get3A_201 = tpu.vector_load %arg9[%get3A_199, %get3A_200] {strides = array<i32>} : memref<144x128xi32, #tpu.memory_space<vmem>>, vector<16xi32>,
        %bitcast3A_202 = vector.bitcast %get3A_201 : vector<16xi32> to vector<32xbf16>
        %add3A_203 = arith.addf %add3A_196, %bitcast3A_202 : vector<32xbf16>
        %add3A_204 = arith.constant 8 : i32
        %add3A_205 = arith.addi %mul3A_127, %add3A_204 : i32
        %get3A_206 = arith.index_cast %add3A_205 : i32 to index
        %get3A_207 = arith.constant 0 : index
        %get3A_208 = tpu.vector_load %arg9[%get3A_206, %get3A_207] {strides = array<i32>} : memref<144x128xi32, #tpu.memory_space<vmem>>, vector<16xi32>,
        %bitcast3A_209 = vector.bitcast %get3A_208 : vector<16xi32> to vector<32xbf16>
        %add3A_210 = arith.addf %add3A_203, %bitcast3A_209 : vector<32xbf16>
        %unpack3A_211 = tpu.unpack_subelements %add3A_210, 0 {pack_format = #tpu.pack_format<interleaved>} : vector<32xbf16> -> vector<16xf32>
        %unpack3A_212 = tpu.unpack_subelements %add3A_210, 1 {pack_format = #tpu.pack_format<interleaved>} : vector<32xbf16> -> vector<16xf32>
        %mul3A_213 = arith.mulf %get3A_155, %unpack3A_211 : vector<16xf32>
        %add3A_214 = arith.addf %broadcast_in_dim3A_133, %mul3A_213 : vector<16xf32>
        %mul3A_215 = arith.mulf %get3A_158, %unpack3A_212 : vector<16xf32>
        %add3A_216 = arith.addf %add3A_214, %mul3A_215 : vector<16xf32>
        %add3A_217 = arith.constant 0 : i32
        %add3A_218 = arith.addi %mul3A_127, %add3A_217 : i32
        %get3A_219 = arith.index_cast %add3A_218 : i32 to index
        %get3A_220 = arith.constant 16 : index
        %get3A_221 = tpu.vector_load %arg9[%get3A_219, %get3A_220] {strides = array<i32>} : memref<144x128xi32, #tpu.memory_space<vmem>>, vector<16xi32>,
        %bitcast3A_222 = vector.bitcast %get3A_221 : vector<16xi32> to vector<32xbf16>
        %add3A_223 = arith.constant 1 : i32
        %add3A_224 = arith.addi %mul3A_127, %add3A_223 : i32
        %get3A_225 = arith.index_cast %add3A_224 : i32 to index
        %get3A_226 = arith.constant 16 : index
        %get3A_227 = tpu.vector_load %arg9[%get3A_225, %get3A_226] {strides = array<i32>} : memref<144x128xi32, #tpu.memory_space<vmem>>, vector<16xi32>,
        %bitcast3A_228 = vector.bitcast %get3A_227 : vector<16xi32> to vector<32xbf16>
        %add3A_229 = arith.addf %bitcast3A_222, %bitcast3A_228 : vector<32xbf16>
        %add3A_230 = arith.constant 2 : i32
        %add3A_231 = arith.addi %mul3A_127, %add3A_230 : i32
        %get3A_232 = arith.index_cast %add3A_231 : i32 to index
        %get3A_233 = arith.constant 16 : index
        %get3A_234 = tpu.vector_load %arg9[%get3A_232, %get3A_233] {strides = array<i32>} : memref<144x128xi32, #tpu.memory_space<vmem>>, vector<16xi32>,
        %bitcast3A_235 = vector.bitcast %get3A_234 : vector<16xi32> to vector<32xbf16>
        %add3A_236 = arith.addf %add3A_229, %bitcast3A_235 : vector<32xbf16>
        %unpack3A_237 = tpu.unpack_subelements %add3A_236, 0 {pack_format = #tpu.pack_format<interleaved>} : vector<32xbf16> -> vector<16xf32>
        %unpack3A_238 = tpu.unpack_subelements %add3A_236, 1 {pack_format = #tpu.pack_format<interleaved>} : vector<32xbf16> -> vector<16xf32>
        %get3A_239 = arith.index_cast %scan3A_122 : i32 to index
        %get3A_240 = arith.constant 32 : index
        %get3A_241 = tpu.vector_load %arg6[%get3A_239, %get3A_240] {strides = array<i32>} : memref<16x256xf32, #tpu.memory_space<vmem>>, vector<16xf32>,
        %get3A_242 = arith.index_cast %scan3A_122 : i32 to index
        %get3A_243 = arith.constant 48 : index
        %get3A_244 = tpu.vector_load %arg6[%get3A_242, %get3A_243] {strides = array<i32>} : memref<16x256xf32, #tpu.memory_space<vmem>>, vector<16xf32>,
        %mul3A_245 = arith.mulf %get3A_241, %unpack3A_237 : vector<16xf32>
        %add3A_246 = arith.addf %add3A_162, %mul3A_245 : vector<16xf32>
        %mul3A_247 = arith.mulf %get3A_244, %unpack3A_238 : vector<16xf32>
        %add3A_248 = arith.addf %add3A_246, %mul3A_247 : vector<16xf32>
        %add3A_249 = arith.constant 3 : i32
        %add3A_250 = arith.addi %mul3A_127, %add3A_249 : i32
        %get3A_251 = arith.index_cast %add3A_250 : i32 to index
        %get3A_252 = arith.constant 16 : index
        %get3A_253 = tpu.vector_load %arg9[%get3A_251, %get3A_252] {strides = array<i32>} : memref<144x128xi32, #tpu.memory_space<vmem>>, vector<16xi32>,
        %bitcast3A_254 = vector.bitcast %get3A_253 : vector<16xi32> to vector<32xbf16>
        %add3A_255 = arith.addf %add3A_236, %bitcast3A_254 : vector<32xbf16>
        %add3A_256 = arith.constant 4 : i32
        %add3A_257 = arith.addi %mul3A_127, %add3A_256 : i32
        %get3A_258 = arith.index_cast %add3A_257 : i32 to index
        %get3A_259 = arith.constant 16 : index
        %get3A_260 = tpu.vector_load %arg9[%get3A_258, %get3A_259] {strides = array<i32>} : memref<144x128xi32, #tpu.memory_space<vmem>>, vector<16xi32>,
        %bitcast3A_261 = vector.bitcast %get3A_260 : vector<16xi32> to vector<32xbf16>
        %add3A_262 = arith.addf %add3A_255, %bitcast3A_261 : vector<32xbf16>
        %unpack3A_263 = tpu.unpack_subelements %add3A_262, 0 {pack_format = #tpu.pack_format<interleaved>} : vector<32xbf16> -> vector<16xf32>
        %unpack3A_264 = tpu.unpack_subelements %add3A_262, 1 {pack_format = #tpu.pack_format<interleaved>} : vector<32xbf16> -> vector<16xf32>
        %mul3A_265 = arith.mulf %get3A_241, %unpack3A_263 : vector<16xf32>
        %add3A_266 = arith.addf %add3A_182, %mul3A_265 : vector<16xf32>
        %mul3A_267 = arith.mulf %get3A_244, %unpack3A_264 : vector<16xf32>
        %add3A_268 = arith.addf %add3A_266, %mul3A_267 : vector<16xf32>
        %add3A_269 = arith.constant 5 : i32
        %add3A_270 = arith.addi %mul3A_127, %add3A_269 : i32
        %get3A_271 = arith.index_cast %add3A_270 : i32 to index
        %get3A_272 = arith.constant 16 : index
        %get3A_273 = tpu.vector_load %arg9[%get3A_271, %get3A_272] {strides = array<i32>} : memref<144x128xi32, #tpu.memory_space<vmem>>, vector<16xi32>,
        %bitcast3A_274 = vector.bitcast %get3A_273 : vector<16xi32> to vector<32xbf16>
        %add3A_275 = arith.addf %add3A_262, %bitcast3A_274 : vector<32xbf16>
        %add3A_276 = arith.constant 6 : i32
        %add3A_277 = arith.addi %mul3A_127, %add3A_276 : i32
        %get3A_278 = arith.index_cast %add3A_277 : i32 to index
        %get3A_279 = arith.constant 16 : index
        %get3A_280 = tpu.vector_load %arg9[%get3A_278, %get3A_279] {strides = array<i32>} : memref<144x128xi32, #tpu.memory_space<vmem>>, vector<16xi32>,
        %bitcast3A_281 = vector.bitcast %get3A_280 : vector<16xi32> to vector<32xbf16>
        %add3A_282 = arith.addf %add3A_275, %bitcast3A_281 : vector<32xbf16>
        %add3A_283 = arith.constant 7 : i32
        %add3A_284 = arith.addi %mul3A_127, %add3A_283 : i32
        %get3A_285 = arith.index_cast %add3A_284 : i32 to index
        %get3A_286 = arith.constant 16 : index
        %get3A_287 = tpu.vector_load %arg9[%get3A_285, %get3A_286] {strides = array<i32>} : memref<144x128xi32, #tpu.memory_space<vmem>>, vector<16xi32>,
        %bitcast3A_288 = vector.bitcast %get3A_287 : vector<16xi32> to vector<32xbf16>
        %add3A_289 = arith.addf %add3A_282, %bitcast3A_288 : vector<32xbf16>
        %add3A_290 = arith.constant 8 : i32
        %add3A_291 = arith.addi %mul3A_127, %add3A_290 : i32
        %get3A_292 = arith.index_cast %add3A_291 : i32 to index
        %get3A_293 = arith.constant 16 : index
        %get3A_294 = tpu.vector_load %arg9[%get3A_292, %get3A_293] {strides = array<i32>} : memref<144x128xi32, #tpu.memory_space<vmem>>, vector<16xi32>,
        %bitcast3A_295 = vector.bitcast %get3A_294 : vector<16xi32> to vector<32xbf16>
        %add3A_296 = arith.addf %add3A_289, %bitcast3A_295 : vector<32xbf16>
        %unpack3A_297 = tpu.unpack_subelements %add3A_296, 0 {pack_format = #tpu.pack_format<interleaved>} : vector<32xbf16> -> vector<16xf32>
        %unpack3A_298 = tpu.unpack_subelements %add3A_296, 1 {pack_format = #tpu.pack_format<interleaved>} : vector<32xbf16> -> vector<16xf32>
        %mul3A_299 = arith.mulf %get3A_241, %unpack3A_297 : vector<16xf32>
        %add3A_300 = arith.addf %add3A_216, %mul3A_299 : vector<16xf32>
        %mul3A_301 = arith.mulf %get3A_244, %unpack3A_298 : vector<16xf32>
        %add3A_302 = arith.addf %add3A_300, %mul3A_301 : vector<16xf32>
        %add3A_303 = arith.constant 0 : i32
        %add3A_304 = arith.addi %mul3A_127, %add3A_303 : i32
        %get3A_305 = arith.index_cast %add3A_304 : i32 to index
        %get3A_306 = arith.constant 32 : index
        %get3A_307 = tpu.vector_load %arg9[%get3A_305, %get3A_306] {strides = array<i32>} : memref<144x128xi32, #tpu.memory_space<vmem>>, vector<16xi32>,
        %bitcast3A_308 = vector.bitcast %get3A_307 : vector<16xi32> to vector<32xbf16>
        %add3A_309 = arith.constant 1 : i32
        %add3A_310 = arith.addi %mul3A_127, %add3A_309 : i32
        %get3A_311 = arith.index_cast %add3A_310 : i32 to index
        %get3A_312 = arith.constant 32 : index
        %get3A_313 = tpu.vector_load %arg9[%get3A_311, %get3A_312] {strides = array<i32>} : memref<144x128xi32, #tpu.memory_space<vmem>>, vector<16xi32>,
        %bitcast3A_314 = vector.bitcast %get3A_313 : vector<16xi32> to vector<32xbf16>
        %add3A_315 = arith.addf %bitcast3A_308, %bitcast3A_314 : vector<32xbf16>
        %add3A_316 = arith.constant 2 : i32
        %add3A_317 = arith.addi %mul3A_127, %add3A_316 : i32
        %get3A_318 = arith.index_cast %add3A_317 : i32 to index
        %get3A_319 = arith.constant 32 : index
        %get3A_320 = tpu.vector_load %arg9[%get3A_318, %get3A_319] {strides = array<i32>} : memref<144x128xi32, #tpu.memory_space<vmem>>, vector<16xi32>,
        %bitcast3A_321 = vector.bitcast %get3A_320 : vector<16xi32> to vector<32xbf16>
        %add3A_322 = arith.addf %add3A_315, %bitcast3A_321 : vector<32xbf16>
        %unpack3A_323 = tpu.unpack_subelements %add3A_322, 0 {pack_format = #tpu.pack_format<interleaved>} : vector<32xbf16> -> vector<16xf32>
        %unpack3A_324 = tpu.unpack_subelements %add3A_322, 1 {pack_format = #tpu.pack_format<interleaved>} : vector<32xbf16> -> vector<16xf32>
        %get3A_325 = arith.index_cast %scan3A_122 : i32 to index
        %get3A_326 = arith.constant 64 : index
        %get3A_327 = tpu.vector_load %arg6[%get3A_325, %get3A_326] {strides = array<i32>} : memref<16x256xf32, #tpu.memory_space<vmem>>, vector<16xf32>,
        %get3A_328 = arith.index_cast %scan3A_122 : i32 to index
        %get3A_329 = arith.constant 80 : index
        %get3A_330 = tpu.vector_load %arg6[%get3A_328, %get3A_329] {strides = array<i32>} : memref<16x256xf32, #tpu.memory_space<vmem>>, vector<16xf32>,
        %mul3A_331 = arith.mulf %get3A_327, %unpack3A_323 : vector<16xf32>
        %add3A_332 = arith.addf %add3A_248, %mul3A_331 : vector<16xf32>
        %mul3A_333 = arith.mulf %get3A_330, %unpack3A_324 : vector<16xf32>
        %add3A_334 = arith.addf %add3A_332, %mul3A_333 : vector<16xf32>
        %add3A_335 = arith.constant 3 : i32
        %add3A_336 = arith.addi %mul3A_127, %add3A_335 : i32
        %get3A_337 = arith.index_cast %add3A_336 : i32 to index
        %get3A_338 = arith.constant 32 : index
        %get3A_339 = tpu.vector_load %arg9[%get3A_337, %get3A_338] {strides = array<i32>} : memref<144x128xi32, #tpu.memory_space<vmem>>, vector<16xi32>,
        %bitcast3A_340 = vector.bitcast %get3A_339 : vector<16xi32> to vector<32xbf16>
        %add3A_341 = arith.addf %add3A_322, %bitcast3A_340 : vector<32xbf16>
        %add3A_342 = arith.constant 4 : i32
        %add3A_343 = arith.addi %mul3A_127, %add3A_342 : i32
        %get3A_344 = arith.index_cast %add3A_343 : i32 to index
        %get3A_345 = arith.constant 32 : index
        %get3A_346 = tpu.vector_load %arg9[%get3A_344, %get3A_345] {strides = array<i32>} : memref<144x128xi32, #tpu.memory_space<vmem>>, vector<16xi32>,
        %bitcast3A_347 = vector.bitcast %get3A_346 : vector<16xi32> to vector<32xbf16>
        %add3A_348 = arith.addf %add3A_341, %bitcast3A_347 : vector<32xbf16>
        %unpack3A_349 = tpu.unpack_subelements %add3A_348, 0 {pack_format = #tpu.pack_format<interleaved>} : vector<32xbf16> -> vector<16xf32>
        %unpack3A_350 = tpu.unpack_subelements %add3A_348, 1 {pack_format = #tpu.pack_format<interleaved>} : vector<32xbf16> -> vector<16xf32>
        %mul3A_351 = arith.mulf %get3A_327, %unpack3A_349 : vector<16xf32>
        %add3A_352 = arith.addf %add3A_268, %mul3A_351 : vector<16xf32>
        %mul3A_353 = arith.mulf %get3A_330, %unpack3A_350 : vector<16xf32>
        %add3A_354 = arith.addf %add3A_352, %mul3A_353 : vector<16xf32>
        %add3A_355 = arith.constant 5 : i32
        %add3A_356 = arith.addi %mul3A_127, %add3A_355 : i32
        %get3A_357 = arith.index_cast %add3A_356 : i32 to index
        %get3A_358 = arith.constant 32 : index
        %get3A_359 = tpu.vector_load %arg9[%get3A_357, %get3A_358] {strides = array<i32>} : memref<144x128xi32, #tpu.memory_space<vmem>>, vector<16xi32>,
        %bitcast3A_360 = vector.bitcast %get3A_359 : vector<16xi32> to vector<32xbf16>
        %add3A_361 = arith.addf %add3A_348, %bitcast3A_360 : vector<32xbf16>
        %add3A_362 = arith.constant 6 : i32
        %add3A_363 = arith.addi %mul3A_127, %add3A_362 : i32
        %get3A_364 = arith.index_cast %add3A_363 : i32 to index
        %get3A_365 = arith.constant 32 : index
        %get3A_366 = tpu.vector_load %arg9[%get3A_364, %get3A_365] {strides = array<i32>} : memref<144x128xi32, #tpu.memory_space<vmem>>, vector<16xi32>,
        %bitcast3A_367 = vector.bitcast %get3A_366 : vector<16xi32> to vector<32xbf16>
        %add3A_368 = arith.addf %add3A_361, %bitcast3A_367 : vector<32xbf16>
        %add3A_369 = arith.constant 7 : i32
        %add3A_370 = arith.addi %mul3A_127, %add3A_369 : i32
        %get3A_371 = arith.index_cast %add3A_370 : i32 to index
        %get3A_372 = arith.constant 32 : index
        %get3A_373 = tpu.vector_load %arg9[%get3A_371, %get3A_372] {strides = array<i32>} : memref<144x128xi32, #tpu.memory_space<vmem>>, vector<16xi32>,
        %bitcast3A_374 = vector.bitcast %get3A_373 : vector<16xi32> to vector<32xbf16>
        %add3A_375 = arith.addf %add3A_368, %bitcast3A_374 : vector<32xbf16>
        %add3A_376 = arith.constant 8 : i32
        %add3A_377 = arith.addi %mul3A_127, %add3A_376 : i32
        %get3A_378 = arith.index_cast %add3A_377 : i32 to index
        %get3A_379 = arith.constant 32 : index
        %get3A_380 = tpu.vector_load %arg9[%get3A_378, %get3A_379] {strides = array<i32>} : memref<144x128xi32, #tpu.memory_space<vmem>>, vector<16xi32>,
        %bitcast3A_381 = vector.bitcast %get3A_380 : vector<16xi32> to vector<32xbf16>
        %add3A_382 = arith.addf %add3A_375, %bitcast3A_381 : vector<32xbf16>
        %unpack3A_383 = tpu.unpack_subelements %add3A_382, 0 {pack_format = #tpu.pack_format<interleaved>} : vector<32xbf16> -> vector<16xf32>
        %unpack3A_384 = tpu.unpack_subelements %add3A_382, 1 {pack_format = #tpu.pack_format<interleaved>} : vector<32xbf16> -> vector<16xf32>
        %mul3A_385 = arith.mulf %get3A_327, %unpack3A_383 : vector<16xf32>
        %add3A_386 = arith.addf %add3A_302, %mul3A_385 : vector<16xf32>
        %mul3A_387 = arith.mulf %get3A_330, %unpack3A_384 : vector<16xf32>
        %add3A_388 = arith.addf %add3A_386, %mul3A_387 : vector<16xf32>
        %add3A_389 = arith.constant 0 : i32
        %add3A_390 = arith.addi %mul3A_127, %add3A_389 : i32
        %get3A_391 = arith.index_cast %add3A_390 : i32 to index
        %get3A_392 = arith.constant 48 : index
        %get3A_393 = tpu.vector_load %arg9[%get3A_391, %get3A_392] {strides = array<i32>} : memref<144x128xi32, #tpu.memory_space<vmem>>, vector<16xi32>,
        %bitcast3A_394 = vector.bitcast %get3A_393 : vector<16xi32> to vector<32xbf16>
        %add3A_395 = arith.constant 1 : i32
        %add3A_396 = arith.addi %mul3A_127, %add3A_395 : i32
        %get3A_397 = arith.index_cast %add3A_396 : i32 to index
        %get3A_398 = arith.constant 48 : index
        %get3A_399 = tpu.vector_load %arg9[%get3A_397, %get3A_398] {strides = array<i32>} : memref<144x128xi32, #tpu.memory_space<vmem>>, vector<16xi32>,
        %bitcast3A_400 = vector.bitcast %get3A_399 : vector<16xi32> to vector<32xbf16>
        %add3A_401 = arith.addf %bitcast3A_394, %bitcast3A_400 : vector<32xbf16>
        %add3A_402 = arith.constant 2 : i32
        %add3A_403 = arith.addi %mul3A_127, %add3A_402 : i32
        %get3A_404 = arith.index_cast %add3A_403 : i32 to index
        %get3A_405 = arith.constant 48 : index
        %get3A_406 = tpu.vector_load %arg9[%get3A_404, %get3A_405] {strides = array<i32>} : memref<144x128xi32, #tpu.memory_space<vmem>>, vector<16xi32>,
        %bitcast3A_407 = vector.bitcast %get3A_406 : vector<16xi32> to vector<32xbf16>
        %add3A_408 = arith.addf %add3A_401, %bitcast3A_407 : vector<32xbf16>
        %unpack3A_409 = tpu.unpack_subelements %add3A_408, 0 {pack_format = #tpu.pack_format<interleaved>} : vector<32xbf16> -> vector<16xf32>
        %unpack3A_410 = tpu.unpack_subelements %add3A_408, 1 {pack_format = #tpu.pack_format<interleaved>} : vector<32xbf16> -> vector<16xf32>
        %get3A_411 = arith.index_cast %scan3A_122 : i32 to index
        %get3A_412 = arith.constant 96 : index
        %get3A_413 = tpu.vector_load %arg6[%get3A_411, %get3A_412] {strides = array<i32>} : memref<16x256xf32, #tpu.memory_space<vmem>>, vector<16xf32>,
        %get3A_414 = arith.index_cast %scan3A_122 : i32 to index
        %get3A_415 = arith.constant 112 : index
        %get3A_416 = tpu.vector_load %arg6[%get3A_414, %get3A_415] {strides = array<i32>} : memref<16x256xf32, #tpu.memory_space<vmem>>, vector<16xf32>,
        %mul3A_417 = arith.mulf %get3A_413, %unpack3A_409 : vector<16xf32>
        %add3A_418 = arith.addf %add3A_334, %mul3A_417 : vector<16xf32>
        %mul3A_419 = arith.mulf %get3A_416, %unpack3A_410 : vector<16xf32>
        %add3A_420 = arith.addf %add3A_418, %mul3A_419 : vector<16xf32>
        %add3A_421 = arith.constant 3 : i32
        %add3A_422 = arith.addi %mul3A_127, %add3A_421 : i32
        %get3A_423 = arith.index_cast %add3A_422 : i32 to index
        %get3A_424 = arith.constant 48 : index
        %get3A_425 = tpu.vector_load %arg9[%get3A_423, %get3A_424] {strides = array<i32>} : memref<144x128xi32, #tpu.memory_space<vmem>>, vector<16xi32>,
        %bitcast3A_426 = vector.bitcast %get3A_425 : vector<16xi32> to vector<32xbf16>
        %add3A_427 = arith.addf %add3A_408, %bitcast3A_426 : vector<32xbf16>
        %add3A_428 = arith.constant 4 : i32
        %add3A_429 = arith.addi %mul3A_127, %add3A_428 : i32
        %get3A_430 = arith.index_cast %add3A_429 : i32 to index
        %get3A_431 = arith.constant 48 : index
        %get3A_432 = tpu.vector_load %arg9[%get3A_430, %get3A_431] {strides = array<i32>} : memref<144x128xi32, #tpu.memory_space<vmem>>, vector<16xi32>,
        %bitcast3A_433 = vector.bitcast %get3A_432 : vector<16xi32> to vector<32xbf16>
        %add3A_434 = arith.addf %add3A_427, %bitcast3A_433 : vector<32xbf16>
        %unpack3A_435 = tpu.unpack_subelements %add3A_434, 0 {pack_format = #tpu.pack_format<interleaved>} : vector<32xbf16> -> vector<16xf32>
        %unpack3A_436 = tpu.unpack_subelements %add3A_434, 1 {pack_format = #tpu.pack_format<interleaved>} : vector<32xbf16> -> vector<16xf32>
        %mul3A_437 = arith.mulf %get3A_413, %unpack3A_435 : vector<16xf32>
        %add3A_438 = arith.addf %add3A_354, %mul3A_437 : vector<16xf32>
        %mul3A_439 = arith.mulf %get3A_416, %unpack3A_436 : vector<16xf32>
        %add3A_440 = arith.addf %add3A_438, %mul3A_439 : vector<16xf32>
        %add3A_441 = arith.constant 5 : i32
        %add3A_442 = arith.addi %mul3A_127, %add3A_441 : i32
        %get3A_443 = arith.index_cast %add3A_442 : i32 to index
        %get3A_444 = arith.constant 48 : index
        %get3A_445 = tpu.vector_load %arg9[%get3A_443, %get3A_444] {strides = array<i32>} : memref<144x128xi32, #tpu.memory_space<vmem>>, vector<16xi32>,
        %bitcast3A_446 = vector.bitcast %get3A_445 : vector<16xi32> to vector<32xbf16>
        %add3A_447 = arith.addf %add3A_434, %bitcast3A_446 : vector<32xbf16>
        %add3A_448 = arith.constant 6 : i32
        %add3A_449 = arith.addi %mul3A_127, %add3A_448 : i32
        %get3A_450 = arith.index_cast %add3A_449 : i32 to index
        %get3A_451 = arith.constant 48 : index
        %get3A_452 = tpu.vector_load %arg9[%get3A_450, %get3A_451] {strides = array<i32>} : memref<144x128xi32, #tpu.memory_space<vmem>>, vector<16xi32>,
        %bitcast3A_453 = vector.bitcast %get3A_452 : vector<16xi32> to vector<32xbf16>
        %add3A_454 = arith.addf %add3A_447, %bitcast3A_453 : vector<32xbf16>
        %add3A_455 = arith.constant 7 : i32
        %add3A_456 = arith.addi %mul3A_127, %add3A_455 : i32
        %get3A_457 = arith.index_cast %add3A_456 : i32 to index
        %get3A_458 = arith.constant 48 : index
        %get3A_459 = tpu.vector_load %arg9[%get3A_457, %get3A_458] {strides = array<i32>} : memref<144x128xi32, #tpu.memory_space<vmem>>, vector<16xi32>,
        %bitcast3A_460 = vector.bitcast %get3A_459 : vector<16xi32> to vector<32xbf16>
        %add3A_461 = arith.addf %add3A_454, %bitcast3A_460 : vector<32xbf16>
        %add3A_462 = arith.constant 8 : i32
        %add3A_463 = arith.addi %mul3A_127, %add3A_462 : i32
        %get3A_464 = arith.index_cast %add3A_463 : i32 to index
        %get3A_465 = arith.constant 48 : index
        %get3A_466 = tpu.vector_load %arg9[%get3A_464, %get3A_465] {strides = array<i32>} : memref<144x128xi32, #tpu.memory_space<vmem>>, vector<16xi32>,
        %bitcast3A_467 = vector.bitcast %get3A_466 : vector<16xi32> to vector<32xbf16>
        %add3A_468 = arith.addf %add3A_461, %bitcast3A_467 : vector<32xbf16>
        %unpack3A_469 = tpu.unpack_subelements %add3A_468, 0 {pack_format = #tpu.pack_format<interleaved>} : vector<32xbf16> -> vector<16xf32>
        %unpack3A_470 = tpu.unpack_subelements %add3A_468, 1 {pack_format = #tpu.pack_format<interleaved>} : vector<32xbf16> -> vector<16xf32>
        %mul3A_471 = arith.mulf %get3A_413, %unpack3A_469 : vector<16xf32>
        %add3A_472 = arith.addf %add3A_388, %mul3A_471 : vector<16xf32>
        %mul3A_473 = arith.mulf %get3A_416, %unpack3A_470 : vector<16xf32>
        %add3A_474 = arith.addf %add3A_472, %mul3A_473 : vector<16xf32>
        %add3A_475 = arith.constant 0 : i32
        %add3A_476 = arith.addi %mul3A_127, %add3A_475 : i32
        %get3A_477 = arith.index_cast %add3A_476 : i32 to index
        %get3A_478 = arith.constant 64 : index
        %get3A_479 = tpu.vector_load %arg9[%get3A_477, %get3A_478] {strides = array<i32>} : memref<144x128xi32, #tpu.memory_space<vmem>>, vector<16xi32>,
        %bitcast3A_480 = vector.bitcast %get3A_479 : vector<16xi32> to vector<32xbf16>
        %add3A_481 = arith.constant 1 : i32
        %add3A_482 = arith.addi %mul3A_127, %add3A_481 : i32
        %get3A_483 = arith.index_cast %add3A_482 : i32 to index
        %get3A_484 = arith.constant 64 : index
        %get3A_485 = tpu.vector_load %arg9[%get3A_483, %get3A_484] {strides = array<i32>} : memref<144x128xi32, #tpu.memory_space<vmem>>, vector<16xi32>,
        %bitcast3A_486 = vector.bitcast %get3A_485 : vector<16xi32> to vector<32xbf16>
        %add3A_487 = arith.addf %bitcast3A_480, %bitcast3A_486 : vector<32xbf16>
        %add3A_488 = arith.constant 2 : i32
        %add3A_489 = arith.addi %mul3A_127, %add3A_488 : i32
        %get3A_490 = arith.index_cast %add3A_489 : i32 to index
        %get3A_491 = arith.constant 64 : index
        %get3A_492 = tpu.vector_load %arg9[%get3A_490, %get3A_491] {strides = array<i32>} : memref<144x128xi32, #tpu.memory_space<vmem>>, vector<16xi32>,
        %bitcast3A_493 = vector.bitcast %get3A_492 : vector<16xi32> to vector<32xbf16>
        %add3A_494 = arith.addf %add3A_487, %bitcast3A_493 : vector<32xbf16>
        %unpack3A_495 = tpu.unpack_subelements %add3A_494, 0 {pack_format = #tpu.pack_format<interleaved>} : vector<32xbf16> -> vector<16xf32>
        %unpack3A_496 = tpu.unpack_subelements %add3A_494, 1 {pack_format = #tpu.pack_format<interleaved>} : vector<32xbf16> -> vector<16xf32>
        %get3A_497 = arith.index_cast %scan3A_122 : i32 to index
        %get3A_498 = arith.constant 128 : index
        %get3A_499 = tpu.vector_load %arg6[%get3A_497, %get3A_498] {strides = array<i32>} : memref<16x256xf32, #tpu.memory_space<vmem>>, vector<16xf32>,
        %get3A_500 = arith.index_cast %scan3A_122 : i32 to index
        %get3A_501 = arith.constant 144 : index
        %get3A_502 = tpu.vector_load %arg6[%get3A_500, %get3A_501] {strides = array<i32>} : memref<16x256xf32, #tpu.memory_space<vmem>>, vector<16xf32>,
        %mul3A_503 = arith.mulf %get3A_499, %unpack3A_495 : vector<16xf32>
        %add3A_504 = arith.addf %add3A_420, %mul3A_503 : vector<16xf32>
        %mul3A_505 = arith.mulf %get3A_502, %unpack3A_496 : vector<16xf32>
        %add3A_506 = arith.addf %add3A_504, %mul3A_505 : vector<16xf32>
        %add3A_507 = arith.constant 3 : i32
        %add3A_508 = arith.addi %mul3A_127, %add3A_507 : i32
        %get3A_509 = arith.index_cast %add3A_508 : i32 to index
        %get3A_510 = arith.constant 64 : index
        %get3A_511 = tpu.vector_load %arg9[%get3A_509, %get3A_510] {strides = array<i32>} : memref<144x128xi32, #tpu.memory_space<vmem>>, vector<16xi32>,
        %bitcast3A_512 = vector.bitcast %get3A_511 : vector<16xi32> to vector<32xbf16>
        %add3A_513 = arith.addf %add3A_494, %bitcast3A_512 : vector<32xbf16>
        %add3A_514 = arith.constant 4 : i32
        %add3A_515 = arith.addi %mul3A_127, %add3A_514 : i32
        %get3A_516 = arith.index_cast %add3A_515 : i32 to index
        %get3A_517 = arith.constant 64 : index
        %get3A_518 = tpu.vector_load %arg9[%get3A_516, %get3A_517] {strides = array<i32>} : memref<144x128xi32, #tpu.memory_space<vmem>>, vector<16xi32>,
        %bitcast3A_519 = vector.bitcast %get3A_518 : vector<16xi32> to vector<32xbf16>
        %add3A_520 = arith.addf %add3A_513, %bitcast3A_519 : vector<32xbf16>
        %unpack3A_521 = tpu.unpack_subelements %add3A_520, 0 {pack_format = #tpu.pack_format<interleaved>} : vector<32xbf16> -> vector<16xf32>
        %unpack3A_522 = tpu.unpack_subelements %add3A_520, 1 {pack_format = #tpu.pack_format<interleaved>} : vector<32xbf16> -> vector<16xf32>
        %mul3A_523 = arith.mulf %get3A_499, %unpack3A_521 : vector<16xf32>
        %add3A_524 = arith.addf %add3A_440, %mul3A_523 : vector<16xf32>
        %mul3A_525 = arith.mulf %get3A_502, %unpack3A_522 : vector<16xf32>
        %add3A_526 = arith.addf %add3A_524, %mul3A_525 : vector<16xf32>
        %add3A_527 = arith.constant 5 : i32
        %add3A_528 = arith.addi %mul3A_127, %add3A_527 : i32
        %get3A_529 = arith.index_cast %add3A_528 : i32 to index
        %get3A_530 = arith.constant 64 : index
        %get3A_531 = tpu.vector_load %arg9[%get3A_529, %get3A_530] {strides = array<i32>} : memref<144x128xi32, #tpu.memory_space<vmem>>, vector<16xi32>,
        %bitcast3A_532 = vector.bitcast %get3A_531 : vector<16xi32> to vector<32xbf16>
        %add3A_533 = arith.addf %add3A_520, %bitcast3A_532 : vector<32xbf16>
        %add3A_534 = arith.constant 6 : i32
        %add3A_535 = arith.addi %mul3A_127, %add3A_534 : i32
        %get3A_536 = arith.index_cast %add3A_535 : i32 to index
        %get3A_537 = arith.constant 64 : index
        %get3A_538 = tpu.vector_load %arg9[%get3A_536, %get3A_537] {strides = array<i32>} : memref<144x128xi32, #tpu.memory_space<vmem>>, vector<16xi32>,
        %bitcast3A_539 = vector.bitcast %get3A_538 : vector<16xi32> to vector<32xbf16>
        %add3A_540 = arith.addf %add3A_533, %bitcast3A_539 : vector<32xbf16>
        %add3A_541 = arith.constant 7 : i32
        %add3A_542 = arith.addi %mul3A_127, %add3A_541 : i32
        %get3A_543 = arith.index_cast %add3A_542 : i32 to index
        %get3A_544 = arith.constant 64 : index
        %get3A_545 = tpu.vector_load %arg9[%get3A_543, %get3A_544] {strides = array<i32>} : memref<144x128xi32, #tpu.memory_space<vmem>>, vector<16xi32>,
        %bitcast3A_546 = vector.bitcast %get3A_545 : vector<16xi32> to vector<32xbf16>
        %add3A_547 = arith.addf %add3A_540, %bitcast3A_546 : vector<32xbf16>
        %add3A_548 = arith.constant 8 : i32
        %add3A_549 = arith.addi %mul3A_127, %add3A_548 : i32
        %get3A_550 = arith.index_cast %add3A_549 : i32 to index
        %get3A_551 = arith.constant 64 : index
        %get3A_552 = tpu.vector_load %arg9[%get3A_550, %get3A_551] {strides = array<i32>} : memref<144x128xi32, #tpu.memory_space<vmem>>, vector<16xi32>,
        %bitcast3A_553 = vector.bitcast %get3A_552 : vector<16xi32> to vector<32xbf16>
        %add3A_554 = arith.addf %add3A_547, %bitcast3A_553 : vector<32xbf16>
        %unpack3A_555 = tpu.unpack_subelements %add3A_554, 0 {pack_format = #tpu.pack_format<interleaved>} : vector<32xbf16> -> vector<16xf32>
        %unpack3A_556 = tpu.unpack_subelements %add3A_554, 1 {pack_format = #tpu.pack_format<interleaved>} : vector<32xbf16> -> vector<16xf32>
        %mul3A_557 = arith.mulf %get3A_499, %unpack3A_555 : vector<16xf32>
        %add3A_558 = arith.addf %add3A_474, %mul3A_557 : vector<16xf32>
        %mul3A_559 = arith.mulf %get3A_502, %unpack3A_556 : vector<16xf32>
        %add3A_560 = arith.addf %add3A_558, %mul3A_559 : vector<16xf32>
        %add3A_561 = arith.constant 0 : i32
        %add3A_562 = arith.addi %mul3A_127, %add3A_561 : i32
        %get3A_563 = arith.index_cast %add3A_562 : i32 to index
        %get3A_564 = arith.constant 80 : index
        %get3A_565 = tpu.vector_load %arg9[%get3A_563, %get3A_564] {strides = array<i32>} : memref<144x128xi32, #tpu.memory_space<vmem>>, vector<16xi32>,
        %bitcast3A_566 = vector.bitcast %get3A_565 : vector<16xi32> to vector<32xbf16>
        %add3A_567 = arith.constant 1 : i32
        %add3A_568 = arith.addi %mul3A_127, %add3A_567 : i32
        %get3A_569 = arith.index_cast %add3A_568 : i32 to index
        %get3A_570 = arith.constant 80 : index
        %get3A_571 = tpu.vector_load %arg9[%get3A_569, %get3A_570] {strides = array<i32>} : memref<144x128xi32, #tpu.memory_space<vmem>>, vector<16xi32>,
        %bitcast3A_572 = vector.bitcast %get3A_571 : vector<16xi32> to vector<32xbf16>
        %add3A_573 = arith.addf %bitcast3A_566, %bitcast3A_572 : vector<32xbf16>
        %add3A_574 = arith.constant 2 : i32
        %add3A_575 = arith.addi %mul3A_127, %add3A_574 : i32
        %get3A_576 = arith.index_cast %add3A_575 : i32 to index
        %get3A_577 = arith.constant 80 : index
        %get3A_578 = tpu.vector_load %arg9[%get3A_576, %get3A_577] {strides = array<i32>} : memref<144x128xi32, #tpu.memory_space<vmem>>, vector<16xi32>,
        %bitcast3A_579 = vector.bitcast %get3A_578 : vector<16xi32> to vector<32xbf16>
        %add3A_580 = arith.addf %add3A_573, %bitcast3A_579 : vector<32xbf16>
        %unpack3A_581 = tpu.unpack_subelements %add3A_580, 0 {pack_format = #tpu.pack_format<interleaved>} : vector<32xbf16> -> vector<16xf32>
        %unpack3A_582 = tpu.unpack_subelements %add3A_580, 1 {pack_format = #tpu.pack_format<interleaved>} : vector<32xbf16> -> vector<16xf32>
        %get3A_583 = arith.index_cast %scan3A_122 : i32 to index
        %get3A_584 = arith.constant 160 : index
        %get3A_585 = tpu.vector_load %arg6[%get3A_583, %get3A_584] {strides = array<i32>} : memref<16x256xf32, #tpu.memory_space<vmem>>, vector<16xf32>,
        %get3A_586 = arith.index_cast %scan3A_122 : i32 to index
        %get3A_587 = arith.constant 176 : index
        %get3A_588 = tpu.vector_load %arg6[%get3A_586, %get3A_587] {strides = array<i32>} : memref<16x256xf32, #tpu.memory_space<vmem>>, vector<16xf32>,
        %mul3A_589 = arith.mulf %get3A_585, %unpack3A_581 : vector<16xf32>
        %add3A_590 = arith.addf %add3A_506, %mul3A_589 : vector<16xf32>
        %mul3A_591 = arith.mulf %get3A_588, %unpack3A_582 : vector<16xf32>
        %add3A_592 = arith.addf %add3A_590, %mul3A_591 : vector<16xf32>
        %add3A_593 = arith.constant 3 : i32
        %add3A_594 = arith.addi %mul3A_127, %add3A_593 : i32
        %get3A_595 = arith.index_cast %add3A_594 : i32 to index
        %get3A_596 = arith.constant 80 : index
        %get3A_597 = tpu.vector_load %arg9[%get3A_595, %get3A_596] {strides = array<i32>} : memref<144x128xi32, #tpu.memory_space<vmem>>, vector<16xi32>,
        %bitcast3A_598 = vector.bitcast %get3A_597 : vector<16xi32> to vector<32xbf16>
        %add3A_599 = arith.addf %add3A_580, %bitcast3A_598 : vector<32xbf16>
        %add3A_600 = arith.constant 4 : i32
        %add3A_601 = arith.addi %mul3A_127, %add3A_600 : i32
        %get3A_602 = arith.index_cast %add3A_601 : i32 to index
        %get3A_603 = arith.constant 80 : index
        %get3A_604 = tpu.vector_load %arg9[%get3A_602, %get3A_603] {strides = array<i32>} : memref<144x128xi32, #tpu.memory_space<vmem>>, vector<16xi32>,
        %bitcast3A_605 = vector.bitcast %get3A_604 : vector<16xi32> to vector<32xbf16>
        %add3A_606 = arith.addf %add3A_599, %bitcast3A_605 : vector<32xbf16>
        %unpack3A_607 = tpu.unpack_subelements %add3A_606, 0 {pack_format = #tpu.pack_format<interleaved>} : vector<32xbf16> -> vector<16xf32>
        %unpack3A_608 = tpu.unpack_subelements %add3A_606, 1 {pack_format = #tpu.pack_format<interleaved>} : vector<32xbf16> -> vector<16xf32>
        %mul3A_609 = arith.mulf %get3A_585, %unpack3A_607 : vector<16xf32>
        %add3A_610 = arith.addf %add3A_526, %mul3A_609 : vector<16xf32>
        %mul3A_611 = arith.mulf %get3A_588, %unpack3A_608 : vector<16xf32>
        %add3A_612 = arith.addf %add3A_610, %mul3A_611 : vector<16xf32>
        %add3A_613 = arith.constant 5 : i32
        %add3A_614 = arith.addi %mul3A_127, %add3A_613 : i32
        %get3A_615 = arith.index_cast %add3A_614 : i32 to index
        %get3A_616 = arith.constant 80 : index
        %get3A_617 = tpu.vector_load %arg9[%get3A_615, %get3A_616] {strides = array<i32>} : memref<144x128xi32, #tpu.memory_space<vmem>>, vector<16xi32>,
        %bitcast3A_618 = vector.bitcast %get3A_617 : vector<16xi32> to vector<32xbf16>
        %add3A_619 = arith.addf %add3A_606, %bitcast3A_618 : vector<32xbf16>
        %add3A_620 = arith.constant 6 : i32
        %add3A_621 = arith.addi %mul3A_127, %add3A_620 : i32
        %get3A_622 = arith.index_cast %add3A_621 : i32 to index
        %get3A_623 = arith.constant 80 : index
        %get3A_624 = tpu.vector_load %arg9[%get3A_622, %get3A_623] {strides = array<i32>} : memref<144x128xi32, #tpu.memory_space<vmem>>, vector<16xi32>,
        %bitcast3A_625 = vector.bitcast %get3A_624 : vector<16xi32> to vector<32xbf16>
        %add3A_626 = arith.addf %add3A_619, %bitcast3A_625 : vector<32xbf16>
        %add3A_627 = arith.constant 7 : i32
        %add3A_628 = arith.addi %mul3A_127, %add3A_627 : i32
        %get3A_629 = arith.index_cast %add3A_628 : i32 to index
        %get3A_630 = arith.constant 80 : index
        %get3A_631 = tpu.vector_load %arg9[%get3A_629, %get3A_630] {strides = array<i32>} : memref<144x128xi32, #tpu.memory_space<vmem>>, vector<16xi32>,
        %bitcast3A_632 = vector.bitcast %get3A_631 : vector<16xi32> to vector<32xbf16>
        %add3A_633 = arith.addf %add3A_626, %bitcast3A_632 : vector<32xbf16>
        %add3A_634 = arith.constant 8 : i32
        %add3A_635 = arith.addi %mul3A_127, %add3A_634 : i32
        %get3A_636 = arith.index_cast %add3A_635 : i32 to index
        %get3A_637 = arith.constant 80 : index
        %get3A_638 = tpu.vector_load %arg9[%get3A_636, %get3A_637] {strides = array<i32>} : memref<144x128xi32, #tpu.memory_space<vmem>>, vector<16xi32>,
        %bitcast3A_639 = vector.bitcast %get3A_638 : vector<16xi32> to vector<32xbf16>
        %add3A_640 = arith.addf %add3A_633, %bitcast3A_639 : vector<32xbf16>
        %unpack3A_641 = tpu.unpack_subelements %add3A_640, 0 {pack_format = #tpu.pack_format<interleaved>} : vector<32xbf16> -> vector<16xf32>
        %unpack3A_642 = tpu.unpack_subelements %add3A_640, 1 {pack_format = #tpu.pack_format<interleaved>} : vector<32xbf16> -> vector<16xf32>
        %mul3A_643 = arith.mulf %get3A_585, %unpack3A_641 : vector<16xf32>
        %add3A_644 = arith.addf %add3A_560, %mul3A_643 : vector<16xf32>
        %mul3A_645 = arith.mulf %get3A_588, %unpack3A_642 : vector<16xf32>
        %add3A_646 = arith.addf %add3A_644, %mul3A_645 : vector<16xf32>
        %add3A_647 = arith.constant 0 : i32
        %add3A_648 = arith.addi %mul3A_127, %add3A_647 : i32
        %get3A_649 = arith.index_cast %add3A_648 : i32 to index
        %get3A_650 = arith.constant 96 : index
        %get3A_651 = tpu.vector_load %arg9[%get3A_649, %get3A_650] {strides = array<i32>} : memref<144x128xi32, #tpu.memory_space<vmem>>, vector<16xi32>,
        %bitcast3A_652 = vector.bitcast %get3A_651 : vector<16xi32> to vector<32xbf16>
        %add3A_653 = arith.constant 1 : i32
        %add3A_654 = arith.addi %mul3A_127, %add3A_653 : i32
        %get3A_655 = arith.index_cast %add3A_654 : i32 to index
        %get3A_656 = arith.constant 96 : index
        %get3A_657 = tpu.vector_load %arg9[%get3A_655, %get3A_656] {strides = array<i32>} : memref<144x128xi32, #tpu.memory_space<vmem>>, vector<16xi32>,
        %bitcast3A_658 = vector.bitcast %get3A_657 : vector<16xi32> to vector<32xbf16>
        %add3A_659 = arith.addf %bitcast3A_652, %bitcast3A_658 : vector<32xbf16>
        %add3A_660 = arith.constant 2 : i32
        %add3A_661 = arith.addi %mul3A_127, %add3A_660 : i32
        %get3A_662 = arith.index_cast %add3A_661 : i32 to index
        %get3A_663 = arith.constant 96 : index
        %get3A_664 = tpu.vector_load %arg9[%get3A_662, %get3A_663] {strides = array<i32>} : memref<144x128xi32, #tpu.memory_space<vmem>>, vector<16xi32>,
        %bitcast3A_665 = vector.bitcast %get3A_664 : vector<16xi32> to vector<32xbf16>
        %add3A_666 = arith.addf %add3A_659, %bitcast3A_665 : vector<32xbf16>
        %unpack3A_667 = tpu.unpack_subelements %add3A_666, 0 {pack_format = #tpu.pack_format<interleaved>} : vector<32xbf16> -> vector<16xf32>
        %unpack3A_668 = tpu.unpack_subelements %add3A_666, 1 {pack_format = #tpu.pack_format<interleaved>} : vector<32xbf16> -> vector<16xf32>
        %get3A_669 = arith.index_cast %scan3A_122 : i32 to index
        %get3A_670 = arith.constant 192 : index
        %get3A_671 = tpu.vector_load %arg6[%get3A_669, %get3A_670] {strides = array<i32>} : memref<16x256xf32, #tpu.memory_space<vmem>>, vector<16xf32>,
        %get3A_672 = arith.index_cast %scan3A_122 : i32 to index
        %get3A_673 = arith.constant 208 : index
        %get3A_674 = tpu.vector_load %arg6[%get3A_672, %get3A_673] {strides = array<i32>} : memref<16x256xf32, #tpu.memory_space<vmem>>, vector<16xf32>,
        %mul3A_675 = arith.mulf %get3A_671, %unpack3A_667 : vector<16xf32>
        %add3A_676 = arith.addf %add3A_592, %mul3A_675 : vector<16xf32>
        %mul3A_677 = arith.mulf %get3A_674, %unpack3A_668 : vector<16xf32>
        %add3A_678 = arith.addf %add3A_676, %mul3A_677 : vector<16xf32>
        %add3A_679 = arith.constant 3 : i32
        %add3A_680 = arith.addi %mul3A_127, %add3A_679 : i32
        %get3A_681 = arith.index_cast %add3A_680 : i32 to index
        %get3A_682 = arith.constant 96 : index
        %get3A_683 = tpu.vector_load %arg9[%get3A_681, %get3A_682] {strides = array<i32>} : memref<144x128xi32, #tpu.memory_space<vmem>>, vector<16xi32>,
        %bitcast3A_684 = vector.bitcast %get3A_683 : vector<16xi32> to vector<32xbf16>
        %add3A_685 = arith.addf %add3A_666, %bitcast3A_684 : vector<32xbf16>
        %add3A_686 = arith.constant 4 : i32
        %add3A_687 = arith.addi %mul3A_127, %add3A_686 : i32
        %get3A_688 = arith.index_cast %add3A_687 : i32 to index
        %get3A_689 = arith.constant 96 : index
        %get3A_690 = tpu.vector_load %arg9[%get3A_688, %get3A_689] {strides = array<i32>} : memref<144x128xi32, #tpu.memory_space<vmem>>, vector<16xi32>,
        %bitcast3A_691 = vector.bitcast %get3A_690 : vector<16xi32> to vector<32xbf16>
        %add3A_692 = arith.addf %add3A_685, %bitcast3A_691 : vector<32xbf16>
        %unpack3A_693 = tpu.unpack_subelements %add3A_692, 0 {pack_format = #tpu.pack_format<interleaved>} : vector<32xbf16> -> vector<16xf32>
        %unpack3A_694 = tpu.unpack_subelements %add3A_692, 1 {pack_format = #tpu.pack_format<interleaved>} : vector<32xbf16> -> vector<16xf32>
        %mul3A_695 = arith.mulf %get3A_671, %unpack3A_693 : vector<16xf32>
        %add3A_696 = arith.addf %add3A_612, %mul3A_695 : vector<16xf32>
        %mul3A_697 = arith.mulf %get3A_674, %unpack3A_694 : vector<16xf32>
        %add3A_698 = arith.addf %add3A_696, %mul3A_697 : vector<16xf32>
        %add3A_699 = arith.constant 5 : i32
        %add3A_700 = arith.addi %mul3A_127, %add3A_699 : i32
        %get3A_701 = arith.index_cast %add3A_700 : i32 to index
        %get3A_702 = arith.constant 96 : index
        %get3A_703 = tpu.vector_load %arg9[%get3A_701, %get3A_702] {strides = array<i32>} : memref<144x128xi32, #tpu.memory_space<vmem>>, vector<16xi32>,
        %bitcast3A_704 = vector.bitcast %get3A_703 : vector<16xi32> to vector<32xbf16>
        %add3A_705 = arith.addf %add3A_692, %bitcast3A_704 : vector<32xbf16>
        %add3A_706 = arith.constant 6 : i32
        %add3A_707 = arith.addi %mul3A_127, %add3A_706 : i32
        %get3A_708 = arith.index_cast %add3A_707 : i32 to index
        %get3A_709 = arith.constant 96 : index
        %get3A_710 = tpu.vector_load %arg9[%get3A_708, %get3A_709] {strides = array<i32>} : memref<144x128xi32, #tpu.memory_space<vmem>>, vector<16xi32>,
        %bitcast3A_711 = vector.bitcast %get3A_710 : vector<16xi32> to vector<32xbf16>
        %add3A_712 = arith.addf %add3A_705, %bitcast3A_711 : vector<32xbf16>
        %add3A_713 = arith.constant 7 : i32
        %add3A_714 = arith.addi %mul3A_127, %add3A_713 : i32
        %get3A_715 = arith.index_cast %add3A_714 : i32 to index
        %get3A_716 = arith.constant 96 : index
        %get3A_717 = tpu.vector_load %arg9[%get3A_715, %get3A_716] {strides = array<i32>} : memref<144x128xi32, #tpu.memory_space<vmem>>, vector<16xi32>,
        %bitcast3A_718 = vector.bitcast %get3A_717 : vector<16xi32> to vector<32xbf16>
        %add3A_719 = arith.addf %add3A_712, %bitcast3A_718 : vector<32xbf16>
        %add3A_720 = arith.constant 8 : i32
        %add3A_721 = arith.addi %mul3A_127, %add3A_720 : i32
        %get3A_722 = arith.index_cast %add3A_721 : i32 to index
        %get3A_723 = arith.constant 96 : index
        %get3A_724 = tpu.vector_load %arg9[%get3A_722, %get3A_723] {strides = array<i32>} : memref<144x128xi32, #tpu.memory_space<vmem>>, vector<16xi32>,
        %bitcast3A_725 = vector.bitcast %get3A_724 : vector<16xi32> to vector<32xbf16>
        %add3A_726 = arith.addf %add3A_719, %bitcast3A_725 : vector<32xbf16>
        %unpack3A_727 = tpu.unpack_subelements %add3A_726, 0 {pack_format = #tpu.pack_format<interleaved>} : vector<32xbf16> -> vector<16xf32>
        %unpack3A_728 = tpu.unpack_subelements %add3A_726, 1 {pack_format = #tpu.pack_format<interleaved>} : vector<32xbf16> -> vector<16xf32>
        %mul3A_729 = arith.mulf %get3A_671, %unpack3A_727 : vector<16xf32>
        %add3A_730 = arith.addf %add3A_646, %mul3A_729 : vector<16xf32>
        %mul3A_731 = arith.mulf %get3A_674, %unpack3A_728 : vector<16xf32>
        %add3A_732 = arith.addf %add3A_730, %mul3A_731 : vector<16xf32>
        %add3A_733 = arith.constant 0 : i32
        %add3A_734 = arith.addi %mul3A_127, %add3A_733 : i32
        %get3A_735 = arith.index_cast %add3A_734 : i32 to index
        %get3A_736 = arith.constant 112 : index
        %get3A_737 = tpu.vector_load %arg9[%get3A_735, %get3A_736] {strides = array<i32>} : memref<144x128xi32, #tpu.memory_space<vmem>>, vector<16xi32>,
        %bitcast3A_738 = vector.bitcast %get3A_737 : vector<16xi32> to vector<32xbf16>
        %add3A_739 = arith.constant 1 : i32
        %add3A_740 = arith.addi %mul3A_127, %add3A_739 : i32
        %get3A_741 = arith.index_cast %add3A_740 : i32 to index
        %get3A_742 = arith.constant 112 : index
        %get3A_743 = tpu.vector_load %arg9[%get3A_741, %get3A_742] {strides = array<i32>} : memref<144x128xi32, #tpu.memory_space<vmem>>, vector<16xi32>,
        %bitcast3A_744 = vector.bitcast %get3A_743 : vector<16xi32> to vector<32xbf16>
        %add3A_745 = arith.addf %bitcast3A_738, %bitcast3A_744 : vector<32xbf16>
        %add3A_746 = arith.constant 2 : i32
        %add3A_747 = arith.addi %mul3A_127, %add3A_746 : i32
        %get3A_748 = arith.index_cast %add3A_747 : i32 to index
        %get3A_749 = arith.constant 112 : index
        %get3A_750 = tpu.vector_load %arg9[%get3A_748, %get3A_749] {strides = array<i32>} : memref<144x128xi32, #tpu.memory_space<vmem>>, vector<16xi32>,
        %bitcast3A_751 = vector.bitcast %get3A_750 : vector<16xi32> to vector<32xbf16>
        %add3A_752 = arith.addf %add3A_745, %bitcast3A_751 : vector<32xbf16>
        %unpack3A_753 = tpu.unpack_subelements %add3A_752, 0 {pack_format = #tpu.pack_format<interleaved>} : vector<32xbf16> -> vector<16xf32>
        %unpack3A_754 = tpu.unpack_subelements %add3A_752, 1 {pack_format = #tpu.pack_format<interleaved>} : vector<32xbf16> -> vector<16xf32>
        %get3A_755 = arith.index_cast %scan3A_122 : i32 to index
        %get3A_756 = arith.constant 224 : index
        %get3A_757 = tpu.vector_load %arg6[%get3A_755, %get3A_756] {strides = array<i32>} : memref<16x256xf32, #tpu.memory_space<vmem>>, vector<16xf32>,
        %get3A_758 = arith.index_cast %scan3A_122 : i32 to index
        %get3A_759 = arith.constant 240 : index
        %get3A_760 = tpu.vector_load %arg6[%get3A_758, %get3A_759] {strides = array<i32>} : memref<16x256xf32, #tpu.memory_space<vmem>>, vector<16xf32>,
        %mul3A_761 = arith.mulf %get3A_757, %unpack3A_753 : vector<16xf32>
        %add3A_762 = arith.addf %add3A_678, %mul3A_761 : vector<16xf32>
        %mul3A_763 = arith.mulf %get3A_760, %unpack3A_754 : vector<16xf32>
        %add3A_764 = arith.addf %add3A_762, %mul3A_763 : vector<16xf32>
        %add3A_765 = arith.constant 3 : i32
        %add3A_766 = arith.addi %mul3A_127, %add3A_765 : i32
        %get3A_767 = arith.index_cast %add3A_766 : i32 to index
        %get3A_768 = arith.constant 112 : index
        %get3A_769 = tpu.vector_load %arg9[%get3A_767, %get3A_768] {strides = array<i32>} : memref<144x128xi32, #tpu.memory_space<vmem>>, vector<16xi32>,
        %bitcast3A_770 = vector.bitcast %get3A_769 : vector<16xi32> to vector<32xbf16>
        %add3A_771 = arith.addf %add3A_752, %bitcast3A_770 : vector<32xbf16>
        %add3A_772 = arith.constant 4 : i32
        %add3A_773 = arith.addi %mul3A_127, %add3A_772 : i32
        %get3A_774 = arith.index_cast %add3A_773 : i32 to index
        %get3A_775 = arith.constant 112 : index
        %get3A_776 = tpu.vector_load %arg9[%get3A_774, %get3A_775] {strides = array<i32>} : memref<144x128xi32, #tpu.memory_space<vmem>>, vector<16xi32>,
        %bitcast3A_777 = vector.bitcast %get3A_776 : vector<16xi32> to vector<32xbf16>
        %add3A_778 = arith.addf %add3A_771, %bitcast3A_777 : vector<32xbf16>
        %unpack3A_779 = tpu.unpack_subelements %add3A_778, 0 {pack_format = #tpu.pack_format<interleaved>} : vector<32xbf16> -> vector<16xf32>
        %unpack3A_780 = tpu.unpack_subelements %add3A_778, 1 {pack_format = #tpu.pack_format<interleaved>} : vector<32xbf16> -> vector<16xf32>
        %mul3A_781 = arith.mulf %get3A_757, %unpack3A_779 : vector<16xf32>
        %add3A_782 = arith.addf %add3A_698, %mul3A_781 : vector<16xf32>
        %mul3A_783 = arith.mulf %get3A_760, %unpack3A_780 : vector<16xf32>
        %add3A_784 = arith.addf %add3A_782, %mul3A_783 : vector<16xf32>
        %add3A_785 = arith.constant 5 : i32
        %add3A_786 = arith.addi %mul3A_127, %add3A_785 : i32
        %get3A_787 = arith.index_cast %add3A_786 : i32 to index
        %get3A_788 = arith.constant 112 : index
        %get3A_789 = tpu.vector_load %arg9[%get3A_787, %get3A_788] {strides = array<i32>} : memref<144x128xi32, #tpu.memory_space<vmem>>, vector<16xi32>,
        %bitcast3A_790 = vector.bitcast %get3A_789 : vector<16xi32> to vector<32xbf16>
        %add3A_791 = arith.addf %add3A_778, %bitcast3A_790 : vector<32xbf16>
        %add3A_792 = arith.constant 6 : i32
        %add3A_793 = arith.addi %mul3A_127, %add3A_792 : i32
        %get3A_794 = arith.index_cast %add3A_793 : i32 to index
        %get3A_795 = arith.constant 112 : index
        %get3A_796 = tpu.vector_load %arg9[%get3A_794, %get3A_795] {strides = array<i32>} : memref<144x128xi32, #tpu.memory_space<vmem>>, vector<16xi32>,
        %bitcast3A_797 = vector.bitcast %get3A_796 : vector<16xi32> to vector<32xbf16>
        %add3A_798 = arith.addf %add3A_791, %bitcast3A_797 : vector<32xbf16>
        %add3A_799 = arith.constant 7 : i32
        %add3A_800 = arith.addi %mul3A_127, %add3A_799 : i32
        %get3A_801 = arith.index_cast %add3A_800 : i32 to index
        %get3A_802 = arith.constant 112 : index
        %get3A_803 = tpu.vector_load %arg9[%get3A_801, %get3A_802] {strides = array<i32>} : memref<144x128xi32, #tpu.memory_space<vmem>>, vector<16xi32>,
        %bitcast3A_804 = vector.bitcast %get3A_803 : vector<16xi32> to vector<32xbf16>
        %add3A_805 = arith.addf %add3A_798, %bitcast3A_804 : vector<32xbf16>
        %add3A_806 = arith.constant 8 : i32
        %add3A_807 = arith.addi %mul3A_127, %add3A_806 : i32
        %get3A_808 = arith.index_cast %add3A_807 : i32 to index
        %get3A_809 = arith.constant 112 : index
        %get3A_810 = tpu.vector_load %arg9[%get3A_808, %get3A_809] {strides = array<i32>} : memref<144x128xi32, #tpu.memory_space<vmem>>, vector<16xi32>,
        %bitcast3A_811 = vector.bitcast %get3A_810 : vector<16xi32> to vector<32xbf16>
        %add3A_812 = arith.addf %add3A_805, %bitcast3A_811 : vector<32xbf16>
        %unpack3A_813 = tpu.unpack_subelements %add3A_812, 0 {pack_format = #tpu.pack_format<interleaved>} : vector<32xbf16> -> vector<16xf32>
        %unpack3A_814 = tpu.unpack_subelements %add3A_812, 1 {pack_format = #tpu.pack_format<interleaved>} : vector<32xbf16> -> vector<16xf32>
        %mul3A_815 = arith.mulf %get3A_757, %unpack3A_813 : vector<16xf32>
        %add3A_816 = arith.addf %add3A_732, %mul3A_815 : vector<16xf32>
        %mul3A_817 = arith.mulf %get3A_760, %unpack3A_814 : vector<16xf32>
        %add3A_818 = arith.addf %add3A_816, %mul3A_817 : vector<16xf32>
        %eq3A = vector.broadcast %scan3A_122 : i32 to vector<16xi32>
        %eq3A_819 = arith.cmpi eq, %iota3A, %eq3A : vector<16xi32>
        %reduce_sum3A = arith.constant true
        %reduce_sum3A_820 = vector.broadcast %reduce_sum3A : i1 to vector<16xi1>
        %reduce_sum3A_821 = tpu.scan <sum>, %add3A_764 masked %reduce_sum3A_820 : vector<16xf32>, vector<16xi1> -> vector<16xf32>
        %reduce_sum3A_822 = vector.extract %reduce_sum3A_821[15] : f32 from vector<16xf32>
        %broadcast_in_dim3A_823 = vector.broadcast %reduce_sum3A_822 : f32 to vector<16xf32>
        %select_n3A = arith.select %eq3A_819, %broadcast_in_dim3A_823, %scan3A_123 : vector<16xi1>, vector<16xf32>
        %reduce_sum3A_824 = arith.constant true
        %reduce_sum3A_825 = vector.broadcast %reduce_sum3A_824 : i1 to vector<16xi1>
        %reduce_sum3A_826 = tpu.scan <sum>, %add3A_784 masked %reduce_sum3A_825 : vector<16xf32>, vector<16xi1> -> vector<16xf32>
        %reduce_sum3A_827 = vector.extract %reduce_sum3A_826[15] : f32 from vector<16xf32>
        %broadcast_in_dim3A_828 = vector.broadcast %reduce_sum3A_827 : f32 to vector<16xf32>
        %select_n3A_829 = arith.select %eq3A_819, %broadcast_in_dim3A_828, %scan3A_124 : vector<16xi1>, vector<16xf32>
        %reduce_sum3A_830 = arith.constant true
        %reduce_sum3A_831 = vector.broadcast %reduce_sum3A_830 : i1 to vector<16xi1>
        %reduce_sum3A_832 = tpu.scan <sum>, %add3A_818 masked %reduce_sum3A_831 : vector<16xf32>, vector<16xi1> -> vector<16xf32>
        %reduce_sum3A_833 = vector.extract %reduce_sum3A_832[15] : f32 from vector<16xf32>
        %broadcast_in_dim3A_834 = vector.broadcast %reduce_sum3A_833 : f32 to vector<16xf32>
        %select_n3A_835 = arith.select %eq3A_819, %broadcast_in_dim3A_834, %scan3A_125 : vector<16xi1>, vector<16xf32>
        scf.yield %select_n3A, %select_n3A_829, %select_n3A_835 : vector<16xf32>, vector<16xf32>, vector<16xf32>
      }
      %scan3A_51 = arith.constant 16 : i32
      %mul3A_52 = arith.constant 16 : i32
      %mul3A_53 = arith.muli %add3A_26, %mul3A_52 : i32
      %swap3A = arith.constant 0 : i32
      %swap3A_54 = arith.index_cast %swap3A : i32 to index
      %swap3A_55 = arith.index_cast %mul3A_53 : i32 to index
      %swap3A_56 = tpu.vector_load %arg11[%swap3A_54, %swap3A_55] {strides = array<i32>} : memref<3x128xf32, #tpu.memory_space<vmem>>, vector<16xf32>,
      tpu.vector_store %arg11[%swap3A_54, %swap3A_55], %scan3A_50#0 {strides = array<i32>} : memref<3x128xf32, #tpu.memory_space<vmem>>, vector<16xf32>,
      %mul3A_57 = arith.constant 16 : i32
      %mul3A_58 = arith.muli %add3A_26, %mul3A_57 : i32
      %swap3A_59 = arith.constant 1 : i32
      %swap3A_60 = arith.index_cast %swap3A_59 : i32 to index
      %swap3A_61 = arith.index_cast %mul3A_58 : i32 to index
      %swap3A_62 = tpu.vector_load %arg11[%swap3A_60, %swap3A_61] {strides = array<i32>} : memref<3x128xf32, #tpu.memory_space<vmem>>, vector<16xf32>,
      tpu.vector_store %arg11[%swap3A_60, %swap3A_61], %scan3A_50#1 {strides = array<i32>} : memref<3x128xf32, #tpu.memory_space<vmem>>, vector<16xf32>,
      %mul3A_63 = arith.constant 16 : i32
      %mul3A_64 = arith.muli %add3A_26, %mul3A_63 : i32
      %swap3A_65 = arith.constant 2 : i32
      %swap3A_66 = arith.index_cast %swap3A_65 : i32 to index
      %swap3A_67 = arith.index_cast %mul3A_64 : i32 to index
      %swap3A_68 = tpu.vector_load %arg11[%swap3A_66, %swap3A_67] {strides = array<i32>} : memref<3x128xf32, #tpu.memory_space<vmem>>, vector<16xf32>,
      tpu.vector_store %arg11[%swap3A_66, %swap3A_67], %scan3A_50#2 {strides = array<i32>} : memref<3x128xf32, #tpu.memory_space<vmem>>, vector<16xf32>,
      %mul3A_69 = arith.constant 2 : i32
      %mul3A_70 = arith.muli %mul3A_69, %scan3A_21 : i32
      %add3A_71 = arith.constant 1 : i32
      %add3A_72 = arith.addi %mul3A_70, %add3A_71 : i32
      %add3A_73 = arith.constant 1 : i32
      %add3A_74 = arith.addi %add3A_72, %add3A_73 : i32
      %lt3A_75 = arith.constant 8 : i32
      %lt3A_76 = arith.cmpi slt, %add3A_74, %lt3A_75 : i32
      %convert_element_type3A_77 = arith.extui %lt3A_76 : i1 to i32
      %cond3A_78 = arith.constant 0 : i32
      %cond3A_79 = arith.cmpi ne, %convert_element_type3A_77, %cond3A_78 : i32
      scf.if %cond3A_79 {
        %add3A_122 = arith.constant 1 : i32
        %add3A_123 = arith.addi %add3A_72, %add3A_122 : i32
        %mul3A_124 = arith.constant 16 : i32
        %mul3A_125 = arith.muli %add3A_123, %mul3A_124 : i32
        %mul3A_126 = arith.constant 9 : i32
        %mul3A_127 = arith.muli %mul3A_125, %mul3A_126 : i32
        %dma_start3A_128 = tpu.memref_slice %arg8[%mul3A_127] : memref<1152xi32, #tpu.memory_space<vmem>> -> memref<144xi32, #tpu.memory_space<vmem>>
        %dma_start3A_129 = arith.constant 0 : i32
        %dma_start3A_130 = arith.constant 0 : i32
        %dma_start3A_131 = tpu.memref_slice %arg3[%dma_start3A_129, %dma_start3A_130] : memref<4096x128xi32, #tpu.memory_space<hbm>> -> memref<4096x128xi32, #tpu.memory_space<hbm>>
        tpu.enqueue_indirect_dma source(%dma_start3A_131 : memref<4096x128xi32, #tpu.memory_space<hbm>>) target(%arg9 : memref<144x128xi32, #tpu.memory_space<vmem>>) offsets(%dma_start3A_128 : memref<144xi32, #tpu.memory_space<vmem>>) semaphore(%arg12 : memref<!tpu.dma_semaphore, #tpu.memory_space<semaphore_mem>>)
        %mul3A_132 = arith.constant 16 : i32
        %mul3A_133 = arith.muli %add3A_123, %mul3A_132 : i32
        %add3A_134 = arith.addi %mul3A_2, %mul3A_133 : i32
        %dma_start3A_135 = arith.constant 0 : i32
        %dma_start3A_136 = tpu.memref_slice %arg2[%add3A_134, %dma_start3A_135] : memref<4096x256xf32, #tpu.memory_space<hbm>> -> memref<16x256xf32, #tpu.memory_space<hbm>>
        %dma_start3A_137 = arith.constant 0 : i32
        %dma_start3A_138 = tpu.memref_slice %arg2[%add3A_134, %dma_start3A_137] : memref<4096x256xf32, #tpu.memory_space<hbm>> -> memref<16x256xf32, #tpu.memory_space<hbm>>
        tpu.enqueue_dma source(%dma_start3A_138 : memref<16x256xf32, #tpu.memory_space<hbm>>) target(%arg6 : memref<16x256xf32, #tpu.memory_space<vmem>>) target_semaphore(%arg14 : memref<!tpu.dma_semaphore, #tpu.memory_space<semaphore_mem>>)
      } else {
      }
      %mul3A_80 = arith.constant 16 : i32
      %mul3A_81 = arith.muli %add3A_72, %mul3A_80 : i32
      %mul3A_82 = arith.constant 9 : i32
      %mul3A_83 = arith.muli %mul3A_81, %mul3A_82 : i32
      %dma_wait3A_84 = tpu.memref_slice %arg8[%mul3A_83] : memref<1152xi32, #tpu.memory_space<vmem>> -> memref<144xi32, #tpu.memory_space<vmem>>
      %dma_wait3A_85 = arith.constant 0 : i32
      %dma_wait3A_86 = arith.constant 0 : i32
      %dma_wait3A_87 = tpu.memref_slice %arg3[%dma_wait3A_85, %dma_wait3A_86] : memref<4096x128xi32, #tpu.memory_space<hbm>> -> memref<4096x128xi32, #tpu.memory_space<hbm>>
      tpu.wait_indirect_dma semaphore(%arg13 : memref<!tpu.dma_semaphore, #tpu.memory_space<semaphore_mem>>) src(%dma_wait3A_87 : memref<4096x128xi32, #tpu.memory_space<hbm>>) dst(%arg10 : memref<144x128xi32, #tpu.memory_space<vmem>>)
      %mul3A_88 = arith.constant 16 : i32
      %mul3A_89 = arith.muli %add3A_72, %mul3A_88 : i32
      %add3A_90 = arith.addi %mul3A_2, %mul3A_89 : i32
      %dma_wait3A_91 = arith.constant 0 : i32
      %dma_wait3A_92 = tpu.memref_slice %arg2[%add3A_90, %dma_wait3A_91] : memref<4096x256xf32, #tpu.memory_space<hbm>> -> memref<16x256xf32, #tpu.memory_space<hbm>>
      %dma_wait3A_93 = arith.constant 0 : i32
      %dma_wait3A_94 = tpu.memref_slice %arg2[%add3A_90, %dma_wait3A_93] : memref<4096x256xf32, #tpu.memory_space<hbm>> -> memref<16x256xf32, #tpu.memory_space<hbm>>
      tpu.wait_dma2 semaphore(%arg15 : memref<!tpu.dma_semaphore, #tpu.memory_space<semaphore_mem>>) src(%dma_wait3A_94 : memref<16x256xf32, #tpu.memory_space<hbm>>) dst(%arg7 : memref<16x256xf32, #tpu.memory_space<vmem>>)
      %broadcast_in_dim3A_95 = arith.constant 0.000000e+00 : f32
      %broadcast_in_dim3A_96 = vector.broadcast %broadcast_in_dim3A_95 : f32 to vector<16xf32>
      %scan3A_97 = arith.constant 0 : i32
      %scan3A_98 = arith.constant 16 : i32
      %scan3A_99 = arith.addi %scan3A_97, %scan3A_98 : i32
      %scan3A_100 = arith.constant 1 : i32
      %scan3A_101:3 = scf.for %scan3A_122 = %scan3A_97 to %scan3A_99 step %scan3A_100 iter_args(%scan3A_123 = %broadcast_in_dim3A_96, %scan3A_124 = %broadcast_in_dim3A_96, %scan3A_125 = %broadcast_in_dim3A_96) -> (vector<16xf32>, vector<16xf32>, vector<16xf32>)  : i32 {
        %mul3A_126 = arith.constant 9 : i32
        %mul3A_127 = arith.muli %scan3A_122, %mul3A_126 : i32
        %broadcast_in_dim3A_128 = arith.constant 0.000000e+00 : f32
        %broadcast_in_dim3A_129 = vector.broadcast %broadcast_in_dim3A_128 : f32 to vector<16xf32>
        %broadcast_in_dim3A_130 = arith.constant 0.000000e+00 : f32
        %broadcast_in_dim3A_131 = vector.broadcast %broadcast_in_dim3A_130 : f32 to vector<16xf32>
        %broadcast_in_dim3A_132 = arith.constant 0.000000e+00 : f32
        %broadcast_in_dim3A_133 = vector.broadcast %broadcast_in_dim3A_132 : f32 to vector<16xf32>
        %add3A_134 = arith.constant 0 : i32
        %add3A_135 = arith.addi %mul3A_127, %add3A_134 : i32
        %get3A = arith.index_cast %add3A_135 : i32 to index
        %get3A_136 = arith.constant 0 : index
        %get3A_137 = tpu.vector_load %arg10[%get3A, %get3A_136] {strides = array<i32>} : memref<144x128xi32, #tpu.memory_space<vmem>>, vector<16xi32>,
        %bitcast3A = vector.bitcast %get3A_137 : vector<16xi32> to vector<32xbf16>
        %add3A_138 = arith.constant 1 : i32
        %add3A_139 = arith.addi %mul3A_127, %add3A_138 : i32
        %get3A_140 = arith.index_cast %add3A_139 : i32 to index
        %get3A_141 = arith.constant 0 : index
        %get3A_142 = tpu.vector_load %arg10[%get3A_140, %get3A_141] {strides = array<i32>} : memref<144x128xi32, #tpu.memory_space<vmem>>, vector<16xi32>,
        %bitcast3A_143 = vector.bitcast %get3A_142 : vector<16xi32> to vector<32xbf16>
        %add3A_144 = arith.addf %bitcast3A, %bitcast3A_143 : vector<32xbf16>
        %add3A_145 = arith.constant 2 : i32
        %add3A_146 = arith.addi %mul3A_127, %add3A_145 : i32
        %get3A_147 = arith.index_cast %add3A_146 : i32 to index
        %get3A_148 = arith.constant 0 : index
        %get3A_149 = tpu.vector_load %arg10[%get3A_147, %get3A_148] {strides = array<i32>} : memref<144x128xi32, #tpu.memory_space<vmem>>, vector<16xi32>,
        %bitcast3A_150 = vector.bitcast %get3A_149 : vector<16xi32> to vector<32xbf16>
        %add3A_151 = arith.addf %add3A_144, %bitcast3A_150 : vector<32xbf16>
        %unpack3A = tpu.unpack_subelements %add3A_151, 0 {pack_format = #tpu.pack_format<interleaved>} : vector<32xbf16> -> vector<16xf32>
        %unpack3A_152 = tpu.unpack_subelements %add3A_151, 1 {pack_format = #tpu.pack_format<interleaved>} : vector<32xbf16> -> vector<16xf32>
        %get3A_153 = arith.index_cast %scan3A_122 : i32 to index
        %get3A_154 = arith.constant 0 : index
        %get3A_155 = tpu.vector_load %arg7[%get3A_153, %get3A_154] {strides = array<i32>} : memref<16x256xf32, #tpu.memory_space<vmem>>, vector<16xf32>,
        %get3A_156 = arith.index_cast %scan3A_122 : i32 to index
        %get3A_157 = arith.constant 16 : index
        %get3A_158 = tpu.vector_load %arg7[%get3A_156, %get3A_157] {strides = array<i32>} : memref<16x256xf32, #tpu.memory_space<vmem>>, vector<16xf32>,
        %mul3A_159 = arith.mulf %get3A_155, %unpack3A : vector<16xf32>
        %add3A_160 = arith.addf %broadcast_in_dim3A_129, %mul3A_159 : vector<16xf32>
        %mul3A_161 = arith.mulf %get3A_158, %unpack3A_152 : vector<16xf32>
        %add3A_162 = arith.addf %add3A_160, %mul3A_161 : vector<16xf32>
        %add3A_163 = arith.constant 3 : i32
        %add3A_164 = arith.addi %mul3A_127, %add3A_163 : i32
        %get3A_165 = arith.index_cast %add3A_164 : i32 to index
        %get3A_166 = arith.constant 0 : index
        %get3A_167 = tpu.vector_load %arg10[%get3A_165, %get3A_166] {strides = array<i32>} : memref<144x128xi32, #tpu.memory_space<vmem>>, vector<16xi32>,
        %bitcast3A_168 = vector.bitcast %get3A_167 : vector<16xi32> to vector<32xbf16>
        %add3A_169 = arith.addf %add3A_151, %bitcast3A_168 : vector<32xbf16>
        %add3A_170 = arith.constant 4 : i32
        %add3A_171 = arith.addi %mul3A_127, %add3A_170 : i32
        %get3A_172 = arith.index_cast %add3A_171 : i32 to index
        %get3A_173 = arith.constant 0 : index
        %get3A_174 = tpu.vector_load %arg10[%get3A_172, %get3A_173] {strides = array<i32>} : memref<144x128xi32, #tpu.memory_space<vmem>>, vector<16xi32>,
        %bitcast3A_175 = vector.bitcast %get3A_174 : vector<16xi32> to vector<32xbf16>
        %add3A_176 = arith.addf %add3A_169, %bitcast3A_175 : vector<32xbf16>
        %unpack3A_177 = tpu.unpack_subelements %add3A_176, 0 {pack_format = #tpu.pack_format<interleaved>} : vector<32xbf16> -> vector<16xf32>
        %unpack3A_178 = tpu.unpack_subelements %add3A_176, 1 {pack_format = #tpu.pack_format<interleaved>} : vector<32xbf16> -> vector<16xf32>
        %mul3A_179 = arith.mulf %get3A_155, %unpack3A_177 : vector<16xf32>
        %add3A_180 = arith.addf %broadcast_in_dim3A_131, %mul3A_179 : vector<16xf32>
        %mul3A_181 = arith.mulf %get3A_158, %unpack3A_178 : vector<16xf32>
        %add3A_182 = arith.addf %add3A_180, %mul3A_181 : vector<16xf32>
        %add3A_183 = arith.constant 5 : i32
        %add3A_184 = arith.addi %mul3A_127, %add3A_183 : i32
        %get3A_185 = arith.index_cast %add3A_184 : i32 to index
        %get3A_186 = arith.constant 0 : index
        %get3A_187 = tpu.vector_load %arg10[%get3A_185, %get3A_186] {strides = array<i32>} : memref<144x128xi32, #tpu.memory_space<vmem>>, vector<16xi32>,
        %bitcast3A_188 = vector.bitcast %get3A_187 : vector<16xi32> to vector<32xbf16>
        %add3A_189 = arith.addf %add3A_176, %bitcast3A_188 : vector<32xbf16>
        %add3A_190 = arith.constant 6 : i32
        %add3A_191 = arith.addi %mul3A_127, %add3A_190 : i32
        %get3A_192 = arith.index_cast %add3A_191 : i32 to index
        %get3A_193 = arith.constant 0 : index
        %get3A_194 = tpu.vector_load %arg10[%get3A_192, %get3A_193] {strides = array<i32>} : memref<144x128xi32, #tpu.memory_space<vmem>>, vector<16xi32>,
        %bitcast3A_195 = vector.bitcast %get3A_194 : vector<16xi32> to vector<32xbf16>
        %add3A_196 = arith.addf %add3A_189, %bitcast3A_195 : vector<32xbf16>
        %add3A_197 = arith.constant 7 : i32
        %add3A_198 = arith.addi %mul3A_127, %add3A_197 : i32
        %get3A_199 = arith.index_cast %add3A_198 : i32 to index
        %get3A_200 = arith.constant 0 : index
        %get3A_201 = tpu.vector_load %arg10[%get3A_199, %get3A_200] {strides = array<i32>} : memref<144x128xi32, #tpu.memory_space<vmem>>, vector<16xi32>,
        %bitcast3A_202 = vector.bitcast %get3A_201 : vector<16xi32> to vector<32xbf16>
        %add3A_203 = arith.addf %add3A_196, %bitcast3A_202 : vector<32xbf16>
        %add3A_204 = arith.constant 8 : i32
        %add3A_205 = arith.addi %mul3A_127, %add3A_204 : i32
        %get3A_206 = arith.index_cast %add3A_205 : i32 to index
        %get3A_207 = arith.constant 0 : index
        %get3A_208 = tpu.vector_load %arg10[%get3A_206, %get3A_207] {strides = array<i32>} : memref<144x128xi32, #tpu.memory_space<vmem>>, vector<16xi32>,
        %bitcast3A_209 = vector.bitcast %get3A_208 : vector<16xi32> to vector<32xbf16>
        %add3A_210 = arith.addf %add3A_203, %bitcast3A_209 : vector<32xbf16>
        %unpack3A_211 = tpu.unpack_subelements %add3A_210, 0 {pack_format = #tpu.pack_format<interleaved>} : vector<32xbf16> -> vector<16xf32>
        %unpack3A_212 = tpu.unpack_subelements %add3A_210, 1 {pack_format = #tpu.pack_format<interleaved>} : vector<32xbf16> -> vector<16xf32>
        %mul3A_213 = arith.mulf %get3A_155, %unpack3A_211 : vector<16xf32>
        %add3A_214 = arith.addf %broadcast_in_dim3A_133, %mul3A_213 : vector<16xf32>
        %mul3A_215 = arith.mulf %get3A_158, %unpack3A_212 : vector<16xf32>
        %add3A_216 = arith.addf %add3A_214, %mul3A_215 : vector<16xf32>
        %add3A_217 = arith.constant 0 : i32
        %add3A_218 = arith.addi %mul3A_127, %add3A_217 : i32
        %get3A_219 = arith.index_cast %add3A_218 : i32 to index
        %get3A_220 = arith.constant 16 : index
        %get3A_221 = tpu.vector_load %arg10[%get3A_219, %get3A_220] {strides = array<i32>} : memref<144x128xi32, #tpu.memory_space<vmem>>, vector<16xi32>,
        %bitcast3A_222 = vector.bitcast %get3A_221 : vector<16xi32> to vector<32xbf16>
        %add3A_223 = arith.constant 1 : i32
        %add3A_224 = arith.addi %mul3A_127, %add3A_223 : i32
        %get3A_225 = arith.index_cast %add3A_224 : i32 to index
        %get3A_226 = arith.constant 16 : index
        %get3A_227 = tpu.vector_load %arg10[%get3A_225, %get3A_226] {strides = array<i32>} : memref<144x128xi32, #tpu.memory_space<vmem>>, vector<16xi32>,
        %bitcast3A_228 = vector.bitcast %get3A_227 : vector<16xi32> to vector<32xbf16>
        %add3A_229 = arith.addf %bitcast3A_222, %bitcast3A_228 : vector<32xbf16>
        %add3A_230 = arith.constant 2 : i32
        %add3A_231 = arith.addi %mul3A_127, %add3A_230 : i32
        %get3A_232 = arith.index_cast %add3A_231 : i32 to index
        %get3A_233 = arith.constant 16 : index
        %get3A_234 = tpu.vector_load %arg10[%get3A_232, %get3A_233] {strides = array<i32>} : memref<144x128xi32, #tpu.memory_space<vmem>>, vector<16xi32>,
        %bitcast3A_235 = vector.bitcast %get3A_234 : vector<16xi32> to vector<32xbf16>
        %add3A_236 = arith.addf %add3A_229, %bitcast3A_235 : vector<32xbf16>
        %unpack3A_237 = tpu.unpack_subelements %add3A_236, 0 {pack_format = #tpu.pack_format<interleaved>} : vector<32xbf16> -> vector<16xf32>
        %unpack3A_238 = tpu.unpack_subelements %add3A_236, 1 {pack_format = #tpu.pack_format<interleaved>} : vector<32xbf16> -> vector<16xf32>
        %get3A_239 = arith.index_cast %scan3A_122 : i32 to index
        %get3A_240 = arith.constant 32 : index
        %get3A_241 = tpu.vector_load %arg7[%get3A_239, %get3A_240] {strides = array<i32>} : memref<16x256xf32, #tpu.memory_space<vmem>>, vector<16xf32>,
        %get3A_242 = arith.index_cast %scan3A_122 : i32 to index
        %get3A_243 = arith.constant 48 : index
        %get3A_244 = tpu.vector_load %arg7[%get3A_242, %get3A_243] {strides = array<i32>} : memref<16x256xf32, #tpu.memory_space<vmem>>, vector<16xf32>,
        %mul3A_245 = arith.mulf %get3A_241, %unpack3A_237 : vector<16xf32>
        %add3A_246 = arith.addf %add3A_162, %mul3A_245 : vector<16xf32>
        %mul3A_247 = arith.mulf %get3A_244, %unpack3A_238 : vector<16xf32>
        %add3A_248 = arith.addf %add3A_246, %mul3A_247 : vector<16xf32>
        %add3A_249 = arith.constant 3 : i32
        %add3A_250 = arith.addi %mul3A_127, %add3A_249 : i32
        %get3A_251 = arith.index_cast %add3A_250 : i32 to index
        %get3A_252 = arith.constant 16 : index
        %get3A_253 = tpu.vector_load %arg10[%get3A_251, %get3A_252] {strides = array<i32>} : memref<144x128xi32, #tpu.memory_space<vmem>>, vector<16xi32>,
        %bitcast3A_254 = vector.bitcast %get3A_253 : vector<16xi32> to vector<32xbf16>
        %add3A_255 = arith.addf %add3A_236, %bitcast3A_254 : vector<32xbf16>
        %add3A_256 = arith.constant 4 : i32
        %add3A_257 = arith.addi %mul3A_127, %add3A_256 : i32
        %get3A_258 = arith.index_cast %add3A_257 : i32 to index
        %get3A_259 = arith.constant 16 : index
        %get3A_260 = tpu.vector_load %arg10[%get3A_258, %get3A_259] {strides = array<i32>} : memref<144x128xi32, #tpu.memory_space<vmem>>, vector<16xi32>,
        %bitcast3A_261 = vector.bitcast %get3A_260 : vector<16xi32> to vector<32xbf16>
        %add3A_262 = arith.addf %add3A_255, %bitcast3A_261 : vector<32xbf16>
        %unpack3A_263 = tpu.unpack_subelements %add3A_262, 0 {pack_format = #tpu.pack_format<interleaved>} : vector<32xbf16> -> vector<16xf32>
        %unpack3A_264 = tpu.unpack_subelements %add3A_262, 1 {pack_format = #tpu.pack_format<interleaved>} : vector<32xbf16> -> vector<16xf32>
        %mul3A_265 = arith.mulf %get3A_241, %unpack3A_263 : vector<16xf32>
        %add3A_266 = arith.addf %add3A_182, %mul3A_265 : vector<16xf32>
        %mul3A_267 = arith.mulf %get3A_244, %unpack3A_264 : vector<16xf32>
        %add3A_268 = arith.addf %add3A_266, %mul3A_267 : vector<16xf32>
        %add3A_269 = arith.constant 5 : i32
        %add3A_270 = arith.addi %mul3A_127, %add3A_269 : i32
        %get3A_271 = arith.index_cast %add3A_270 : i32 to index
        %get3A_272 = arith.constant 16 : index
        %get3A_273 = tpu.vector_load %arg10[%get3A_271, %get3A_272] {strides = array<i32>} : memref<144x128xi32, #tpu.memory_space<vmem>>, vector<16xi32>,
        %bitcast3A_274 = vector.bitcast %get3A_273 : vector<16xi32> to vector<32xbf16>
        %add3A_275 = arith.addf %add3A_262, %bitcast3A_274 : vector<32xbf16>
        %add3A_276 = arith.constant 6 : i32
        %add3A_277 = arith.addi %mul3A_127, %add3A_276 : i32
        %get3A_278 = arith.index_cast %add3A_277 : i32 to index
        %get3A_279 = arith.constant 16 : index
        %get3A_280 = tpu.vector_load %arg10[%get3A_278, %get3A_279] {strides = array<i32>} : memref<144x128xi32, #tpu.memory_space<vmem>>, vector<16xi32>,
        %bitcast3A_281 = vector.bitcast %get3A_280 : vector<16xi32> to vector<32xbf16>
        %add3A_282 = arith.addf %add3A_275, %bitcast3A_281 : vector<32xbf16>
        %add3A_283 = arith.constant 7 : i32
        %add3A_284 = arith.addi %mul3A_127, %add3A_283 : i32
        %get3A_285 = arith.index_cast %add3A_284 : i32 to index
        %get3A_286 = arith.constant 16 : index
        %get3A_287 = tpu.vector_load %arg10[%get3A_285, %get3A_286] {strides = array<i32>} : memref<144x128xi32, #tpu.memory_space<vmem>>, vector<16xi32>,
        %bitcast3A_288 = vector.bitcast %get3A_287 : vector<16xi32> to vector<32xbf16>
        %add3A_289 = arith.addf %add3A_282, %bitcast3A_288 : vector<32xbf16>
        %add3A_290 = arith.constant 8 : i32
        %add3A_291 = arith.addi %mul3A_127, %add3A_290 : i32
        %get3A_292 = arith.index_cast %add3A_291 : i32 to index
        %get3A_293 = arith.constant 16 : index
        %get3A_294 = tpu.vector_load %arg10[%get3A_292, %get3A_293] {strides = array<i32>} : memref<144x128xi32, #tpu.memory_space<vmem>>, vector<16xi32>,
        %bitcast3A_295 = vector.bitcast %get3A_294 : vector<16xi32> to vector<32xbf16>
        %add3A_296 = arith.addf %add3A_289, %bitcast3A_295 : vector<32xbf16>
        %unpack3A_297 = tpu.unpack_subelements %add3A_296, 0 {pack_format = #tpu.pack_format<interleaved>} : vector<32xbf16> -> vector<16xf32>
        %unpack3A_298 = tpu.unpack_subelements %add3A_296, 1 {pack_format = #tpu.pack_format<interleaved>} : vector<32xbf16> -> vector<16xf32>
        %mul3A_299 = arith.mulf %get3A_241, %unpack3A_297 : vector<16xf32>
        %add3A_300 = arith.addf %add3A_216, %mul3A_299 : vector<16xf32>
        %mul3A_301 = arith.mulf %get3A_244, %unpack3A_298 : vector<16xf32>
        %add3A_302 = arith.addf %add3A_300, %mul3A_301 : vector<16xf32>
        %add3A_303 = arith.constant 0 : i32
        %add3A_304 = arith.addi %mul3A_127, %add3A_303 : i32
        %get3A_305 = arith.index_cast %add3A_304 : i32 to index
        %get3A_306 = arith.constant 32 : index
        %get3A_307 = tpu.vector_load %arg10[%get3A_305, %get3A_306] {strides = array<i32>} : memref<144x128xi32, #tpu.memory_space<vmem>>, vector<16xi32>,
        %bitcast3A_308 = vector.bitcast %get3A_307 : vector<16xi32> to vector<32xbf16>
        %add3A_309 = arith.constant 1 : i32
        %add3A_310 = arith.addi %mul3A_127, %add3A_309 : i32
        %get3A_311 = arith.index_cast %add3A_310 : i32 to index
        %get3A_312 = arith.constant 32 : index
        %get3A_313 = tpu.vector_load %arg10[%get3A_311, %get3A_312] {strides = array<i32>} : memref<144x128xi32, #tpu.memory_space<vmem>>, vector<16xi32>,
        %bitcast3A_314 = vector.bitcast %get3A_313 : vector<16xi32> to vector<32xbf16>
        %add3A_315 = arith.addf %bitcast3A_308, %bitcast3A_314 : vector<32xbf16>
        %add3A_316 = arith.constant 2 : i32
        %add3A_317 = arith.addi %mul3A_127, %add3A_316 : i32
        %get3A_318 = arith.index_cast %add3A_317 : i32 to index
        %get3A_319 = arith.constant 32 : index
        %get3A_320 = tpu.vector_load %arg10[%get3A_318, %get3A_319] {strides = array<i32>} : memref<144x128xi32, #tpu.memory_space<vmem>>, vector<16xi32>,
        %bitcast3A_321 = vector.bitcast %get3A_320 : vector<16xi32> to vector<32xbf16>
        %add3A_322 = arith.addf %add3A_315, %bitcast3A_321 : vector<32xbf16>
        %unpack3A_323 = tpu.unpack_subelements %add3A_322, 0 {pack_format = #tpu.pack_format<interleaved>} : vector<32xbf16> -> vector<16xf32>
        %unpack3A_324 = tpu.unpack_subelements %add3A_322, 1 {pack_format = #tpu.pack_format<interleaved>} : vector<32xbf16> -> vector<16xf32>
        %get3A_325 = arith.index_cast %scan3A_122 : i32 to index
        %get3A_326 = arith.constant 64 : index
        %get3A_327 = tpu.vector_load %arg7[%get3A_325, %get3A_326] {strides = array<i32>} : memref<16x256xf32, #tpu.memory_space<vmem>>, vector<16xf32>,
        %get3A_328 = arith.index_cast %scan3A_122 : i32 to index
        %get3A_329 = arith.constant 80 : index
        %get3A_330 = tpu.vector_load %arg7[%get3A_328, %get3A_329] {strides = array<i32>} : memref<16x256xf32, #tpu.memory_space<vmem>>, vector<16xf32>,
        %mul3A_331 = arith.mulf %get3A_327, %unpack3A_323 : vector<16xf32>
        %add3A_332 = arith.addf %add3A_248, %mul3A_331 : vector<16xf32>
        %mul3A_333 = arith.mulf %get3A_330, %unpack3A_324 : vector<16xf32>
        %add3A_334 = arith.addf %add3A_332, %mul3A_333 : vector<16xf32>
        %add3A_335 = arith.constant 3 : i32
        %add3A_336 = arith.addi %mul3A_127, %add3A_335 : i32
        %get3A_337 = arith.index_cast %add3A_336 : i32 to index
        %get3A_338 = arith.constant 32 : index
        %get3A_339 = tpu.vector_load %arg10[%get3A_337, %get3A_338] {strides = array<i32>} : memref<144x128xi32, #tpu.memory_space<vmem>>, vector<16xi32>,
        %bitcast3A_340 = vector.bitcast %get3A_339 : vector<16xi32> to vector<32xbf16>
        %add3A_341 = arith.addf %add3A_322, %bitcast3A_340 : vector<32xbf16>
        %add3A_342 = arith.constant 4 : i32
        %add3A_343 = arith.addi %mul3A_127, %add3A_342 : i32
        %get3A_344 = arith.index_cast %add3A_343 : i32 to index
        %get3A_345 = arith.constant 32 : index
        %get3A_346 = tpu.vector_load %arg10[%get3A_344, %get3A_345] {strides = array<i32>} : memref<144x128xi32, #tpu.memory_space<vmem>>, vector<16xi32>,
        %bitcast3A_347 = vector.bitcast %get3A_346 : vector<16xi32> to vector<32xbf16>
        %add3A_348 = arith.addf %add3A_341, %bitcast3A_347 : vector<32xbf16>
        %unpack3A_349 = tpu.unpack_subelements %add3A_348, 0 {pack_format = #tpu.pack_format<interleaved>} : vector<32xbf16> -> vector<16xf32>
        %unpack3A_350 = tpu.unpack_subelements %add3A_348, 1 {pack_format = #tpu.pack_format<interleaved>} : vector<32xbf16> -> vector<16xf32>
        %mul3A_351 = arith.mulf %get3A_327, %unpack3A_349 : vector<16xf32>
        %add3A_352 = arith.addf %add3A_268, %mul3A_351 : vector<16xf32>
        %mul3A_353 = arith.mulf %get3A_330, %unpack3A_350 : vector<16xf32>
        %add3A_354 = arith.addf %add3A_352, %mul3A_353 : vector<16xf32>
        %add3A_355 = arith.constant 5 : i32
        %add3A_356 = arith.addi %mul3A_127, %add3A_355 : i32
        %get3A_357 = arith.index_cast %add3A_356 : i32 to index
        %get3A_358 = arith.constant 32 : index
        %get3A_359 = tpu.vector_load %arg10[%get3A_357, %get3A_358] {strides = array<i32>} : memref<144x128xi32, #tpu.memory_space<vmem>>, vector<16xi32>,
        %bitcast3A_360 = vector.bitcast %get3A_359 : vector<16xi32> to vector<32xbf16>
        %add3A_361 = arith.addf %add3A_348, %bitcast3A_360 : vector<32xbf16>
        %add3A_362 = arith.constant 6 : i32
        %add3A_363 = arith.addi %mul3A_127, %add3A_362 : i32
        %get3A_364 = arith.index_cast %add3A_363 : i32 to index
        %get3A_365 = arith.constant 32 : index
        %get3A_366 = tpu.vector_load %arg10[%get3A_364, %get3A_365] {strides = array<i32>} : memref<144x128xi32, #tpu.memory_space<vmem>>, vector<16xi32>,
        %bitcast3A_367 = vector.bitcast %get3A_366 : vector<16xi32> to vector<32xbf16>
        %add3A_368 = arith.addf %add3A_361, %bitcast3A_367 : vector<32xbf16>
        %add3A_369 = arith.constant 7 : i32
        %add3A_370 = arith.addi %mul3A_127, %add3A_369 : i32
        %get3A_371 = arith.index_cast %add3A_370 : i32 to index
        %get3A_372 = arith.constant 32 : index
        %get3A_373 = tpu.vector_load %arg10[%get3A_371, %get3A_372] {strides = array<i32>} : memref<144x128xi32, #tpu.memory_space<vmem>>, vector<16xi32>,
        %bitcast3A_374 = vector.bitcast %get3A_373 : vector<16xi32> to vector<32xbf16>
        %add3A_375 = arith.addf %add3A_368, %bitcast3A_374 : vector<32xbf16>
        %add3A_376 = arith.constant 8 : i32
        %add3A_377 = arith.addi %mul3A_127, %add3A_376 : i32
        %get3A_378 = arith.index_cast %add3A_377 : i32 to index
        %get3A_379 = arith.constant 32 : index
        %get3A_380 = tpu.vector_load %arg10[%get3A_378, %get3A_379] {strides = array<i32>} : memref<144x128xi32, #tpu.memory_space<vmem>>, vector<16xi32>,
        %bitcast3A_381 = vector.bitcast %get3A_380 : vector<16xi32> to vector<32xbf16>
        %add3A_382 = arith.addf %add3A_375, %bitcast3A_381 : vector<32xbf16>
        %unpack3A_383 = tpu.unpack_subelements %add3A_382, 0 {pack_format = #tpu.pack_format<interleaved>} : vector<32xbf16> -> vector<16xf32>
        %unpack3A_384 = tpu.unpack_subelements %add3A_382, 1 {pack_format = #tpu.pack_format<interleaved>} : vector<32xbf16> -> vector<16xf32>
        %mul3A_385 = arith.mulf %get3A_327, %unpack3A_383 : vector<16xf32>
        %add3A_386 = arith.addf %add3A_302, %mul3A_385 : vector<16xf32>
        %mul3A_387 = arith.mulf %get3A_330, %unpack3A_384 : vector<16xf32>
        %add3A_388 = arith.addf %add3A_386, %mul3A_387 : vector<16xf32>
        %add3A_389 = arith.constant 0 : i32
        %add3A_390 = arith.addi %mul3A_127, %add3A_389 : i32
        %get3A_391 = arith.index_cast %add3A_390 : i32 to index
        %get3A_392 = arith.constant 48 : index
        %get3A_393 = tpu.vector_load %arg10[%get3A_391, %get3A_392] {strides = array<i32>} : memref<144x128xi32, #tpu.memory_space<vmem>>, vector<16xi32>,
        %bitcast3A_394 = vector.bitcast %get3A_393 : vector<16xi32> to vector<32xbf16>
        %add3A_395 = arith.constant 1 : i32
        %add3A_396 = arith.addi %mul3A_127, %add3A_395 : i32
        %get3A_397 = arith.index_cast %add3A_396 : i32 to index
        %get3A_398 = arith.constant 48 : index
        %get3A_399 = tpu.vector_load %arg10[%get3A_397, %get3A_398] {strides = array<i32>} : memref<144x128xi32, #tpu.memory_space<vmem>>, vector<16xi32>,
        %bitcast3A_400 = vector.bitcast %get3A_399 : vector<16xi32> to vector<32xbf16>
        %add3A_401 = arith.addf %bitcast3A_394, %bitcast3A_400 : vector<32xbf16>
        %add3A_402 = arith.constant 2 : i32
        %add3A_403 = arith.addi %mul3A_127, %add3A_402 : i32
        %get3A_404 = arith.index_cast %add3A_403 : i32 to index
        %get3A_405 = arith.constant 48 : index
        %get3A_406 = tpu.vector_load %arg10[%get3A_404, %get3A_405] {strides = array<i32>} : memref<144x128xi32, #tpu.memory_space<vmem>>, vector<16xi32>,
        %bitcast3A_407 = vector.bitcast %get3A_406 : vector<16xi32> to vector<32xbf16>
        %add3A_408 = arith.addf %add3A_401, %bitcast3A_407 : vector<32xbf16>
        %unpack3A_409 = tpu.unpack_subelements %add3A_408, 0 {pack_format = #tpu.pack_format<interleaved>} : vector<32xbf16> -> vector<16xf32>
        %unpack3A_410 = tpu.unpack_subelements %add3A_408, 1 {pack_format = #tpu.pack_format<interleaved>} : vector<32xbf16> -> vector<16xf32>
        %get3A_411 = arith.index_cast %scan3A_122 : i32 to index
        %get3A_412 = arith.constant 96 : index
        %get3A_413 = tpu.vector_load %arg7[%get3A_411, %get3A_412] {strides = array<i32>} : memref<16x256xf32, #tpu.memory_space<vmem>>, vector<16xf32>,
        %get3A_414 = arith.index_cast %scan3A_122 : i32 to index
        %get3A_415 = arith.constant 112 : index
        %get3A_416 = tpu.vector_load %arg7[%get3A_414, %get3A_415] {strides = array<i32>} : memref<16x256xf32, #tpu.memory_space<vmem>>, vector<16xf32>,
        %mul3A_417 = arith.mulf %get3A_413, %unpack3A_409 : vector<16xf32>
        %add3A_418 = arith.addf %add3A_334, %mul3A_417 : vector<16xf32>
        %mul3A_419 = arith.mulf %get3A_416, %unpack3A_410 : vector<16xf32>
        %add3A_420 = arith.addf %add3A_418, %mul3A_419 : vector<16xf32>
        %add3A_421 = arith.constant 3 : i32
        %add3A_422 = arith.addi %mul3A_127, %add3A_421 : i32
        %get3A_423 = arith.index_cast %add3A_422 : i32 to index
        %get3A_424 = arith.constant 48 : index
        %get3A_425 = tpu.vector_load %arg10[%get3A_423, %get3A_424] {strides = array<i32>} : memref<144x128xi32, #tpu.memory_space<vmem>>, vector<16xi32>,
        %bitcast3A_426 = vector.bitcast %get3A_425 : vector<16xi32> to vector<32xbf16>
        %add3A_427 = arith.addf %add3A_408, %bitcast3A_426 : vector<32xbf16>
        %add3A_428 = arith.constant 4 : i32
        %add3A_429 = arith.addi %mul3A_127, %add3A_428 : i32
        %get3A_430 = arith.index_cast %add3A_429 : i32 to index
        %get3A_431 = arith.constant 48 : index
        %get3A_432 = tpu.vector_load %arg10[%get3A_430, %get3A_431] {strides = array<i32>} : memref<144x128xi32, #tpu.memory_space<vmem>>, vector<16xi32>,
        %bitcast3A_433 = vector.bitcast %get3A_432 : vector<16xi32> to vector<32xbf16>
        %add3A_434 = arith.addf %add3A_427, %bitcast3A_433 : vector<32xbf16>
        %unpack3A_435 = tpu.unpack_subelements %add3A_434, 0 {pack_format = #tpu.pack_format<interleaved>} : vector<32xbf16> -> vector<16xf32>
        %unpack3A_436 = tpu.unpack_subelements %add3A_434, 1 {pack_format = #tpu.pack_format<interleaved>} : vector<32xbf16> -> vector<16xf32>
        %mul3A_437 = arith.mulf %get3A_413, %unpack3A_435 : vector<16xf32>
        %add3A_438 = arith.addf %add3A_354, %mul3A_437 : vector<16xf32>
        %mul3A_439 = arith.mulf %get3A_416, %unpack3A_436 : vector<16xf32>
        %add3A_440 = arith.addf %add3A_438, %mul3A_439 : vector<16xf32>
        %add3A_441 = arith.constant 5 : i32
        %add3A_442 = arith.addi %mul3A_127, %add3A_441 : i32
        %get3A_443 = arith.index_cast %add3A_442 : i32 to index
        %get3A_444 = arith.constant 48 : index
        %get3A_445 = tpu.vector_load %arg10[%get3A_443, %get3A_444] {strides = array<i32>} : memref<144x128xi32, #tpu.memory_space<vmem>>, vector<16xi32>,
        %bitcast3A_446 = vector.bitcast %get3A_445 : vector<16xi32> to vector<32xbf16>
        %add3A_447 = arith.addf %add3A_434, %bitcast3A_446 : vector<32xbf16>
        %add3A_448 = arith.constant 6 : i32
        %add3A_449 = arith.addi %mul3A_127, %add3A_448 : i32
        %get3A_450 = arith.index_cast %add3A_449 : i32 to index
        %get3A_451 = arith.constant 48 : index
        %get3A_452 = tpu.vector_load %arg10[%get3A_450, %get3A_451] {strides = array<i32>} : memref<144x128xi32, #tpu.memory_space<vmem>>, vector<16xi32>,
        %bitcast3A_453 = vector.bitcast %get3A_452 : vector<16xi32> to vector<32xbf16>
        %add3A_454 = arith.addf %add3A_447, %bitcast3A_453 : vector<32xbf16>
        %add3A_455 = arith.constant 7 : i32
        %add3A_456 = arith.addi %mul3A_127, %add3A_455 : i32
        %get3A_457 = arith.index_cast %add3A_456 : i32 to index
        %get3A_458 = arith.constant 48 : index
        %get3A_459 = tpu.vector_load %arg10[%get3A_457, %get3A_458] {strides = array<i32>} : memref<144x128xi32, #tpu.memory_space<vmem>>, vector<16xi32>,
        %bitcast3A_460 = vector.bitcast %get3A_459 : vector<16xi32> to vector<32xbf16>
        %add3A_461 = arith.addf %add3A_454, %bitcast3A_460 : vector<32xbf16>
        %add3A_462 = arith.constant 8 : i32
        %add3A_463 = arith.addi %mul3A_127, %add3A_462 : i32
        %get3A_464 = arith.index_cast %add3A_463 : i32 to index
        %get3A_465 = arith.constant 48 : index
        %get3A_466 = tpu.vector_load %arg10[%get3A_464, %get3A_465] {strides = array<i32>} : memref<144x128xi32, #tpu.memory_space<vmem>>, vector<16xi32>,
        %bitcast3A_467 = vector.bitcast %get3A_466 : vector<16xi32> to vector<32xbf16>
        %add3A_468 = arith.addf %add3A_461, %bitcast3A_467 : vector<32xbf16>
        %unpack3A_469 = tpu.unpack_subelements %add3A_468, 0 {pack_format = #tpu.pack_format<interleaved>} : vector<32xbf16> -> vector<16xf32>
        %unpack3A_470 = tpu.unpack_subelements %add3A_468, 1 {pack_format = #tpu.pack_format<interleaved>} : vector<32xbf16> -> vector<16xf32>
        %mul3A_471 = arith.mulf %get3A_413, %unpack3A_469 : vector<16xf32>
        %add3A_472 = arith.addf %add3A_388, %mul3A_471 : vector<16xf32>
        %mul3A_473 = arith.mulf %get3A_416, %unpack3A_470 : vector<16xf32>
        %add3A_474 = arith.addf %add3A_472, %mul3A_473 : vector<16xf32>
        %add3A_475 = arith.constant 0 : i32
        %add3A_476 = arith.addi %mul3A_127, %add3A_475 : i32
        %get3A_477 = arith.index_cast %add3A_476 : i32 to index
        %get3A_478 = arith.constant 64 : index
        %get3A_479 = tpu.vector_load %arg10[%get3A_477, %get3A_478] {strides = array<i32>} : memref<144x128xi32, #tpu.memory_space<vmem>>, vector<16xi32>,
        %bitcast3A_480 = vector.bitcast %get3A_479 : vector<16xi32> to vector<32xbf16>
        %add3A_481 = arith.constant 1 : i32
        %add3A_482 = arith.addi %mul3A_127, %add3A_481 : i32
        %get3A_483 = arith.index_cast %add3A_482 : i32 to index
        %get3A_484 = arith.constant 64 : index
        %get3A_485 = tpu.vector_load %arg10[%get3A_483, %get3A_484] {strides = array<i32>} : memref<144x128xi32, #tpu.memory_space<vmem>>, vector<16xi32>,
        %bitcast3A_486 = vector.bitcast %get3A_485 : vector<16xi32> to vector<32xbf16>
        %add3A_487 = arith.addf %bitcast3A_480, %bitcast3A_486 : vector<32xbf16>
        %add3A_488 = arith.constant 2 : i32
        %add3A_489 = arith.addi %mul3A_127, %add3A_488 : i32
        %get3A_490 = arith.index_cast %add3A_489 : i32 to index
        %get3A_491 = arith.constant 64 : index
        %get3A_492 = tpu.vector_load %arg10[%get3A_490, %get3A_491] {strides = array<i32>} : memref<144x128xi32, #tpu.memory_space<vmem>>, vector<16xi32>,
        %bitcast3A_493 = vector.bitcast %get3A_492 : vector<16xi32> to vector<32xbf16>
        %add3A_494 = arith.addf %add3A_487, %bitcast3A_493 : vector<32xbf16>
        %unpack3A_495 = tpu.unpack_subelements %add3A_494, 0 {pack_format = #tpu.pack_format<interleaved>} : vector<32xbf16> -> vector<16xf32>
        %unpack3A_496 = tpu.unpack_subelements %add3A_494, 1 {pack_format = #tpu.pack_format<interleaved>} : vector<32xbf16> -> vector<16xf32>
        %get3A_497 = arith.index_cast %scan3A_122 : i32 to index
        %get3A_498 = arith.constant 128 : index
        %get3A_499 = tpu.vector_load %arg7[%get3A_497, %get3A_498] {strides = array<i32>} : memref<16x256xf32, #tpu.memory_space<vmem>>, vector<16xf32>,
        %get3A_500 = arith.index_cast %scan3A_122 : i32 to index
        %get3A_501 = arith.constant 144 : index
        %get3A_502 = tpu.vector_load %arg7[%get3A_500, %get3A_501] {strides = array<i32>} : memref<16x256xf32, #tpu.memory_space<vmem>>, vector<16xf32>,
        %mul3A_503 = arith.mulf %get3A_499, %unpack3A_495 : vector<16xf32>
        %add3A_504 = arith.addf %add3A_420, %mul3A_503 : vector<16xf32>
        %mul3A_505 = arith.mulf %get3A_502, %unpack3A_496 : vector<16xf32>
        %add3A_506 = arith.addf %add3A_504, %mul3A_505 : vector<16xf32>
        %add3A_507 = arith.constant 3 : i32
        %add3A_508 = arith.addi %mul3A_127, %add3A_507 : i32
        %get3A_509 = arith.index_cast %add3A_508 : i32 to index
        %get3A_510 = arith.constant 64 : index
        %get3A_511 = tpu.vector_load %arg10[%get3A_509, %get3A_510] {strides = array<i32>} : memref<144x128xi32, #tpu.memory_space<vmem>>, vector<16xi32>,
        %bitcast3A_512 = vector.bitcast %get3A_511 : vector<16xi32> to vector<32xbf16>
        %add3A_513 = arith.addf %add3A_494, %bitcast3A_512 : vector<32xbf16>
        %add3A_514 = arith.constant 4 : i32
        %add3A_515 = arith.addi %mul3A_127, %add3A_514 : i32
        %get3A_516 = arith.index_cast %add3A_515 : i32 to index
        %get3A_517 = arith.constant 64 : index
        %get3A_518 = tpu.vector_load %arg10[%get3A_516, %get3A_517] {strides = array<i32>} : memref<144x128xi32, #tpu.memory_space<vmem>>, vector<16xi32>,
        %bitcast3A_519 = vector.bitcast %get3A_518 : vector<16xi32> to vector<32xbf16>
        %add3A_520 = arith.addf %add3A_513, %bitcast3A_519 : vector<32xbf16>
        %unpack3A_521 = tpu.unpack_subelements %add3A_520, 0 {pack_format = #tpu.pack_format<interleaved>} : vector<32xbf16> -> vector<16xf32>
        %unpack3A_522 = tpu.unpack_subelements %add3A_520, 1 {pack_format = #tpu.pack_format<interleaved>} : vector<32xbf16> -> vector<16xf32>
        %mul3A_523 = arith.mulf %get3A_499, %unpack3A_521 : vector<16xf32>
        %add3A_524 = arith.addf %add3A_440, %mul3A_523 : vector<16xf32>
        %mul3A_525 = arith.mulf %get3A_502, %unpack3A_522 : vector<16xf32>
        %add3A_526 = arith.addf %add3A_524, %mul3A_525 : vector<16xf32>
        %add3A_527 = arith.constant 5 : i32
        %add3A_528 = arith.addi %mul3A_127, %add3A_527 : i32
        %get3A_529 = arith.index_cast %add3A_528 : i32 to index
        %get3A_530 = arith.constant 64 : index
        %get3A_531 = tpu.vector_load %arg10[%get3A_529, %get3A_530] {strides = array<i32>} : memref<144x128xi32, #tpu.memory_space<vmem>>, vector<16xi32>,
        %bitcast3A_532 = vector.bitcast %get3A_531 : vector<16xi32> to vector<32xbf16>
        %add3A_533 = arith.addf %add3A_520, %bitcast3A_532 : vector<32xbf16>
        %add3A_534 = arith.constant 6 : i32
        %add3A_535 = arith.addi %mul3A_127, %add3A_534 : i32
        %get3A_536 = arith.index_cast %add3A_535 : i32 to index
        %get3A_537 = arith.constant 64 : index
        %get3A_538 = tpu.vector_load %arg10[%get3A_536, %get3A_537] {strides = array<i32>} : memref<144x128xi32, #tpu.memory_space<vmem>>, vector<16xi32>,
        %bitcast3A_539 = vector.bitcast %get3A_538 : vector<16xi32> to vector<32xbf16>
        %add3A_540 = arith.addf %add3A_533, %bitcast3A_539 : vector<32xbf16>
        %add3A_541 = arith.constant 7 : i32
        %add3A_542 = arith.addi %mul3A_127, %add3A_541 : i32
        %get3A_543 = arith.index_cast %add3A_542 : i32 to index
        %get3A_544 = arith.constant 64 : index
        %get3A_545 = tpu.vector_load %arg10[%get3A_543, %get3A_544] {strides = array<i32>} : memref<144x128xi32, #tpu.memory_space<vmem>>, vector<16xi32>,
        %bitcast3A_546 = vector.bitcast %get3A_545 : vector<16xi32> to vector<32xbf16>
        %add3A_547 = arith.addf %add3A_540, %bitcast3A_546 : vector<32xbf16>
        %add3A_548 = arith.constant 8 : i32
        %add3A_549 = arith.addi %mul3A_127, %add3A_548 : i32
        %get3A_550 = arith.index_cast %add3A_549 : i32 to index
        %get3A_551 = arith.constant 64 : index
        %get3A_552 = tpu.vector_load %arg10[%get3A_550, %get3A_551] {strides = array<i32>} : memref<144x128xi32, #tpu.memory_space<vmem>>, vector<16xi32>,
        %bitcast3A_553 = vector.bitcast %get3A_552 : vector<16xi32> to vector<32xbf16>
        %add3A_554 = arith.addf %add3A_547, %bitcast3A_553 : vector<32xbf16>
        %unpack3A_555 = tpu.unpack_subelements %add3A_554, 0 {pack_format = #tpu.pack_format<interleaved>} : vector<32xbf16> -> vector<16xf32>
        %unpack3A_556 = tpu.unpack_subelements %add3A_554, 1 {pack_format = #tpu.pack_format<interleaved>} : vector<32xbf16> -> vector<16xf32>
        %mul3A_557 = arith.mulf %get3A_499, %unpack3A_555 : vector<16xf32>
        %add3A_558 = arith.addf %add3A_474, %mul3A_557 : vector<16xf32>
        %mul3A_559 = arith.mulf %get3A_502, %unpack3A_556 : vector<16xf32>
        %add3A_560 = arith.addf %add3A_558, %mul3A_559 : vector<16xf32>
        %add3A_561 = arith.constant 0 : i32
        %add3A_562 = arith.addi %mul3A_127, %add3A_561 : i32
        %get3A_563 = arith.index_cast %add3A_562 : i32 to index
        %get3A_564 = arith.constant 80 : index
        %get3A_565 = tpu.vector_load %arg10[%get3A_563, %get3A_564] {strides = array<i32>} : memref<144x128xi32, #tpu.memory_space<vmem>>, vector<16xi32>,
        %bitcast3A_566 = vector.bitcast %get3A_565 : vector<16xi32> to vector<32xbf16>
        %add3A_567 = arith.constant 1 : i32
        %add3A_568 = arith.addi %mul3A_127, %add3A_567 : i32
        %get3A_569 = arith.index_cast %add3A_568 : i32 to index
        %get3A_570 = arith.constant 80 : index
        %get3A_571 = tpu.vector_load %arg10[%get3A_569, %get3A_570] {strides = array<i32>} : memref<144x128xi32, #tpu.memory_space<vmem>>, vector<16xi32>,
        %bitcast3A_572 = vector.bitcast %get3A_571 : vector<16xi32> to vector<32xbf16>
        %add3A_573 = arith.addf %bitcast3A_566, %bitcast3A_572 : vector<32xbf16>
        %add3A_574 = arith.constant 2 : i32
        %add3A_575 = arith.addi %mul3A_127, %add3A_574 : i32
        %get3A_576 = arith.index_cast %add3A_575 : i32 to index
        %get3A_577 = arith.constant 80 : index
        %get3A_578 = tpu.vector_load %arg10[%get3A_576, %get3A_577] {strides = array<i32>} : memref<144x128xi32, #tpu.memory_space<vmem>>, vector<16xi32>,
        %bitcast3A_579 = vector.bitcast %get3A_578 : vector<16xi32> to vector<32xbf16>
        %add3A_580 = arith.addf %add3A_573, %bitcast3A_579 : vector<32xbf16>
        %unpack3A_581 = tpu.unpack_subelements %add3A_580, 0 {pack_format = #tpu.pack_format<interleaved>} : vector<32xbf16> -> vector<16xf32>
        %unpack3A_582 = tpu.unpack_subelements %add3A_580, 1 {pack_format = #tpu.pack_format<interleaved>} : vector<32xbf16> -> vector<16xf32>
        %get3A_583 = arith.index_cast %scan3A_122 : i32 to index
        %get3A_584 = arith.constant 160 : index
        %get3A_585 = tpu.vector_load %arg7[%get3A_583, %get3A_584] {strides = array<i32>} : memref<16x256xf32, #tpu.memory_space<vmem>>, vector<16xf32>,
        %get3A_586 = arith.index_cast %scan3A_122 : i32 to index
        %get3A_587 = arith.constant 176 : index
        %get3A_588 = tpu.vector_load %arg7[%get3A_586, %get3A_587] {strides = array<i32>} : memref<16x256xf32, #tpu.memory_space<vmem>>, vector<16xf32>,
        %mul3A_589 = arith.mulf %get3A_585, %unpack3A_581 : vector<16xf32>
        %add3A_590 = arith.addf %add3A_506, %mul3A_589 : vector<16xf32>
        %mul3A_591 = arith.mulf %get3A_588, %unpack3A_582 : vector<16xf32>
        %add3A_592 = arith.addf %add3A_590, %mul3A_591 : vector<16xf32>
        %add3A_593 = arith.constant 3 : i32
        %add3A_594 = arith.addi %mul3A_127, %add3A_593 : i32
        %get3A_595 = arith.index_cast %add3A_594 : i32 to index
        %get3A_596 = arith.constant 80 : index
        %get3A_597 = tpu.vector_load %arg10[%get3A_595, %get3A_596] {strides = array<i32>} : memref<144x128xi32, #tpu.memory_space<vmem>>, vector<16xi32>,
        %bitcast3A_598 = vector.bitcast %get3A_597 : vector<16xi32> to vector<32xbf16>
        %add3A_599 = arith.addf %add3A_580, %bitcast3A_598 : vector<32xbf16>
        %add3A_600 = arith.constant 4 : i32
        %add3A_601 = arith.addi %mul3A_127, %add3A_600 : i32
        %get3A_602 = arith.index_cast %add3A_601 : i32 to index
        %get3A_603 = arith.constant 80 : index
        %get3A_604 = tpu.vector_load %arg10[%get3A_602, %get3A_603] {strides = array<i32>} : memref<144x128xi32, #tpu.memory_space<vmem>>, vector<16xi32>,
        %bitcast3A_605 = vector.bitcast %get3A_604 : vector<16xi32> to vector<32xbf16>
        %add3A_606 = arith.addf %add3A_599, %bitcast3A_605 : vector<32xbf16>
        %unpack3A_607 = tpu.unpack_subelements %add3A_606, 0 {pack_format = #tpu.pack_format<interleaved>} : vector<32xbf16> -> vector<16xf32>
        %unpack3A_608 = tpu.unpack_subelements %add3A_606, 1 {pack_format = #tpu.pack_format<interleaved>} : vector<32xbf16> -> vector<16xf32>
        %mul3A_609 = arith.mulf %get3A_585, %unpack3A_607 : vector<16xf32>
        %add3A_610 = arith.addf %add3A_526, %mul3A_609 : vector<16xf32>
        %mul3A_611 = arith.mulf %get3A_588, %unpack3A_608 : vector<16xf32>
        %add3A_612 = arith.addf %add3A_610, %mul3A_611 : vector<16xf32>
        %add3A_613 = arith.constant 5 : i32
        %add3A_614 = arith.addi %mul3A_127, %add3A_613 : i32
        %get3A_615 = arith.index_cast %add3A_614 : i32 to index
        %get3A_616 = arith.constant 80 : index
        %get3A_617 = tpu.vector_load %arg10[%get3A_615, %get3A_616] {strides = array<i32>} : memref<144x128xi32, #tpu.memory_space<vmem>>, vector<16xi32>,
        %bitcast3A_618 = vector.bitcast %get3A_617 : vector<16xi32> to vector<32xbf16>
        %add3A_619 = arith.addf %add3A_606, %bitcast3A_618 : vector<32xbf16>
        %add3A_620 = arith.constant 6 : i32
        %add3A_621 = arith.addi %mul3A_127, %add3A_620 : i32
        %get3A_622 = arith.index_cast %add3A_621 : i32 to index
        %get3A_623 = arith.constant 80 : index
        %get3A_624 = tpu.vector_load %arg10[%get3A_622, %get3A_623] {strides = array<i32>} : memref<144x128xi32, #tpu.memory_space<vmem>>, vector<16xi32>,
        %bitcast3A_625 = vector.bitcast %get3A_624 : vector<16xi32> to vector<32xbf16>
        %add3A_626 = arith.addf %add3A_619, %bitcast3A_625 : vector<32xbf16>
        %add3A_627 = arith.constant 7 : i32
        %add3A_628 = arith.addi %mul3A_127, %add3A_627 : i32
        %get3A_629 = arith.index_cast %add3A_628 : i32 to index
        %get3A_630 = arith.constant 80 : index
        %get3A_631 = tpu.vector_load %arg10[%get3A_629, %get3A_630] {strides = array<i32>} : memref<144x128xi32, #tpu.memory_space<vmem>>, vector<16xi32>,
        %bitcast3A_632 = vector.bitcast %get3A_631 : vector<16xi32> to vector<32xbf16>
        %add3A_633 = arith.addf %add3A_626, %bitcast3A_632 : vector<32xbf16>
        %add3A_634 = arith.constant 8 : i32
        %add3A_635 = arith.addi %mul3A_127, %add3A_634 : i32
        %get3A_636 = arith.index_cast %add3A_635 : i32 to index
        %get3A_637 = arith.constant 80 : index
        %get3A_638 = tpu.vector_load %arg10[%get3A_636, %get3A_637] {strides = array<i32>} : memref<144x128xi32, #tpu.memory_space<vmem>>, vector<16xi32>,
        %bitcast3A_639 = vector.bitcast %get3A_638 : vector<16xi32> to vector<32xbf16>
        %add3A_640 = arith.addf %add3A_633, %bitcast3A_639 : vector<32xbf16>
        %unpack3A_641 = tpu.unpack_subelements %add3A_640, 0 {pack_format = #tpu.pack_format<interleaved>} : vector<32xbf16> -> vector<16xf32>
        %unpack3A_642 = tpu.unpack_subelements %add3A_640, 1 {pack_format = #tpu.pack_format<interleaved>} : vector<32xbf16> -> vector<16xf32>
        %mul3A_643 = arith.mulf %get3A_585, %unpack3A_641 : vector<16xf32>
        %add3A_644 = arith.addf %add3A_560, %mul3A_643 : vector<16xf32>
        %mul3A_645 = arith.mulf %get3A_588, %unpack3A_642 : vector<16xf32>
        %add3A_646 = arith.addf %add3A_644, %mul3A_645 : vector<16xf32>
        %add3A_647 = arith.constant 0 : i32
        %add3A_648 = arith.addi %mul3A_127, %add3A_647 : i32
        %get3A_649 = arith.index_cast %add3A_648 : i32 to index
        %get3A_650 = arith.constant 96 : index
        %get3A_651 = tpu.vector_load %arg10[%get3A_649, %get3A_650] {strides = array<i32>} : memref<144x128xi32, #tpu.memory_space<vmem>>, vector<16xi32>,
        %bitcast3A_652 = vector.bitcast %get3A_651 : vector<16xi32> to vector<32xbf16>
        %add3A_653 = arith.constant 1 : i32
        %add3A_654 = arith.addi %mul3A_127, %add3A_653 : i32
        %get3A_655 = arith.index_cast %add3A_654 : i32 to index
        %get3A_656 = arith.constant 96 : index
        %get3A_657 = tpu.vector_load %arg10[%get3A_655, %get3A_656] {strides = array<i32>} : memref<144x128xi32, #tpu.memory_space<vmem>>, vector<16xi32>,
        %bitcast3A_658 = vector.bitcast %get3A_657 : vector<16xi32> to vector<32xbf16>
        %add3A_659 = arith.addf %bitcast3A_652, %bitcast3A_658 : vector<32xbf16>
        %add3A_660 = arith.constant 2 : i32
        %add3A_661 = arith.addi %mul3A_127, %add3A_660 : i32
        %get3A_662 = arith.index_cast %add3A_661 : i32 to index
        %get3A_663 = arith.constant 96 : index
        %get3A_664 = tpu.vector_load %arg10[%get3A_662, %get3A_663] {strides = array<i32>} : memref<144x128xi32, #tpu.memory_space<vmem>>, vector<16xi32>,
        %bitcast3A_665 = vector.bitcast %get3A_664 : vector<16xi32> to vector<32xbf16>
        %add3A_666 = arith.addf %add3A_659, %bitcast3A_665 : vector<32xbf16>
        %unpack3A_667 = tpu.unpack_subelements %add3A_666, 0 {pack_format = #tpu.pack_format<interleaved>} : vector<32xbf16> -> vector<16xf32>
        %unpack3A_668 = tpu.unpack_subelements %add3A_666, 1 {pack_format = #tpu.pack_format<interleaved>} : vector<32xbf16> -> vector<16xf32>
        %get3A_669 = arith.index_cast %scan3A_122 : i32 to index
        %get3A_670 = arith.constant 192 : index
        %get3A_671 = tpu.vector_load %arg7[%get3A_669, %get3A_670] {strides = array<i32>} : memref<16x256xf32, #tpu.memory_space<vmem>>, vector<16xf32>,
        %get3A_672 = arith.index_cast %scan3A_122 : i32 to index
        %get3A_673 = arith.constant 208 : index
        %get3A_674 = tpu.vector_load %arg7[%get3A_672, %get3A_673] {strides = array<i32>} : memref<16x256xf32, #tpu.memory_space<vmem>>, vector<16xf32>,
        %mul3A_675 = arith.mulf %get3A_671, %unpack3A_667 : vector<16xf32>
        %add3A_676 = arith.addf %add3A_592, %mul3A_675 : vector<16xf32>
        %mul3A_677 = arith.mulf %get3A_674, %unpack3A_668 : vector<16xf32>
        %add3A_678 = arith.addf %add3A_676, %mul3A_677 : vector<16xf32>
        %add3A_679 = arith.constant 3 : i32
        %add3A_680 = arith.addi %mul3A_127, %add3A_679 : i32
        %get3A_681 = arith.index_cast %add3A_680 : i32 to index
        %get3A_682 = arith.constant 96 : index
        %get3A_683 = tpu.vector_load %arg10[%get3A_681, %get3A_682] {strides = array<i32>} : memref<144x128xi32, #tpu.memory_space<vmem>>, vector<16xi32>,
        %bitcast3A_684 = vector.bitcast %get3A_683 : vector<16xi32> to vector<32xbf16>
        %add3A_685 = arith.addf %add3A_666, %bitcast3A_684 : vector<32xbf16>
        %add3A_686 = arith.constant 4 : i32
        %add3A_687 = arith.addi %mul3A_127, %add3A_686 : i32
        %get3A_688 = arith.index_cast %add3A_687 : i32 to index
        %get3A_689 = arith.constant 96 : index
        %get3A_690 = tpu.vector_load %arg10[%get3A_688, %get3A_689] {strides = array<i32>} : memref<144x128xi32, #tpu.memory_space<vmem>>, vector<16xi32>,
        %bitcast3A_691 = vector.bitcast %get3A_690 : vector<16xi32> to vector<32xbf16>
        %add3A_692 = arith.addf %add3A_685, %bitcast3A_691 : vector<32xbf16>
        %unpack3A_693 = tpu.unpack_subelements %add3A_692, 0 {pack_format = #tpu.pack_format<interleaved>} : vector<32xbf16> -> vector<16xf32>
        %unpack3A_694 = tpu.unpack_subelements %add3A_692, 1 {pack_format = #tpu.pack_format<interleaved>} : vector<32xbf16> -> vector<16xf32>
        %mul3A_695 = arith.mulf %get3A_671, %unpack3A_693 : vector<16xf32>
        %add3A_696 = arith.addf %add3A_612, %mul3A_695 : vector<16xf32>
        %mul3A_697 = arith.mulf %get3A_674, %unpack3A_694 : vector<16xf32>
        %add3A_698 = arith.addf %add3A_696, %mul3A_697 : vector<16xf32>
        %add3A_699 = arith.constant 5 : i32
        %add3A_700 = arith.addi %mul3A_127, %add3A_699 : i32
        %get3A_701 = arith.index_cast %add3A_700 : i32 to index
        %get3A_702 = arith.constant 96 : index
        %get3A_703 = tpu.vector_load %arg10[%get3A_701, %get3A_702] {strides = array<i32>} : memref<144x128xi32, #tpu.memory_space<vmem>>, vector<16xi32>,
        %bitcast3A_704 = vector.bitcast %get3A_703 : vector<16xi32> to vector<32xbf16>
        %add3A_705 = arith.addf %add3A_692, %bitcast3A_704 : vector<32xbf16>
        %add3A_706 = arith.constant 6 : i32
        %add3A_707 = arith.addi %mul3A_127, %add3A_706 : i32
        %get3A_708 = arith.index_cast %add3A_707 : i32 to index
        %get3A_709 = arith.constant 96 : index
        %get3A_710 = tpu.vector_load %arg10[%get3A_708, %get3A_709] {strides = array<i32>} : memref<144x128xi32, #tpu.memory_space<vmem>>, vector<16xi32>,
        %bitcast3A_711 = vector.bitcast %get3A_710 : vector<16xi32> to vector<32xbf16>
        %add3A_712 = arith.addf %add3A_705, %bitcast3A_711 : vector<32xbf16>
        %add3A_713 = arith.constant 7 : i32
        %add3A_714 = arith.addi %mul3A_127, %add3A_713 : i32
        %get3A_715 = arith.index_cast %add3A_714 : i32 to index
        %get3A_716 = arith.constant 96 : index
        %get3A_717 = tpu.vector_load %arg10[%get3A_715, %get3A_716] {strides = array<i32>} : memref<144x128xi32, #tpu.memory_space<vmem>>, vector<16xi32>,
        %bitcast3A_718 = vector.bitcast %get3A_717 : vector<16xi32> to vector<32xbf16>
        %add3A_719 = arith.addf %add3A_712, %bitcast3A_718 : vector<32xbf16>
        %add3A_720 = arith.constant 8 : i32
        %add3A_721 = arith.addi %mul3A_127, %add3A_720 : i32
        %get3A_722 = arith.index_cast %add3A_721 : i32 to index
        %get3A_723 = arith.constant 96 : index
        %get3A_724 = tpu.vector_load %arg10[%get3A_722, %get3A_723] {strides = array<i32>} : memref<144x128xi32, #tpu.memory_space<vmem>>, vector<16xi32>,
        %bitcast3A_725 = vector.bitcast %get3A_724 : vector<16xi32> to vector<32xbf16>
        %add3A_726 = arith.addf %add3A_719, %bitcast3A_725 : vector<32xbf16>
        %unpack3A_727 = tpu.unpack_subelements %add3A_726, 0 {pack_format = #tpu.pack_format<interleaved>} : vector<32xbf16> -> vector<16xf32>
        %unpack3A_728 = tpu.unpack_subelements %add3A_726, 1 {pack_format = #tpu.pack_format<interleaved>} : vector<32xbf16> -> vector<16xf32>
        %mul3A_729 = arith.mulf %get3A_671, %unpack3A_727 : vector<16xf32>
        %add3A_730 = arith.addf %add3A_646, %mul3A_729 : vector<16xf32>
        %mul3A_731 = arith.mulf %get3A_674, %unpack3A_728 : vector<16xf32>
        %add3A_732 = arith.addf %add3A_730, %mul3A_731 : vector<16xf32>
        %add3A_733 = arith.constant 0 : i32
        %add3A_734 = arith.addi %mul3A_127, %add3A_733 : i32
        %get3A_735 = arith.index_cast %add3A_734 : i32 to index
        %get3A_736 = arith.constant 112 : index
        %get3A_737 = tpu.vector_load %arg10[%get3A_735, %get3A_736] {strides = array<i32>} : memref<144x128xi32, #tpu.memory_space<vmem>>, vector<16xi32>,
        %bitcast3A_738 = vector.bitcast %get3A_737 : vector<16xi32> to vector<32xbf16>
        %add3A_739 = arith.constant 1 : i32
        %add3A_740 = arith.addi %mul3A_127, %add3A_739 : i32
        %get3A_741 = arith.index_cast %add3A_740 : i32 to index
        %get3A_742 = arith.constant 112 : index
        %get3A_743 = tpu.vector_load %arg10[%get3A_741, %get3A_742] {strides = array<i32>} : memref<144x128xi32, #tpu.memory_space<vmem>>, vector<16xi32>,
        %bitcast3A_744 = vector.bitcast %get3A_743 : vector<16xi32> to vector<32xbf16>
        %add3A_745 = arith.addf %bitcast3A_738, %bitcast3A_744 : vector<32xbf16>
        %add3A_746 = arith.constant 2 : i32
        %add3A_747 = arith.addi %mul3A_127, %add3A_746 : i32
        %get3A_748 = arith.index_cast %add3A_747 : i32 to index
        %get3A_749 = arith.constant 112 : index
        %get3A_750 = tpu.vector_load %arg10[%get3A_748, %get3A_749] {strides = array<i32>} : memref<144x128xi32, #tpu.memory_space<vmem>>, vector<16xi32>,
        %bitcast3A_751 = vector.bitcast %get3A_750 : vector<16xi32> to vector<32xbf16>
        %add3A_752 = arith.addf %add3A_745, %bitcast3A_751 : vector<32xbf16>
        %unpack3A_753 = tpu.unpack_subelements %add3A_752, 0 {pack_format = #tpu.pack_format<interleaved>} : vector<32xbf16> -> vector<16xf32>
        %unpack3A_754 = tpu.unpack_subelements %add3A_752, 1 {pack_format = #tpu.pack_format<interleaved>} : vector<32xbf16> -> vector<16xf32>
        %get3A_755 = arith.index_cast %scan3A_122 : i32 to index
        %get3A_756 = arith.constant 224 : index
        %get3A_757 = tpu.vector_load %arg7[%get3A_755, %get3A_756] {strides = array<i32>} : memref<16x256xf32, #tpu.memory_space<vmem>>, vector<16xf32>,
        %get3A_758 = arith.index_cast %scan3A_122 : i32 to index
        %get3A_759 = arith.constant 240 : index
        %get3A_760 = tpu.vector_load %arg7[%get3A_758, %get3A_759] {strides = array<i32>} : memref<16x256xf32, #tpu.memory_space<vmem>>, vector<16xf32>,
        %mul3A_761 = arith.mulf %get3A_757, %unpack3A_753 : vector<16xf32>
        %add3A_762 = arith.addf %add3A_678, %mul3A_761 : vector<16xf32>
        %mul3A_763 = arith.mulf %get3A_760, %unpack3A_754 : vector<16xf32>
        %add3A_764 = arith.addf %add3A_762, %mul3A_763 : vector<16xf32>
        %add3A_765 = arith.constant 3 : i32
        %add3A_766 = arith.addi %mul3A_127, %add3A_765 : i32
        %get3A_767 = arith.index_cast %add3A_766 : i32 to index
        %get3A_768 = arith.constant 112 : index
        %get3A_769 = tpu.vector_load %arg10[%get3A_767, %get3A_768] {strides = array<i32>} : memref<144x128xi32, #tpu.memory_space<vmem>>, vector<16xi32>,
        %bitcast3A_770 = vector.bitcast %get3A_769 : vector<16xi32> to vector<32xbf16>
        %add3A_771 = arith.addf %add3A_752, %bitcast3A_770 : vector<32xbf16>
        %add3A_772 = arith.constant 4 : i32
        %add3A_773 = arith.addi %mul3A_127, %add3A_772 : i32
        %get3A_774 = arith.index_cast %add3A_773 : i32 to index
        %get3A_775 = arith.constant 112 : index
        %get3A_776 = tpu.vector_load %arg10[%get3A_774, %get3A_775] {strides = array<i32>} : memref<144x128xi32, #tpu.memory_space<vmem>>, vector<16xi32>,
        %bitcast3A_777 = vector.bitcast %get3A_776 : vector<16xi32> to vector<32xbf16>
        %add3A_778 = arith.addf %add3A_771, %bitcast3A_777 : vector<32xbf16>
        %unpack3A_779 = tpu.unpack_subelements %add3A_778, 0 {pack_format = #tpu.pack_format<interleaved>} : vector<32xbf16> -> vector<16xf32>
        %unpack3A_780 = tpu.unpack_subelements %add3A_778, 1 {pack_format = #tpu.pack_format<interleaved>} : vector<32xbf16> -> vector<16xf32>
        %mul3A_781 = arith.mulf %get3A_757, %unpack3A_779 : vector<16xf32>
        %add3A_782 = arith.addf %add3A_698, %mul3A_781 : vector<16xf32>
        %mul3A_783 = arith.mulf %get3A_760, %unpack3A_780 : vector<16xf32>
        %add3A_784 = arith.addf %add3A_782, %mul3A_783 : vector<16xf32>
        %add3A_785 = arith.constant 5 : i32
        %add3A_786 = arith.addi %mul3A_127, %add3A_785 : i32
        %get3A_787 = arith.index_cast %add3A_786 : i32 to index
        %get3A_788 = arith.constant 112 : index
        %get3A_789 = tpu.vector_load %arg10[%get3A_787, %get3A_788] {strides = array<i32>} : memref<144x128xi32, #tpu.memory_space<vmem>>, vector<16xi32>,
        %bitcast3A_790 = vector.bitcast %get3A_789 : vector<16xi32> to vector<32xbf16>
        %add3A_791 = arith.addf %add3A_778, %bitcast3A_790 : vector<32xbf16>
        %add3A_792 = arith.constant 6 : i32
        %add3A_793 = arith.addi %mul3A_127, %add3A_792 : i32
        %get3A_794 = arith.index_cast %add3A_793 : i32 to index
        %get3A_795 = arith.constant 112 : index
        %get3A_796 = tpu.vector_load %arg10[%get3A_794, %get3A_795] {strides = array<i32>} : memref<144x128xi32, #tpu.memory_space<vmem>>, vector<16xi32>,
        %bitcast3A_797 = vector.bitcast %get3A_796 : vector<16xi32> to vector<32xbf16>
        %add3A_798 = arith.addf %add3A_791, %bitcast3A_797 : vector<32xbf16>
        %add3A_799 = arith.constant 7 : i32
        %add3A_800 = arith.addi %mul3A_127, %add3A_799 : i32
        %get3A_801 = arith.index_cast %add3A_800 : i32 to index
        %get3A_802 = arith.constant 112 : index
        %get3A_803 = tpu.vector_load %arg10[%get3A_801, %get3A_802] {strides = array<i32>} : memref<144x128xi32, #tpu.memory_space<vmem>>, vector<16xi32>,
        %bitcast3A_804 = vector.bitcast %get3A_803 : vector<16xi32> to vector<32xbf16>
        %add3A_805 = arith.addf %add3A_798, %bitcast3A_804 : vector<32xbf16>
        %add3A_806 = arith.constant 8 : i32
        %add3A_807 = arith.addi %mul3A_127, %add3A_806 : i32
        %get3A_808 = arith.index_cast %add3A_807 : i32 to index
        %get3A_809 = arith.constant 112 : index
        %get3A_810 = tpu.vector_load %arg10[%get3A_808, %get3A_809] {strides = array<i32>} : memref<144x128xi32, #tpu.memory_space<vmem>>, vector<16xi32>,
        %bitcast3A_811 = vector.bitcast %get3A_810 : vector<16xi32> to vector<32xbf16>
        %add3A_812 = arith.addf %add3A_805, %bitcast3A_811 : vector<32xbf16>
        %unpack3A_813 = tpu.unpack_subelements %add3A_812, 0 {pack_format = #tpu.pack_format<interleaved>} : vector<32xbf16> -> vector<16xf32>
        %unpack3A_814 = tpu.unpack_subelements %add3A_812, 1 {pack_format = #tpu.pack_format<interleaved>} : vector<32xbf16> -> vector<16xf32>
        %mul3A_815 = arith.mulf %get3A_757, %unpack3A_813 : vector<16xf32>
        %add3A_816 = arith.addf %add3A_732, %mul3A_815 : vector<16xf32>
        %mul3A_817 = arith.mulf %get3A_760, %unpack3A_814 : vector<16xf32>
        %add3A_818 = arith.addf %add3A_816, %mul3A_817 : vector<16xf32>
        %eq3A = vector.broadcast %scan3A_122 : i32 to vector<16xi32>
        %eq3A_819 = arith.cmpi eq, %iota3A, %eq3A : vector<16xi32>
        %reduce_sum3A = arith.constant true
        %reduce_sum3A_820 = vector.broadcast %reduce_sum3A : i1 to vector<16xi1>
        %reduce_sum3A_821 = tpu.scan <sum>, %add3A_764 masked %reduce_sum3A_820 : vector<16xf32>, vector<16xi1> -> vector<16xf32>
        %reduce_sum3A_822 = vector.extract %reduce_sum3A_821[15] : f32 from vector<16xf32>
        %broadcast_in_dim3A_823 = vector.broadcast %reduce_sum3A_822 : f32 to vector<16xf32>
        %select_n3A = arith.select %eq3A_819, %broadcast_in_dim3A_823, %scan3A_123 : vector<16xi1>, vector<16xf32>
        %reduce_sum3A_824 = arith.constant true
        %reduce_sum3A_825 = vector.broadcast %reduce_sum3A_824 : i1 to vector<16xi1>
        %reduce_sum3A_826 = tpu.scan <sum>, %add3A_784 masked %reduce_sum3A_825 : vector<16xf32>, vector<16xi1> -> vector<16xf32>
        %reduce_sum3A_827 = vector.extract %reduce_sum3A_826[15] : f32 from vector<16xf32>
        %broadcast_in_dim3A_828 = vector.broadcast %reduce_sum3A_827 : f32 to vector<16xf32>
        %select_n3A_829 = arith.select %eq3A_819, %broadcast_in_dim3A_828, %scan3A_124 : vector<16xi1>, vector<16xf32>
        %reduce_sum3A_830 = arith.constant true
        %reduce_sum3A_831 = vector.broadcast %reduce_sum3A_830 : i1 to vector<16xi1>
        %reduce_sum3A_832 = tpu.scan <sum>, %add3A_818 masked %reduce_sum3A_831 : vector<16xf32>, vector<16xi1> -> vector<16xf32>
        %reduce_sum3A_833 = vector.extract %reduce_sum3A_832[15] : f32 from vector<16xf32>
        %broadcast_in_dim3A_834 = vector.broadcast %reduce_sum3A_833 : f32 to vector<16xf32>
        %select_n3A_835 = arith.select %eq3A_819, %broadcast_in_dim3A_834, %scan3A_125 : vector<16xi1>, vector<16xf32>
        scf.yield %select_n3A, %select_n3A_829, %select_n3A_835 : vector<16xf32>, vector<16xf32>, vector<16xf32>
      }
      %scan3A_102 = arith.constant 16 : i32
      %mul3A_103 = arith.constant 16 : i32
      %mul3A_104 = arith.muli %add3A_72, %mul3A_103 : i32
      %swap3A_105 = arith.constant 0 : i32
      %swap3A_106 = arith.index_cast %swap3A_105 : i32 to index
      %swap3A_107 = arith.index_cast %mul3A_104 : i32 to index
      %swap3A_108 = tpu.vector_load %arg11[%swap3A_106, %swap3A_107] {strides = array<i32>} : memref<3x128xf32, #tpu.memory_space<vmem>>, vector<16xf32>,
      tpu.vector_store %arg11[%swap3A_106, %swap3A_107], %scan3A_101#0 {strides = array<i32>} : memref<3x128xf32, #tpu.memory_space<vmem>>, vector<16xf32>,
      %mul3A_109 = arith.constant 16 : i32
      %mul3A_110 = arith.muli %add3A_72, %mul3A_109 : i32
      %swap3A_111 = arith.constant 1 : i32
      %swap3A_112 = arith.index_cast %swap3A_111 : i32 to index
      %swap3A_113 = arith.index_cast %mul3A_110 : i32 to index
      %swap3A_114 = tpu.vector_load %arg11[%swap3A_112, %swap3A_113] {strides = array<i32>} : memref<3x128xf32, #tpu.memory_space<vmem>>, vector<16xf32>,
      tpu.vector_store %arg11[%swap3A_112, %swap3A_113], %scan3A_101#1 {strides = array<i32>} : memref<3x128xf32, #tpu.memory_space<vmem>>, vector<16xf32>,
      %mul3A_115 = arith.constant 16 : i32
      %mul3A_116 = arith.muli %add3A_72, %mul3A_115 : i32
      %swap3A_117 = arith.constant 2 : i32
      %swap3A_118 = arith.index_cast %swap3A_117 : i32 to index
      %swap3A_119 = arith.index_cast %mul3A_116 : i32 to index
      %swap3A_120 = tpu.vector_load %arg11[%swap3A_118, %swap3A_119] {strides = array<i32>} : memref<3x128xf32, #tpu.memory_space<vmem>>, vector<16xf32>,
      tpu.vector_store %arg11[%swap3A_118, %swap3A_119], %scan3A_101#2 {strides = array<i32>} : memref<3x128xf32, #tpu.memory_space<vmem>>, vector<16xf32>,
      %scan3A_121 = arith.constant 0 : i32
      scf.yield %scan3A_121 : i32
    }
    %scan3A_20 = arith.constant 4 : i32
    "tpu.region"() ({
      %run_scoped3A = tpu.sem_alloc : memref<!tpu.dma_semaphore, #tpu.memory_space<semaphore_mem>>
      %dma_start3A_21 = arith.constant 0 : i32
      %dma_start3A_22 = tpu.memref_slice %arg5[%dma_start3A_21, %mul3A_2] : memref<3x4096xf32, #tpu.memory_space<hbm>> -> memref<3x128xf32, #tpu.memory_space<hbm>>
      %dma_start3A_23 = arith.constant 0 : i32
      %dma_start3A_24 = tpu.memref_slice %arg5[%dma_start3A_23, %mul3A_2] : memref<3x4096xf32, #tpu.memory_space<hbm>> -> memref<3x128xf32, #tpu.memory_space<hbm>>
      tpu.enqueue_dma source(%arg11 : memref<3x128xf32, #tpu.memory_space<vmem>>) target(%dma_start3A_24 : memref<3x128xf32, #tpu.memory_space<hbm>>) target_semaphore(%run_scoped3A : memref<!tpu.dma_semaphore, #tpu.memory_space<semaphore_mem>>)
      %dma_wait3A = arith.constant 0 : i32
      %dma_wait3A_25 = tpu.memref_slice %arg5[%dma_wait3A, %mul3A_2] : memref<3x4096xf32, #tpu.memory_space<hbm>> -> memref<3x128xf32, #tpu.memory_space<hbm>>
      %dma_wait3A_26 = arith.constant 0 : i32
      %dma_wait3A_27 = tpu.memref_slice %arg5[%dma_wait3A_26, %mul3A_2] : memref<3x4096xf32, #tpu.memory_space<hbm>> -> memref<3x128xf32, #tpu.memory_space<hbm>>
      tpu.wait_dma2 semaphore(%run_scoped3A : memref<!tpu.dma_semaphore, #tpu.memory_space<semaphore_mem>>) src(%arg11 : memref<3x128xf32, #tpu.memory_space<vmem>>) dst(%dma_wait3A_27 : memref<3x128xf32, #tpu.memory_space<hbm>>)
      tpu.yield
    }) : () -> ()
    return
  }
}

module attributes {stable_mosaic.version = 14 : i64} {
  func.func @_proj_body(%arg0: i32, %arg1: memref<512x1024xf32, #tpu.memory_space<vmem>>, %arg2: memref<1024x512xf32, #tpu.memory_space<vmem>>, %arg3: memref<1x512xf32, #tpu.memory_space<vmem>>, %arg4: memref<512x256xf32, #tpu.memory_space<vmem>>, %arg5: memref<512x256xf32, #tpu.memory_space<vmem>>, %arg6: memref<512x256xf32, #tpu.memory_space<vmem>>, %arg7: memref<1x256xf32, #tpu.memory_space<vmem>>, %arg8: memref<512x256xf32, #tpu.memory_space<vmem>>, %arg9: memref<512x256xbf16, #tpu.memory_space<vmem>>, %arg10: memref<512x256xf32, #tpu.memory_space<vmem>>) attributes {dimension_semantics = [#tpu.dimension_semantics<arbitrary>], iteration_bounds = array<i64: 8>, scalar_prefetch = 0 : i64, scratch_operands = 0 : i64, tpu.core_type = #tpu.core_type<tc>, window_params = [{transform_indices = @transform_0, window_bounds = array<i64: 512, 1024>}, {pipeline_mode = #tpu.pipeline_mode<synchronous>, transform_indices = @transform_1, window_bounds = array<i64: 1024, 512>}, {pipeline_mode = #tpu.pipeline_mode<synchronous>, transform_indices = @transform_2, window_bounds = array<i64: 1, 512>}, {pipeline_mode = #tpu.pipeline_mode<synchronous>, transform_indices = @transform_3, window_bounds = array<i64: 512, 256>}, {pipeline_mode = #tpu.pipeline_mode<synchronous>, transform_indices = @transform_4, window_bounds = array<i64: 512, 256>}, {pipeline_mode = #tpu.pipeline_mode<synchronous>, transform_indices = @transform_5, window_bounds = array<i64: 512, 256>}, {pipeline_mode = #tpu.pipeline_mode<synchronous>, transform_indices = @transform_6, window_bounds = array<i64: 1, 256>}, {transform_indices = @transform_7, window_bounds = array<i64: 512, 256>}, {transform_indices = @transform_8, window_bounds = array<i64: 512, 256>}, {transform_indices = @transform_9, window_bounds = array<i64: 512, 256>}]} {
    %get3A = arith.constant 0 : index
    %get3A_0 = arith.constant 0 : index
    %get3A_1 = vector.load %arg1[%get3A, %get3A_0] : memref<512x1024xf32, #tpu.memory_space<vmem>>, vector<512x1024xf32>
    %convert_element_type3A = arith.truncf %get3A_1 : vector<512x1024xf32> to vector<512x1024xbf16>
    %get3A_2 = arith.constant 0 : index
    %get3A_3 = arith.constant 0 : index
    %get3A_4 = vector.load %arg2[%get3A_2, %get3A_3] : memref<1024x512xf32, #tpu.memory_space<vmem>>, vector<1024x512xf32>
    %convert_element_type3A_5 = arith.truncf %get3A_4 : vector<1024x512xf32> to vector<1024x512xbf16>
    %dot_general3A = arith.constant dense<0.000000e+00> : vector<512x512xf32>
    %dot_general3A_6 = tpu.matmul %convert_element_type3A, %convert_element_type3A_5, %dot_general3A {dimension_numbers = #tpu.dot_dimension_numbers<[1], [0], [0], [1], [0, 0, 1, 1], [], []>, transpose_lhs_hint = false} : vector<512x1024xbf16>, vector<1024x512xbf16>, vector<512x512xf32> -> vector<512x512xf32>
    %get3A_7 = arith.constant 0 : index
    %get3A_8 = arith.constant 0 : index
    %get3A_9 = vector.load %arg3[%get3A_7, %get3A_8] : memref<1x512xf32, #tpu.memory_space<vmem>>, vector<1x512xf32>
    %add3A = vector.broadcast %get3A_9 : vector<1x512xf32> to vector<512x512xf32>
    %add3A_10 = arith.addf %dot_general3A_6, %add3A : vector<512x512xf32>
    %max3A = arith.constant 0.000000e+00 : f32
    %max3A_11 = vector.broadcast %max3A : f32 to vector<512x512xf32>
    %max3A_12 = arith.maximumf %add3A_10, %max3A_11 : vector<512x512xf32>
    %convert_element_type3A_13 = arith.truncf %max3A_12 : vector<512x512xf32> to vector<512x512xbf16>
    %get3A_14 = arith.constant 0 : index
    %get3A_15 = arith.constant 0 : index
    %get3A_16 = vector.load %arg4[%get3A_14, %get3A_15] : memref<512x256xf32, #tpu.memory_space<vmem>>, vector<512x256xf32>
    %convert_element_type3A_17 = arith.truncf %get3A_16 : vector<512x256xf32> to vector<512x256xbf16>
    %dot_general3A_18 = arith.constant dense<0.000000e+00> : vector<512x256xf32>
    %dot_general3A_19 = tpu.matmul %convert_element_type3A_13, %convert_element_type3A_17, %dot_general3A_18 {dimension_numbers = #tpu.dot_dimension_numbers<[1], [0], [0], [1], [0, 0, 1, 1], [], []>, transpose_lhs_hint = false} : vector<512x512xbf16>, vector<512x256xbf16>, vector<512x256xf32> -> vector<512x256xf32>
    %mul3A = arith.constant 6.250000e-02 : f32
    %mul3A_20 = vector.broadcast %mul3A : f32 to vector<512x256xf32>
    %mul3A_21 = arith.mulf %dot_general3A_19, %mul3A_20 : vector<512x256xf32>
    %swap3A = arith.constant 0 : index
    %swap3A_22 = arith.constant 0 : index
    %swap3A_23 = vector.load %arg8[%swap3A, %swap3A_22] : memref<512x256xf32, #tpu.memory_space<vmem>>, vector<512x256xf32>
    tpu.vector_store %arg8[%swap3A, %swap3A_22], %mul3A_21 {strides = array<i32>} : memref<512x256xf32, #tpu.memory_space<vmem>>, vector<512x256xf32>,
    %get3A_24 = arith.constant 0 : index
    %get3A_25 = arith.constant 0 : index
    %get3A_26 = vector.load %arg5[%get3A_24, %get3A_25] : memref<512x256xf32, #tpu.memory_space<vmem>>, vector<512x256xf32>
    %convert_element_type3A_27 = arith.truncf %get3A_26 : vector<512x256xf32> to vector<512x256xbf16>
    %dot_general3A_28 = arith.constant dense<0.000000e+00> : vector<512x256xf32>
    %dot_general3A_29 = tpu.matmul %convert_element_type3A_13, %convert_element_type3A_27, %dot_general3A_28 {dimension_numbers = #tpu.dot_dimension_numbers<[1], [0], [0], [1], [0, 0, 1, 1], [], []>, transpose_lhs_hint = false} : vector<512x512xbf16>, vector<512x256xbf16>, vector<512x256xf32> -> vector<512x256xf32>
    %convert_element_type3A_30 = arith.truncf %dot_general3A_29 : vector<512x256xf32> to vector<512x256xbf16>
    %swap3A_31 = arith.constant 0 : index
    %swap3A_32 = arith.constant 0 : index
    %swap3A_33 = vector.load %arg9[%swap3A_31, %swap3A_32] : memref<512x256xbf16, #tpu.memory_space<vmem>>, vector<512x256xbf16>
    tpu.vector_store %arg9[%swap3A_31, %swap3A_32], %convert_element_type3A_30 {strides = array<i32>} : memref<512x256xbf16, #tpu.memory_space<vmem>>, vector<512x256xbf16>,
    %get3A_34 = arith.constant 0 : index
    %get3A_35 = arith.constant 0 : index
    %get3A_36 = vector.load %arg6[%get3A_34, %get3A_35] : memref<512x256xf32, #tpu.memory_space<vmem>>, vector<512x256xf32>
    %convert_element_type3A_37 = arith.truncf %get3A_36 : vector<512x256xf32> to vector<512x256xbf16>
    %dot_general3A_38 = arith.constant dense<0.000000e+00> : vector<512x256xf32>
    %dot_general3A_39 = tpu.matmul %convert_element_type3A_13, %convert_element_type3A_37, %dot_general3A_38 {dimension_numbers = #tpu.dot_dimension_numbers<[1], [0], [0], [1], [0, 0, 1, 1], [], []>, transpose_lhs_hint = false} : vector<512x512xbf16>, vector<512x256xbf16>, vector<512x256xf32> -> vector<512x256xf32>
    %get3A_40 = arith.constant 0 : index
    %get3A_41 = arith.constant 0 : index
    %get3A_42 = vector.load %arg7[%get3A_40, %get3A_41] : memref<1x256xf32, #tpu.memory_space<vmem>>, vector<1x256xf32>
    %add3A_43 = vector.broadcast %get3A_42 : vector<1x256xf32> to vector<512x256xf32>
    %add3A_44 = arith.addf %dot_general3A_39, %add3A_43 : vector<512x256xf32>
    %swap3A_45 = arith.constant 0 : index
    %swap3A_46 = arith.constant 0 : index
    %swap3A_47 = vector.load %arg10[%swap3A_45, %swap3A_46] : memref<512x256xf32, #tpu.memory_space<vmem>>, vector<512x256xf32>
    tpu.vector_store %arg10[%swap3A_45, %swap3A_46], %add3A_44 {strides = array<i32>} : memref<512x256xf32, #tpu.memory_space<vmem>>, vector<512x256xf32>,
    return
  }
  func.func @transform_0(%arg0: i32) -> (i32, i32) {
    %c0_i32 = arith.constant 0 : i32
    %c0_i32_0 = arith.constant 0 : i32
    return %arg0, %c0_i32 : i32, i32
  }
  func.func @transform_1(%arg0: i32) -> (i32, i32) {
    %c0_i32 = arith.constant 0 : i32
    %c0_i32_0 = arith.constant 0 : i32
    %c0_i32_1 = arith.constant 0 : i32
    return %c0_i32, %c0_i32_0 : i32, i32
  }
  func.func @transform_2(%arg0: i32) -> (i32, i32) {
    %c0_i32 = arith.constant 0 : i32
    %c0_i32_0 = arith.constant 0 : i32
    %c0_i32_1 = arith.constant 0 : i32
    return %c0_i32, %c0_i32_0 : i32, i32
  }
  func.func @transform_3(%arg0: i32) -> (i32, i32) {
    %c0_i32 = arith.constant 0 : i32
    %c0_i32_0 = arith.constant 0 : i32
    %c0_i32_1 = arith.constant 0 : i32
    return %c0_i32, %c0_i32_0 : i32, i32
  }
  func.func @transform_4(%arg0: i32) -> (i32, i32) {
    %c0_i32 = arith.constant 0 : i32
    %c0_i32_0 = arith.constant 0 : i32
    %c0_i32_1 = arith.constant 0 : i32
    return %c0_i32, %c0_i32_0 : i32, i32
  }
  func.func @transform_5(%arg0: i32) -> (i32, i32) {
    %c0_i32 = arith.constant 0 : i32
    %c0_i32_0 = arith.constant 0 : i32
    %c0_i32_1 = arith.constant 0 : i32
    return %c0_i32, %c0_i32_0 : i32, i32
  }
  func.func @transform_6(%arg0: i32) -> (i32, i32) {
    %c0_i32 = arith.constant 0 : i32
    %c0_i32_0 = arith.constant 0 : i32
    %c0_i32_1 = arith.constant 0 : i32
    return %c0_i32, %c0_i32_0 : i32, i32
  }
  func.func @transform_7(%arg0: i32) -> (i32, i32) {
    %c0_i32 = arith.constant 0 : i32
    %c0_i32_0 = arith.constant 0 : i32
    return %arg0, %c0_i32 : i32, i32
  }
  func.func @transform_8(%arg0: i32) -> (i32, i32) {
    %c0_i32 = arith.constant 0 : i32
    %c0_i32_0 = arith.constant 0 : i32
    return %arg0, %c0_i32 : i32, i32
  }
  func.func @transform_9(%arg0: i32) -> (i32, i32) {
    %c0_i32 = arith.constant 0 : i32
    %c0_i32_0 = arith.constant 0 : i32
    return %arg0, %c0_i32 : i32, i32
  }
}

module attributes {stable_mosaic.version = 14 : i64} {
  func.func @_pool_body(%arg0: memref<3x4096xf32, #tpu.memory_space<vmem>>, %arg1: memref<4096x256xf32, #tpu.memory_space<vmem>>, %arg2: memref<256x2xf32, #tpu.memory_space<vmem>>, %arg3: memref<1x2xf32, #tpu.memory_space<vmem>>, %arg4: memref<1x2xf32, #tpu.memory_space<vmem>>) attributes {dimension_semantics = [], scalar_prefetch = 0 : i64, scratch_operands = 0 : i64, tpu.core_type = #tpu.core_type<tc>} {
    %get3A = arith.constant 0 : index
    %get3A_0 = arith.constant 0 : index
    %get3A_1 = vector.load %arg0[%get3A, %get3A_0] : memref<3x4096xf32, #tpu.memory_space<vmem>>, vector<3x4096xf32>
    %reduce_max3A = arith.constant dense<0xFF800000> : vector<3xf32>
    %reduce_max3A_2 = vector.multi_reduction <maximumf>, %get3A_1, %reduce_max3A [1] : vector<3x4096xf32> to vector<3xf32>
    %broadcast_in_dim3A = vector.shape_cast %reduce_max3A_2 : vector<3xf32> to vector<3x1xf32>
    %sub3A = vector.broadcast %broadcast_in_dim3A : vector<3x1xf32> to vector<3x4096xf32>
    %sub3A_3 = arith.subf %get3A_1, %sub3A : vector<3x4096xf32>
    %exp3A = math.exp %sub3A_3 : vector<3x4096xf32>
    %reduce_sum3A = arith.constant dense<0.000000e+00> : vector<3xf32>
    %reduce_sum3A_4 = vector.multi_reduction <add>, %exp3A, %reduce_sum3A [1] : vector<3x4096xf32> to vector<3xf32>
    %broadcast_in_dim3A_5 = vector.shape_cast %reduce_sum3A_4 : vector<3xf32> to vector<3x1xf32>
    %div3A = vector.broadcast %broadcast_in_dim3A_5 : vector<3x1xf32> to vector<3x4096xf32>
    %div3A_6 = arith.divf %exp3A, %div3A : vector<3x4096xf32>
    %get3A_7 = arith.constant 0 : index
    %get3A_8 = arith.constant 0 : index
    %get3A_9 = vector.load %arg1[%get3A_7, %get3A_8] : memref<4096x256xf32, #tpu.memory_space<vmem>>, vector<4096x256xf32>
    %dot_general3A = arith.constant dense<0.000000e+00> : vector<3x256xf32>
    %dot_general3A_10 = tpu.matmul %div3A_6, %get3A_9, %dot_general3A {dimension_numbers = #tpu.dot_dimension_numbers<[1], [0], [0], [1], [0, 0, 1, 1], [], []>, transpose_lhs_hint = false} : vector<3x4096xf32>, vector<4096x256xf32>, vector<3x256xf32> -> vector<3x256xf32>
    %reduce_sum3A_11 = arith.constant dense<0.000000e+00> : vector<256xf32>
    %reduce_sum3A_12 = vector.multi_reduction <add>, %dot_general3A_10, %reduce_sum3A_11 [0] : vector<3x256xf32> to vector<256xf32>
    %broadcast_in_dim3A_13 = vector.shape_cast %reduce_sum3A_12 : vector<256xf32> to vector<1x256xf32>
    %get3A_14 = arith.constant 0 : index
    %get3A_15 = arith.constant 0 : index
    %get3A_16 = vector.load %arg2[%get3A_14, %get3A_15] : memref<256x2xf32, #tpu.memory_space<vmem>>, vector<256x2xf32>
    %dot_general3A_17 = arith.constant dense<0.000000e+00> : vector<1x2xf32>
    %dot_general3A_18 = tpu.matmul %broadcast_in_dim3A_13, %get3A_16, %dot_general3A_17 {dimension_numbers = #tpu.dot_dimension_numbers<[1], [0], [0], [1], [0, 0, 1, 1], [], []>, transpose_lhs_hint = false} : vector<1x256xf32>, vector<256x2xf32>, vector<1x2xf32> -> vector<1x2xf32>
    %get3A_19 = arith.constant 0 : index
    %get3A_20 = arith.constant 0 : index
    %get3A_21 = vector.load %arg3[%get3A_19, %get3A_20] : memref<1x2xf32, #tpu.memory_space<vmem>>, vector<1x2xf32>
    %add3A = arith.addf %dot_general3A_18, %get3A_21 : vector<1x2xf32>
    %reduce_max3A_22 = arith.constant dense<0xFF800000> : vector<1xf32>
    %reduce_max3A_23 = vector.multi_reduction <maximumf>, %add3A, %reduce_max3A_22 [1] : vector<1x2xf32> to vector<1xf32>
    %broadcast_in_dim3A_24 = vector.shape_cast %reduce_max3A_23 : vector<1xf32> to vector<1x1xf32>
    %sub3A_25 = vector.broadcast %broadcast_in_dim3A_24 : vector<1x1xf32> to vector<1x2xf32>
    %sub3A_26 = arith.subf %add3A, %sub3A_25 : vector<1x2xf32>
    %exp3A_27 = math.exp %sub3A_26 : vector<1x2xf32>
    %reduce_sum3A_28 = arith.constant dense<0.000000e+00> : vector<1xf32>
    %reduce_sum3A_29 = vector.multi_reduction <add>, %exp3A_27, %reduce_sum3A_28 [1] : vector<1x2xf32> to vector<1xf32>
    %broadcast_in_dim3A_30 = vector.shape_cast %reduce_sum3A_29 : vector<1xf32> to vector<1x1xf32>
    %div3A_31 = vector.broadcast %broadcast_in_dim3A_30 : vector<1x1xf32> to vector<1x2xf32>
    %div3A_32 = arith.divf %exp3A_27, %div3A_31 : vector<1x2xf32>
    %swap3A = arith.constant 0 : index
    %swap3A_33 = arith.constant 0 : index
    %swap3A_34 = vector.load %arg4[%swap3A, %swap3A_33] : memref<1x2xf32, #tpu.memory_space<vmem>>, vector<1x2xf32>
    tpu.vector_store %arg4[%swap3A, %swap3A_33], %div3A_32 {strides = array<i32>} : memref<1x2xf32, #tpu.memory_space<vmem>>, vector<1x2xf32>,
    return
  }
}

</mosaic_0001>

<sc_bundles>
// kernel: kernel.5.cloned.1.call-start
scs
__scs_entry_jumppad:
0x0: {  	(pc) =	sbr.rel $0x88, $3  }
0x1: {  	(tag) =	ssettag $0x0;
	lr =	simm.s32 $0x1  }
0x2: {  	[smem:$0x3F97] =	sst lr;
	_ =	strace $0xD0000000  }
0x3: {  	_ = 	snop  }
0x4: {  	_ = 	snop  }
0x5: {  	_ = 	snop  }
0x6: {  	_ = 	snop  }
0x7: {  	_ = 	snop  }
__scs_overlays_trampoline_lowered:
0x8: {  	[smem:$0x3FA6] =	sst s0  }
0x9: {  	[smem:$0x3FA7] =	sst s1  }
0xa: {  	[smem:$0x3FA8] =	sst s2  }
0xb: {  	[smem:$0x3FA9] =	sst s3  }
0xc: {  	[smem:$0x3FAA] =	sst s4  }
0xd: {  	[smem:$0x3FAB] =	sst s5  }
0xe: {  	[smem:$0x3FAC] =	sst s6  }
0xf: {  	[smem:$0x3FAD] =	sst s7  }
0x10: {  	[smem:$0x3FAE] =	sst s8  }
0x11: {  	[smem:$0x3FAF] =	sst s9;
	s0 =	simm.s32 @!p0 $0x0  }
0x12: {  	s1 =	sld [smem:$0x3F95];
	s0 =	simm.s32 @p0 $0x1  }
0x13: {  	[smem:$0x3FB0] =	sst s0;
	s0 =	simm.s32 @!p1 $0x0  }
0x14: {  	s2 =	sld [smem:$0x3F94];
	s0 =	simm.s32 @p1 $0x1  }
0x15: {  	[smem:$0x3FB1] =	sst s0;
	s0 =	simm.s32 @!p2 $0x0  }
0x16: {  	s3 =	sld [smem:$0x3FDB];
	s0 =	simm.s32 @p2 $0x1  }
0x17: {  	s4 =	simm.s32 $0x1BF5;
	[smem:$0x3FB3] =	sst s0  }
0x18: {  	s0 =	sld [smem:$0x3F96];
	_ =	swait.ge [sflag:s4], $0x0  }
0x19: {  	s7 =	sld [smem:$0x3F97]  }
0x1a: {  	s8 =	sadd.s32 $0xFFFFE003, lr  }
0x1b: {  	s9 =	sadd.s32 $0xFFFFFEF7, lr;
	s5 =	simm.s32 $0xFFFFFFFF;
	p2 =	slt.u32 s8, $0xFFFFF086  }
0x1c: {  	p1 =	slt.u32 s9, $0xF7A;
	s5 =	simm.s32 @!p2 $0x0  }
0x1d: {  	s5 =	simm.s32 @p1 $0x1;
	p0 =	seq.s32 s7, s2  }
0x1e: {  	s7 =	smul.u32 @!p0 $0xF7A, s2;
	p2 =	seq.s32 @!p0 s5, $0x0  }
0x1f: {  	s9 =	smul.u32 $0xF7A, s1;
	s8 =	simm.s32 @!p0 $0x1BF5;
	p2 =	por !p2, p0  }
0x20: {  	[sflag:s8] =	ssyncset.s32 @!p0 $0xFFFFF086;
	s6 =	sadd.s32 @!p0 s3, s7;
	s7 =	simm.s32 @!p0 $0x108  }
0x21: {  	s3 =	sadd.s32 s3, s9;
	s6 =	sadd.s32 @!p0 $0x88, s6;
	s7 =	simm.s32 @p2 $0x1082  }
0x22: {  	[simem:s7], [sflag:s8] =	dma.local @!p0 [hbm:s6], $0xF7A  }
0x23: {  	s9 =	sor.u32 $0xD0000000, s2;
	s6 =	simm.s32 $0x108;
	_ =	swait.ge @!p0 [sflag:s8], $0x0  }
0x24: {  	s3 =	sadd.s32 $0x88, s3;
	s6 =	simm.s32 @!p1 $0x1082;
	[sflag:s4] =	ssyncset.s32 $0xFFFFF086  }
0x25: {  	[simem:s6], [sflag:s4] =	dma.local [hbm:s3], $0xF7A  }
0x26: {  	[smem:$0x3F97] =	sst s1;
	(tag) =	ssettag s2;
	_ =	strace s9  }
0x27: {  	s1 =	sld [smem:$0x3FA7]  }
0x28: {  	s2 =	sld [smem:$0x3FA8]  }
0x29: {  	s4 =	sld [smem:$0x3FAA]  }
0x2a: {  	p0 =	seq.s32 s5, $0x0;
	s5 =	sld [smem:$0x3FAB]  }
0x2b: {  	s6 =	sld [smem:$0x3FAC]  }
0x2c: {  	s7 =	sld [smem:$0x3FAD]  }
0x2d: {  	s3 =	simm.s32 $0x108;
	s8 =	sld [smem:$0x3FAE]  }
0x2e: {  	s3 =	simm.s32 @!p0 $0x1082;
	s9 =	sld [smem:$0x3FAF]  }
0x2f: {  	lr =	sadd.s32 s0, s3;
	s0 =	sld [smem:$0x3FA6]  }
0x30: {  	s3 =	sld [smem:$0x3FA9]  }
0x31: {  	[smem:$0x3FB2] =	sst s10  }
0x32: {  	s10 =	sld [smem:$0x3FB0];
	_ =	sdelay $0x3  }
0x33: {  	p0 =	seq.s32 s10, $0x1;
	s10 =	sld [smem:$0x3FB2];
	_ =	sdelay $0x3  }
0x34: {  	[smem:$0x3FB2] =	sst s10  }
0x35: {  	s10 =	sld [smem:$0x3FB1];
	_ =	sdelay $0x3  }
0x36: {  	p1 =	seq.s32 s10, $0x1;
	s10 =	sld [smem:$0x3FB2];
	_ =	sdelay $0x3  }
0x37: {  	[smem:$0x3FB2] =	sst s10  }
0x38: {  	s10 =	sld [smem:$0x3FB3]  }
0x39: {  	_ = 	snop;
	(pc) =	sbr.ind lr, $3  }
0x3a: {  	_ = 	snop  }
0x3b: {  	_ = 	snop  }
0x3c: {  	p2 =	seq.s32 s10, $0x1;
	s10 =	sld [smem:$0x3FB2]  }
0x3d: {  	_ =	shalt  }
0x3e: {  	_ =	shalt  }
0x3f: {  	_ =	shalt  }
0x40: {  	_ =	shalt  }
0x41: {  	_ =	shalt  }
0x42: {  	_ =	shalt  }
0x43: {  	_ =	shalt  }
0x44: {  	_ =	shalt  }
0x45: {  	_ =	shalt  }
0x46: {  	_ =	shalt  }
0x47: {  	_ =	shalt  }
0x48: {  	_ =	shalt  }
0x49: {  	_ =	shalt  }
0x4a: {  	_ =	shalt  }
0x4b: {  	_ =	shalt  }
0x4c: {  	_ =	shalt  }
0x4d: {  	_ =	shalt  }
0x4e: {  	_ =	shalt  }
0x4f: {  	_ =	shalt  }
0x50: {  	_ =	shalt  }
0x51: {  	_ =	shalt  }
0x52: {  	_ =	shalt  }
0x53: {  	_ =	shalt  }
0x54: {  	_ =	shalt  }
0x55: {  	_ =	shalt  }
0x56: {  	_ =	shalt  }
0x57: {  	_ =	shalt  }
0x58: {  	_ =	shalt  }
0x59: {  	_ =	shalt  }
0x5a: {  	_ =	shalt  }
0x5b: {  	_ =	shalt  }
0x5c: {  	_ =	shalt  }
0x5d: {  	_ =	shalt  }
0x5e: {  	_ =	shalt  }
0x5f: {  	_ =	shalt  }
0x60: {  	_ =	shalt  }
0x61: {  	_ =	shalt  }
0x62: {  	_ =	shalt  }
0x63: {  	_ =	shalt  }
0x64: {  	_ =	shalt  }
0x65: {  	_ =	shalt  }
0x66: {  	_ =	shalt  }
0x67: {  	_ =	shalt  }
0x68: {  	_ =	shalt  }
0x69: {  	_ =	shalt  }
0x6a: {  	_ =	shalt  }
0x6b: {  	_ =	shalt  }
0x6c: {  	_ =	shalt  }
0x6d: {  	_ =	shalt  }
0x6e: {  	_ =	shalt  }
0x6f: {  	_ =	shalt  }
0x70: {  	_ =	shalt  }
0x71: {  	_ =	shalt  }
0x72: {  	_ =	shalt  }
0x73: {  	_ =	shalt  }
0x74: {  	_ =	shalt  }
0x75: {  	_ =	shalt  }
0x76: {  	_ =	shalt  }
0x77: {  	_ =	shalt  }
0x78: {  	_ =	shalt  }
0x79: {  	_ =	shalt  }
0x7a: {  	_ =	shalt  }
0x7b: {  	_ =	shalt  }
0x7c: {  	_ =	shalt  }
0x7d: {  	_ =	shalt  }
0x7e: {  	_ =	shalt  }
0x7f: {  	_ =	shalt  }
0x80: {  	_ =	shalt  }
0x81: {  	_ =	shalt  }
0x82: {  	_ =	shalt  }
0x83: {  	_ =	shalt  }
0x84: {  	_ =	shalt  }
0x85: {  	_ =	shalt  }
0x86: {  	_ =	shalt  }
0x87: {  	_ =	shalt  }
.Lfunc_end0:
.L_simem_size_0:
called_computation_lowered:
.L_overlay_start_0:
0x88: {  	s2 =	sld [smem:$0x3FD9]  }
0x89: {  	s3 =	sld [smem:$0x3FFE];
	_ =	sdelay $0x1  }
0x8a: {  	s1 =	srdreg.scid  }
0x8b: {  	s0 =	sand.u32 $0x1, s1  }
0x8c: {  	s16 =	sshll.u32 s0, $0xA;
	s2 =	sadd.s32 s3, s2  }
0x8d: {  	s2 =	sadd.s32 s2, s16  }
0x8e: {  	[smem:$0x3FBE] =	sst s2  }
0x8f: {  	_ = 	snop  }
0x90: {  	(tm) =	ssettm $0x1  }
0x91: {  	s17 =	sld [smem:$0x3FFB];
	_ =	sdelay $0x3  }
0x92: {  	_ =	strace s17  }
0x93: {  	s2 =	sld [smem:$0x3FFC];
	_ =	sdelay $0x3  }
0x94: {  	_ =	strace s2  }
0x95: {  	s2 =	sld [smem:$0x3FFD];
	_ =	sdelay $0x3  }
0x96: {  	_ =	strace s2  }
0x97: {  	_ =	strace $0x8FFFFFFF  }
0x98: {  	s18 =	sld [smem:$0x3FDB];
	_ =	sdelay $0x1  }
0x99: {  	s19 =	simm.s32 $_scs_section_size  }
0x9a: {  	s4 =	simm.s32 $_size__tile_overlayer_lowered;
	s5 =	simm.s32 $_tile_overlayer_lowered  }
0x9b: {  	s22 =	simm.s32 $0x1BFF;
	s21 =	sshll.u32 s5, $0x1;
	s2 =	sadd.s32 s19, s18  }
0x9c: {  	s6 =	simm.s32 $0x0;
	s20 =	sshll.u32 s4, $0x1;
	s4 =	sadd.s32 s21, s2  }
0x9d: {  	[timem:s6], [sflag:s22] =	dma.local [hbm:s4], s20  }
0x9e: {  	_ =	swait.ge [sflag:s22], s20  }
0x9f: {  	s3 =	ssub.s32 $0x0, s20;
	[sflag:s22] =	ssyncset.done $0x0  }
0xa0: {  	[sflag:s22] =	ssyncadd.s32 s3;
	_ =	sdelay $0x1  }
0xa1: {  	s23 =	simm.s32 $0x1B8B  }
0xa2: {  	_ =	swait.ge [sflag:s23], $0x1  }
0xa3: {  	[sflag:s23] =	ssyncset.done $0x0  }
0xa4: {  	s25 =	simm.s32 $0x1B8E;
	s24 =	sld [smem:$0x3FFE];
	[sflag:s23] =	ssyncadd.s32 $0xFFFFFFFF  }
0xa5: {  	s26 =	simm.s32 $execute0_lowered;
	[smem:$0x3FD2] =	sst s25  }
0xa6: {  	s4 =	sshll.u32 s26, $0x1;
	_ =	strace $0x80000046;
	[dreg:$0x1] =	wrdreg $0xFFFFFFFF  }
0xa7: {  	s28 =	simm.s32 $_size_execute0_lowered;
	s2 =	sadd.s32 s2, s4;
	[dreg:$0x0] =	wrdreg $0x0  }
0xa8: {  	s4 =	sshll.u32 s28, $0x1;
	[dreg:$0x2] =	wrdreg s2  }
0xa9: {  	[dreg:$0x3] =	wrdreg s4  }
0xaa: {  	[dreg:$0x4] =	wrdreg $0xC0  }
0xab: {  	_ =	task [dreg:s6], $0x5FFFF  }
0xac: {  	[dreg:$0x1] =	wrdreg $0xFFFFFFFF  }
0xad: {  	[dreg:$0x0] =	wrdreg $0x60  }
0xae: {  	[dreg:$0x2] =	wrdreg s24  }
0xaf: {  	[dreg:$0x3] =	wrdreg $0x9  }
0xb0: {  	_ =	task.clear_ibuf [dreg:s6], $0x4FFFF;
	_ =	strace $0x90000046  }
0xb1: {  	s29 =	simm.s32 $0x9;
	_ =	strace $0x80000048  }
0xb2: {  	_ =	swait.ge [sflag:s29], $0x1  }
0xb3: {  	[sflag:s29] =	ssyncadd.s32 $0xFFFFFFFF  }
0xb4: {  	_ =	strace $0x90000048  }
0xb5: {  	_ =	sfence  }
0xb6: {  	s30 =	sld [smem:$0x0];
	_ =	sdelay $0x2  }
0xb7: {  	s31 =	sshll.u32 s1, $0xD;
	s1 =	sshrl.u32 s1, $0x2  }
0xb8: {  	s3 =	sand.u32 $0x4000, s31;
	s1 =	sadd.s32 s1, s30  }
0xb9: {  	s0 =	sor.u32 s3, s0;
	s1 =	sshll.u32 s1, $0x11  }
0xba: {  	s0 =	sor.u32 s1, s0  }
0xbb: {  	s0 =	sadd.s32 $0x8F2B, s0  }
0xbc: {  	[sflag:s0] =	ssyncadd.remote.s32 $0x1  }
0xbd: {  	_ =	sfence.sel $0xFFFF  }
0xbe: {  	[dreg:$0x0] =	wrdreg $0xFFFFFFFF;
	(pc) =	sbr.abs _section_cstart, $3  }
0xbf: {  	[dreg:$0x1] =	wrdreg $0xFFFFFFFF  }
0xc0: {  	_ =	task.clear_ibuf [dreg:s6], $0x2FFFF;
	_ =	strace $0x9FFFFFFF  }
0xc1: {  	(tm) =	ssettm $0x7FFFFFFF  }
tec
execute0_lowered:
.L_overlay_start_1:
0x0: {  	(tag) =	ssettag $0x1  }
0x1: {  	s4 =	rddreg [dreg:$0x0]  }
0x2: {  	s3 =	srdreg.scid;
	s1 =	stileid.u32;
	s2 =	simm.s32 $0x0  }
0x3: {  	s11 =	simm.s32 $0x2480;
	s12 =	simm.s32 $0x6C80;
	s13 =	simm.s32 $0x1000  }
0x4: {  	s14 =	simm.s32 $0x1;
	s15 =	simm.s32 $0x3;
	s16 =	simm.s32 $0x2  }
0x5: {  	s17 =	simm.s32 $0x4;
	s18 =	simm.s32 $0x200;
	s19 =	simm.s32 $0x4000  }
0x6: {  	s20 =	simm.s32 $0xB480;
	s3 =	sand.u32 $0x1, s3;
	s5 =	sshll.u32 s1, $0x1  }
0x7: {  	s21 =	simm.s32 $0x0;
	[smem:$0x7FF] =	sst s2;
	s5 =	sor.u32 s3, s5  }
0x8: {  	_ =	strace $0x80000047;
	s8 =	ssub.s32 $0x2, s3;
	s3 =	sadd.s32 $0x21600, s4  }
0x9: {  	s6 =	sshll.u32 s5, $0xC;
	s7 =	smul.u32 $0x90, s5;
	s5 =	sshll.u32 s5, $0x6  }
0xa: {  	s9 =	sshrl.u32 s8, $0x1;
	s6 =	sadd.s32 s6, s4;
	s10 =	sadd.s32 s5, s4  }
0xb: {  	s8 =	ssub.s32 s8, s9;
	s9 =	simm.s32 $0x5;
	s7 =	sadd.s32 s7, s4  }
0xc: {  	s5 =	sadd.s32 $0x1600, s6;
	s6 =	sadd.s32 $0x32800, s10;
	s10 =	simm.s32 $0x90  }
0xd: {  	v0 =	vlaneseq.u32;
	s4 =	sadd.s32 $0x31600, s7;
	s7 =	smax.u32 s8, $0x1;
	s8 =	simm.s32 $0x2000  }
.LBB2_1:
0xe: {  	[tilespmem:s8], [sflag:$0x5] =	stream.linear.gather [hbm4b:s4+s2], $0x480, $0x38;
	[tilespmem:$0xB680] =	vst v63  }
0xf: {  	_ =	swait.ge [sflag:s9], $0x480  }
0x10: {  	[sflag:s9] =	ssyncset.done $0x0  }
0x11: {  	[sflag:s9] =	ssyncadd.s32 $0xFFFFFB80  }
0x12: {  	[tilespmem:s11], [sflag:$0x1] =	stream.indirect.gather [hbm4b:s3+s10], $0x80, s8, s10, $0xb8;
	[tilespmem:$0xB680] =	vst v63  }
0x13: {  	s22 =	simm.s32 $0x0  }
0x14: {  	[tilespmem:s2], [sflag:$0x3] =	stream.linear.gather [hbm4b:s5+s2], $0x1000, $0x38;
	[tilespmem:$0xB680] =	vst v63  }
.LBB2_2:
0x15: {  	s23 =	sshllo.u32 s22, $0x1  }
0x16: {  	s24 =	smul.u32 $0x240, s23;
	_ =	sdelay $0x1  }
0x17: {  	s24 =	sshra.s32 s24, $0x2  }
0x18: {  	s26 =	sshll.u32 s23, $0x9;
	s24 =	sadd.s32 $0x2000, s24  }
0x19: {  	[tilespmem:s12], [sflag:$0x2] =	stream.indirect.gather [hbm4b:s3+s10], $0x80, s24, s10, $0xb8;
	[tilespmem:$0xB680] =	vst v63  }
0x1a: {  	s25 =	sadd.s32 s26, s5;
	s24 =	simm.s32 $0x0  }
0x1b: {  	[tilespmem:s13], [sflag:$0x4] =	stream.linear.gather [hbm4b:s25+s24], $0x1000, $0x38;
	[tilespmem:$0xB680] =	vst v63  }
0x1c: {  	_ =	swait.ge [sflag:s14], $0x4800  }
0x1d: {  	[sflag:s14] =	ssyncset.done $0x0  }
0x1e: {  	[sflag:s14] =	ssyncadd.s32 $0xFFFFB800  }
0x1f: {  	_ =	swait.ge [sflag:s15], $0x1000  }
0x20: {  	[sflag:s15] =	ssyncset.done $0x0  }
0x21: {  	s31 =	simm.s32 $0x26C0;
	[sflag:s15] =	ssyncadd.s32 $0xFFFFF000  }
0x22: {  	v5 =	vld [tilespmem:s31+$0x220]  }
0x23: {  	v6 =	vld [tilespmem:s31+$0x1A0]  }
0x24: {  	v2 =	vld [tilespmem:s31+$0x210]  }
0x25: {  	v7 =	vld [tilespmem:s31+$0x30]  }
0x26: {  	v1 =	vld [tilespmem:s31+$0x190]  }
0x27: {  	v8 =	vld [tilespmem:s31+$0xFFFFFFB0]  }
0x28: {  	v9 =	vld [tilespmem:s31+$0x200]  }
0x29: {  	v10 =	vld [tilespmem:s31+$0x20]  }
0x2a: {  	v3 =	vld [tilespmem:s31+$0xFFFFFF30]  }
0x2b: {  	v11 =	vld [tilespmem:s31+$0x180]  }
0x2c: {  	v12 =	vld [tilespmem:s31+$0xFFFFFFA0]  }
0x2d: {  	v4 =	vld [tilespmem:s31+$0xFFFFFE30]  }
0x2e: {  	v13 =	vld [tilespmem:s31+$0xFFFFFEB0]  }
0x2f: {  	v28 =	vld [tilespmem:s31+$0x10]  }
0x30: {  	v15 =	vld [tilespmem:s31+$0xFFFFFF20]  }
0x31: {  	v29 =	vld [tilespmem:s31+$0x170]  }
0x32: {  	v32 =	vld [tilespmem:s31+$0xFFFFFF90]  }
0x33: {  	v14 =	vld [tilespmem:s31+$0xFFFFFE20]  }
0x34: {  	v16 =	vld [tilespmem:s31+$0xFFFFFEA0]  }
0x35: {  	v31 =	vld [tilespmem:s31+$0x1E0]  }
0x36: {  	v23 =	vld [tilespmem:s31+$0x0]  }
0x37: {  	v18 =	vld [tilespmem:s31+$0xFFFFFF10]  }
0x38: {  	v30 =	vld [tilespmem:s31+$0x160]  }
0x39: {  	v33 =	vld [tilespmem:s31+$0xFFFFFF80]  }
0x3a: {  	v17 =	vld [tilespmem:s31+$0xFFFFFE10]  }
0x3b: {  	v20 =	vld [tilespmem:s31+$0xFFFFFE90]  }
0x3c: {  	v25 =	vld [tilespmem:s31+$0x1D0]  }
0x3d: {  	v21 =	vld [tilespmem:s31+$0xFFFFFFF0]  }
0x3e: {  	v27 =	vld [tilespmem:s31+$0xFFFFFF00]  }
0x3f: {  	v34 =	vld [tilespmem:s31+$0x150]  }
0x40: {  	v22 =	vld [tilespmem:s31+$0xFFFFFE00]  }
0x41: {  	v24 =	vld [tilespmem:s31+$0xFFFFFE80]  }
0x42: {  	v35 =	vld [tilespmem:s31+$0x1C0]  }
0x43: {  	v37 =	vld [tilespmem:s31+$0x140]  }
0x44: {  	v38 =	vld [tilespmem:s31+$0xFFFFFDF0]  }
0x45: {  	v39 =	vld [tilespmem:s31+$0xFFFFFE70]  }
0x46: {  	v40 =	vld [tilespmem:s31+$0xC0]  }
0x47: {  	v41 =	vld [tilespmem:s31+$0x40]  }
0x48: {  	v26 =	vld [tilespmem:s31+$0xFFFFFDE0]  }
0x49: {  	v42 =	vld [tilespmem:s31+$0xFFFFFDC0]  }
0x4a: {  	v43 =	vld [tilespmem:s31+$0xFFFFFE40]  }
0x4b: {  	v46 =	vld [tilespmem:s31+$0xFFFFFDD0]  }
0x4c: {  	v47 =	vld [tilespmem:s31+$0xFFFFFE50]  }
0x4d: {  	v45 =	vld [tilespmem:s31+$0xFFFFFEC0]  }
0x4e: {  	v49 =	vld [tilespmem:s31+$0xFFFFFED0]  }
0x4f: {  	v44 =	vld [tilespmem:s31+$0xFFFFFF40];
	v42 =	vadd.bf16 v43, v42  }
0x50: {  	v54 =	vld [tilespmem:s31+$0xFFFFFEF0];
	v16 =	vadd.bf16 v16, v14;
	v4 =	vadd.bf16 v13, v4  }
0x51: {  	v48 =	vld [tilespmem:s31+$0xFFFFFFC0];
	v14 =	vadd.bf16 v47, v46;
	v46 =	vadd.bf16 v24, v22  }
0x52: {  	v51 =	vld [tilespmem:s31+$0xFFFFFF50];
	v24 =	vadd.bf16 v20, v17;
	v20 =	vadd.bf16 v39, v38  }
0x53: {  	v50 =	vld [tilespmem:s31+$0xFFFFFE60];
	v42 =	vadd.bf16 v45, v42;
	v49 =	vadd.bf16 v49, v14  }
0x54: {  	v52 =	vld [tilespmem:s31+$0xFFFFFEE0];
	v3 =	vadd.bf16 v3, v4;
	v4 =	vadd.bf16 v15, v16  }
0x55: {  	v63 =	vld [tilespmem:s31+$0xFFFFFFD0];
	v20 =	vadd.bf16 v54, v20;
	v27 =	vadd.bf16 v27, v46  }
0x56: {  	v53 =	vld [tilespmem:s31+$0xFFFFFF60];
	v24 =	vadd.bf16 v18, v24;
	v13 =	vadd.bf16 v44, v42  }
0x57: {  	v45 =	vld [tilespmem:s31+$0x50];
	v60 =	vadd.bf16 v51, v49;
	v33 =	vadd.bf16 v33, v27  }
0x58: {  	v22 =	vld [tilespmem:s31+$0xFFFFFF70];
	v32 =	vadd.bf16 v32, v24;
	v57 =	vadd.bf16 v48, v13  }
0x59: {  	v56 =	vld [tilespmem:s31+$0xD0];
	v12 =	vadd.bf16 v12, v4;
	v13 =	vadd.bf16 v50, v26  }
0x5a: {  	v36 =	vld [tilespmem:s31+$0xFFFFFFE0];
	v39 =	vadd.bf16 v63, v60;
	v14 =	vadd.bf16 v41, v57  }
0x5b: {  	s26 =	sand.u32 $0x800, s24;
	s28 =	sand.u32 $0x380, s24;
	v58 =	vld [tilespmem:s31+$0x60];
	v8 =	vadd.bf16 v8, v3;
	v17 =	vadd.bf16 v52, v13  }
0x5c: {  	s26 =	sor.u32 s28, s26;
	v59 =	vld [tilespmem:s31+$0xE0];
	v45 =	vadd.bf16 v45, v39;
	v40 =	vadd.bf16 v40, v14  }
0x5d: {  	v51 =	vunpack.i.u.bf16.f32 v42;
	v54 =	vadd.bf16 v22, v20;
	v13 =	vld [tilespmem:s26+$0x10];
	v62 =	vadd.bf16 v53, v17  }
0x5e: {  	v26 =	vld [tilespmem:s26+$0x0];
	v50 =	vunpack.i.l.bf16.f32 v42;
	v53 =	vadd.bf16 v56, v45;
	v37 =	vadd.bf16 v37, v40  }
0x5f: {  	v61 =	vld [tilespmem:s31+$0x70];
	v48 =	vunpack.i.l.bf16.f32 v49;
	v23 =	vadd.bf16 v23, v33;
	v16 =	vadd.bf16 v36, v62  }
0x60: {  	v15 =	vld [tilespmem:s26+$0x30];
	v49 =	vunpack.i.u.bf16.f32 v49;
	v34 =	vadd.bf16 v34, v53;
	v35 =	vadd.bf16 v35, v37  }
0x61: {  	v22 =	vld [tilespmem:s26+$0x40];
	v44 =	vunpack.i.u.bf16.f32 v57;
	v40 =	vadd.bf16 v7, v8;
	v55 =	vadd.bf16 v58, v16  }
0x62: {  	v14 =	vld [tilespmem:s26+$0x20];
	v53 =	vunpack.i.u.bf16.f32 v17;
	v44 =	vmul.f32 v44, v13;
	v18 =	vunpack.i.l.bf16.f32 v35  }
0x63: {  	v63 =	vld [tilespmem:s31+$0xF0];
	v37 =	vunpack.i.l.bf16.f32 v57;
	v38 =	vadd.bf16 v59, v55;
	v56 =	vmul.f32 v18, v26  }
0x64: {  	v36 =	vld [tilespmem:s31+$0x80];
	v34 =	vadd.bf16 v25, v34;
	v35 =	vunpack.i.u.bf16.f32 v35;
	v18 =	vadd.bf16 v21, v54  }
0x65: {  	v45 =	vld [tilespmem:s31+$0x100];
	v35 =	vmul.f32 v35, v13;
	v38 =	vadd.bf16 v30, v38;
	v42 =	vadd.f32 $0.0e+00, v56  }
0x66: {  	v57 =	vunpack.i.l.bf16.f32 v34;
	v59 =	vunpack.i.u.bf16.f32 v34;
	v21 =	vld [tilespmem:s26+$0x50];
	v41 =	vadd.bf16 v61, v18  }
0x67: {  	v19 =	vld [tilespmem:s31+$0x1F0];
	v58 =	vmul.f32 v57, v14;
	v60 =	vadd.bf16 v31, v38;
	v35 =	vadd.f32 v42, v35  }
0x68: {  	v43 =	vld [tilespmem:s31+$0x90];
	v55 =	vunpack.i.l.bf16.f32 v17;
	v33 =	vmul.f32 v59, v15;
	v61 =	vadd.bf16 v63, v41  }
0x69: {  	v47 =	vld [tilespmem:s31+$0xA0];
	v36 =	vadd.bf16 v36, v23;
	v62 =	vunpack.i.l.bf16.f32 v60;
	v35 =	vadd.f32 v58, v35  }
0x6a: {  	v46 =	vld [tilespmem:s31+$0x110];
	v63 =	vadd.bf16 v29, v61;
	v29 =	vadd.bf16 v28, v32;
	v28 =	vunpack.i.u.bf16.f32 v60  }
0x6b: {  	v52 =	vld [tilespmem:s31+$0x120];
	v56 =	vmul.f32 v62, v22;
	v58 =	vadd.bf16 v45, v36;
	v28 =	vmul.f32 v28, v21  }
0x6c: {  	s25 =	simm.s32 $0x2B40;
	v25 =	vld [tilespmem:s26+$0x60];
	v33 =	vadd.f32 v35, v33;
	v19 =	vadd.bf16 v19, v63;
	v35 =	vunpack.i.l.bf16.f32 v39  }
0x6d: {  	v17 =	vld [tilespmem:s25+$0xFFFFFF90];
	v11 =	vadd.bf16 v11, v58;
	v63 =	vunpack.i.u.bf16.f32 v39;
	v35 =	vmul.f32 v35, v14  }
0x6e: {  	v30 =	vld [tilespmem:s26+$0x70];
	v61 =	vadd.bf16 v43, v29;
	v14 =	vmul.f32 v14, v48;
	v63 =	vmul.f32 v63, v15  }
0x6f: {  	v38 =	vld [tilespmem:s26+$0x410];
	v33 =	vadd.f32 v56, v33;
	v60 =	vunpack.i.l.bf16.f32 v19;
	v9 =	vadd.bf16 v9, v11  }
0x70: {  	v31 =	vld [tilespmem:s26+$0x400];
	v11 =	vadd.bf16 v46, v61;
	v46 =	vmul.f32 v22, v55;
	v55 =	vunpack.i.l.bf16.f32 v18  }
0x71: {  	v57 =	vld [tilespmem:s31+$0xB0];
	v43 =	vmul.f32 v60, v25;
	v28 =	vadd.f32 v33, v28;
	v33 =	vadd.bf16 v10, v12  }
0x72: {  	v41 =	vld [tilespmem:s26+$0x420];
	v10 =	vunpack.i.u.bf16.f32 v19;
	v11 =	vadd.bf16 v1, v11;
	v7 =	vunpack.i.u.bf16.f32 v9  }
0x73: {  	v32 =	vld [tilespmem:s26+$0x430];
	v10 =	vmul.f32 v10, v30;
	v19 =	vadd.f32 v43, v28;
	v47 =	vadd.bf16 v47, v33  }
0x74: {  	v59 =	vld [tilespmem:s31+$0x130];
	v7 =	vmul.f32 v7, v38;
	v28 =	vunpack.i.l.bf16.f32 v9;
	v8 =	vadd.bf16 v2, v11  }
0x75: {  	v42 =	vld [tilespmem:s26+$0x460];
	v10 =	vadd.f32 v19, v10;
	v19 =	vmul.f32 v28, v31;
	v9 =	vadd.bf16 v52, v47  }
0x76: {  	v62 =	vld [tilespmem:s31+$0x1B0];
	v11 =	vunpack.i.l.bf16.f32 v8;
	v28 =	vmul.f32 v37, v26;
	v26 =	vmul.f32 v26, v50  }
0x77: {  	v36 =	vld [tilespmem:s26+$0x440];
	v56 =	vunpack.i.u.bf16.f32 v8;
	v50 =	vmul.f32 v15, v49;
	v11 =	vmul.f32 v11, v41  }
0x78: {  	v39 =	vld [tilespmem:s26+$0x450];
	v37 =	vmul.f32 v56, v32;
	v56 =	vunpack.i.l.bf16.f32 v20;
	v10 =	vadd.f32 v19, v10  }
0x79: {  	v12 =	vld [tilespmem:s31+$0x230];
	v9 =	vadd.bf16 v6, v9;
	v19 =	vadd.bf16 v57, v40;
	v57 =	vunpack.i.l.bf16.f32 v16  }
0x7a: {  	v1 =	vld [tilespmem:s25+$0x220];
	v28 =	vadd.f32 $0.0e+00, v28;
	v26 =	vadd.f32 $0.0e+00, v26;
	v34 =	vmul.f32 v57, v22  }
0x7b: {  	v2 =	vld [tilespmem:s25+$0x1A0];
	v57 =	vunpack.i.u.bf16.f32 v18;
	v10 =	vadd.f32 v10, v7;
	v5 =	vadd.bf16 v5, v9  }
0x7c: {  	v43 =	vld [tilespmem:s26+$0x470];
	v19 =	vadd.bf16 v59, v19;
	v59 =	vmul.f32 v13, v51;
	v51 =	vunpack.i.u.bf16.f32 v16  }
0x7d: {  	v8 =	vld [tilespmem:s25+$0x190];
	v28 =	vadd.f32 v28, v44;
	v54 =	vmul.f32 v51, v21;
	v21 =	vmul.f32 v21, v53  }
0x7e: {  	v15 =	vld [tilespmem:s25+$0x10];
	v51 =	vunpack.i.l.bf16.f32 v33;
	v33 =	vunpack.i.u.bf16.f32 v33;
	v11 =	vadd.f32 v11, v10  }
0x7f: {  	v6 =	vld [tilespmem:s25+$0x210];
	v45 =	vadd.bf16 v62, v19;
	v19 =	vunpack.i.l.bf16.f32 v5;
	v5 =	vunpack.i.u.bf16.f32 v5  }
0x80: {  	v22 =	vld [tilespmem:s25+$0xFFFFFF20];
	v60 =	vadd.f32 v59, v26;
	v35 =	vadd.f32 v35, v28;
	v59 =	vunpack.i.l.bf16.f32 v23  }
0x81: {  	v18 =	vld [tilespmem:s25+$0x1E0];
	v58 =	vmul.f32 v19, v36;
	v37 =	vadd.f32 v11, v37;
	v45 =	vadd.bf16 v12, v45  }
0x82: {  	v7 =	vld [tilespmem:s25+$0x30];
	v5 =	vmul.f32 v5, v39;
	v44 =	vadd.f32 v14, v60;
	v35 =	vadd.f32 v35, v63  }
0x83: {  	v9 =	vld [tilespmem:s25+$0xFFFFFFB0];
	v37 =	vadd.f32 v58, v37;
	v61 =	vunpack.i.l.bf16.f32 v45;
	v45 =	vunpack.i.u.bf16.f32 v45  }
0x84: {  	v13 =	vld [tilespmem:s25+$0xFFFFFFA0];
	v52 =	vadd.f32 v50, v44;
	v35 =	vadd.f32 v34, v35;
	v44 =	vmul.f32 v55, v25  }
0x85: {  	v16 =	vld [tilespmem:s25+$0x170];
	v25 =	vmul.f32 v25, v56;
	v58 =	vunpack.i.u.bf16.f32 v20;
	v55 =	vmul.f32 v33, v39  }
0x86: {  	v10 =	vld [tilespmem:s25+$0x200];
	v62 =	vmul.f32 v61, v42;
	v5 =	vadd.f32 v37, v5;
	v37 =	vadd.f32 v46, v52  }
0x87: {  	v26 =	vld [tilespmem:s25+$0xFFFFFE30];
	v48 =	vmul.f32 v45, v43;
	v61 =	vunpack.i.l.bf16.f32 v27;
	v45 =	vadd.f32 v35, v54  }
0x88: {  	v28 =	vld [tilespmem:s25+$0xFFFFFEB0];
	v27 =	vunpack.i.u.bf16.f32 v27;
	v46 =	vmul.f32 v57, v30;
	v21 =	vadd.f32 v21, v37  }
0x89: {  	v19 =	vld [tilespmem:s25+$0xFFFFFF30];
	v52 =	vunpack.i.l.bf16.f32 v4;
	v4 =	vunpack.i.u.bf16.f32 v4;
	v44 =	vadd.f32 v44, v45  }
0x8a: {  	v11 =	vld [tilespmem:s25+$0x20];
	v30 =	vmul.f32 v30, v58;
	v4 =	vmul.f32 v39, v4;
	v60 =	vadd.f32 v25, v21  }
0x8b: {  	v12 =	vld [tilespmem:s25+$0x180];
	v5 =	vadd.f32 v62, v5;
	v37 =	vmul.f32 v59, v31;
	v44 =	vadd.f32 v44, v46  }
0x8c: {  	v14 =	vld [tilespmem:s25+$0x1F0];
	v31 =	vmul.f32 v31, v61;
	v62 =	vunpack.i.u.bf16.f32 v23;
	v30 =	vadd.f32 v30, v60  }
0x8d: {  	v34 =	vld [tilespmem:s25+$0xFFFFFE20];
	v63 =	vmul.f32 v62, v38;
	v5 =	vadd.f32 v5, v48;
	v44 =	vadd.f32 v37, v44  }
0x8e: {  	v20 =	vld [tilespmem:s25+$0x0];
	v48 =	vmul.f32 v38, v27;
	v27 =	vunpack.i.l.bf16.f32 v29;
	v30 =	vadd.f32 v31, v30  }
0x8f: {  	v33 =	vld [tilespmem:s25+$0x1C0];
	v49 =	vmul.f32 v27, v41;
	v31 =	vunpack.i.l.bf16.f32 v24;
	v44 =	vadd.f32 v44, v63  }
0x90: {  	v35 =	vld [tilespmem:s25+$0xFFFFFEA0];
	v29 =	vunpack.i.u.bf16.f32 v29;
	v41 =	vmul.f32 v41, v31;
	v50 =	vadd.f32 v48, v30  }
0x91: {  	v39 =	vld [tilespmem:s25+$0x140];
	v29 =	vmul.f32 v29, v32;
	(xrf2) =	vadd.scan.msk.f32 $0xffff, v5;
	v5 =	vunpack.i.u.bf16.f32 v24;
	v24 =	vadd.f32 v49, v44  }
0x92: {  	v23 =	vld [tilespmem:s25+$0xFFFFFF80];
	v5 =	vmul.f32 v32, v5;
	v41 =	vadd.f32 v41, v50  }
0x93: {  	v45 =	vld [tilespmem:s25+$0xFFFFFDE0];
	v44 =	vmul.f32 v51, v36;
	v53 =	vadd.f32 v24, v29  }
0x94: {  	v25 =	vld [tilespmem:s25+$0xFFFFFF10];
	v36 =	vmul.f32 v36, v52;
	v5 =	vadd.f32 v5, v41  }
0x95: {  	v21 =	vld [tilespmem:s25+$0x160];
	v54 =	vadd.f32 v44, v53  }
0x96: {  	v56 =	vunpack.i.l.bf16.f32 v40;
	v38 =	vld [tilespmem:s25+$0xFFFFFE90];
	v5 =	vadd.f32 v36, v5  }
0x97: {  	v58 =	vmul.f32 v56, v42;
	v46 =	vld [tilespmem:s25+$0xFFFFFE40];
	v44 =	vadd.f32 v54, v55  }
0x98: {  	v27 =	vld [tilespmem:s25+$0x1D0];
	v4 =	vadd.f32 v4, v5;
	v5 =	vunpack.i.u.bf16.f32 v40  }
0x99: {  	v57 =	vunpack.i.l.bf16.f32 v3;
	v37 =	vld [tilespmem:s25+$0xFFFFFE10];
	v59 =	vadd.f32 v58, v44;
	v5 =	vmul.f32 v5, v43  }
0x9a: {  	v42 =	vmul.f32 v42, v57;
	v32 =	vld [tilespmem:s25+$0x150]  }
0x9b: {  	v3 =	vunpack.i.u.bf16.f32 v3;
	v31 =	vld [tilespmem:s25+$0xFFFFFF00];
	v5 =	vadd.f32 v59, v5  }
0x9c: {  	v3 =	vmul.f32 v43, v3;
	v30 =	vld [tilespmem:s25+$0xFFFFFFF0];
	v4 =	vadd.f32 v42, v4  }
0x9d: {  	v24 =	vld [tilespmem:s25+$0xFFFFFE00];
	v60, _, _ =	vpop (xrf2);
	(xrf2) =	vadd.scan.msk.f32 $0xffff, v5  }
0x9e: {  	v29 =	vld [tilespmem:s25+$0xFFFFFE80];
	v63 =	vadd.f32 v3, v4  }
0x9f: {  	v41 =	vld [tilespmem:s25+$0xFFFFFDF0]  }
0xa0: {  	v36 =	vld [tilespmem:s25+$0xFFFFFFE0];
	(xrf2) =	vadd.scan.msk.f32 $0xffff, v63  }
0xa1: {  	v44 =	vld [tilespmem:s25+$0xFFFFFE70]  }
0xa2: {  	v61 =	vmov s24;
	v62 =	vbroadcast v60, $0xF;
	v40 =	vld [tilespmem:s25+$0xFFFFFDC0]  }
0xa3: {  	s30 =	simm.s32 $0x2;
	vm0 =	veq.s32 v61, v0;
	v43 =	vld [tilespmem:s25+$0x40];
	v4 =	vimm.f32 $0.0e+00  }
0xa4: {  	s29 =	simm.s32 $0x0;
	s28 =	simm.s32 $0x1;
	s26 =	sshll.u32 s22, $0x1;
	v42 =	vld [tilespmem:s25+$0xC0];
	v3 =	vsel vm0, v62, v4;
	v5 =	vimm.f32 $0.0e+00  }
.LBB2_3:
0xa5: {  	p0 =	sne.s32 s30, $0xF;
	v47 =	vld [tilespmem:s25+$0xFFFFFF40]  }
0xa6: {  	v48 =	vld [tilespmem:s25+$0xFFFFFEC0]  }
0xa7: {  	v49 =	vld [tilespmem:s25+$0xFFFFFDD0];
	v50, _, _ =	vpop (xrf2)  }
0xa8: {  	v51 =	vld [tilespmem:s25+$0xFFFFFE50];
	v53 =	vbroadcast v50, $0xF  }
0xa9: {  	v40 =	vadd.bf16 v46, v40;
	v46 =	vld [tilespmem:s25+$0xFFFFFFC0]  }
0xaa: {  	v52 =	vld [tilespmem:s25+$0xFFFFFED0];
	v4 =	vsel vm0, v53, v4;
	v50, _, _ =	vpop (xrf2)  }
0xab: {  	v48 =	vadd.bf16 v48, v40;
	v53 =	vld [tilespmem:s25+$0xFFFFFE60];
	v50 =	vbroadcast v50, $0xF  }
0xac: {  	v34 =	vadd.bf16 v35, v34;
	v35 =	vadd.bf16 v28, v26;
	v54 =	vld [tilespmem:s25+$0xFFFFFF50]  }
0xad: {  	v40 =	vunpack.i.l.bf16.f32 v48;
	v26 =	vadd.bf16 v47, v48;
	v47 =	vadd.bf16 v51, v49;
	v51 =	vld [tilespmem:s25+$0xFFFFFEE0]  }
0xae: {  	v55 =	vadd.bf16 v29, v24;
	v56 =	vadd.bf16 v38, v37;
	v28 =	vunpack.i.u.bf16.f32 v48;
	v48 =	vld [tilespmem:s25+$0xFFFFFFD0]  }
0xaf: {  	v5 =	vsel vm0, v50, v5;
	v24 =	vadd.bf16 v46, v26;
	v29 =	vadd.bf16 v52, v47;
	v37 =	vld [tilespmem:s25+$0xFFFFFF60]  }
0xb0: {  	v44 =	vadd.bf16 v44, v41;
	v38 =	vld [tilespmem:s25+$0x50];
	v26 =	vadd.bf16 v53, v45  }
0xb1: {  	v49 =	vunpack.i.l.bf16.f32 v24;
	v43 =	vadd.bf16 v43, v24;
	v45 =	vadd.bf16 v54, v29;
	v46 =	vld [tilespmem:s25+$0xFFFFFEF0]  }
0xb2: {  	s24 =	sadd.s32 $0x80, s24;
	s29 =	sadd.s32 $0x100, s29;
	v41 =	vunpack.i.u.bf16.f32 v24;
	v24 =	vadd.bf16 v19, v35;
	v47 =	vld [tilespmem:s25+$0xD0];
	v26 =	vadd.bf16 v51, v26  }
0xb3: {  	s31 =	sand.u32 $0x800, s29;
	s0 =	sand.u32 $0x380, s24;
	v35 =	vunpack.i.l.bf16.f32 v29;
	v42 =	vadd.bf16 v42, v43;
	v43 =	vadd.bf16 v48, v45;
	v45 =	vld [tilespmem:s25+$0xFFFFFF70]  }
0xb4: {  	s31 =	sor.u32 s0, s31;
	v19 =	vunpack.i.u.bf16.f32 v29;
	v29 =	vadd.bf16 v22, v34;
	v37 =	vadd.bf16 v37, v26;
	v48 =	vld [tilespmem:s25+$0x60]  }
0xb5: {  	v50 =	vld [tilespmem:s31+$0x0];
	v51 =	vadd.bf16 v39, v42;
	v42 =	vunpack.i.l.bf16.f32 v43;
	v38 =	vadd.bf16 v38, v43  }
0xb6: {  	v39 =	vunpack.i.u.bf16.f32 v43;
	v34 =	vadd.bf16 v36, v37;
	v36 =	vld [tilespmem:s25+$0xE0];
	v22 =	vadd.bf16 v46, v44  }
0xb7: {  	v37 =	vunpack.i.l.bf16.f32 v26;
	v43 =	vld [tilespmem:s31+$0x10];
	v44 =	vadd.bf16 v33, v51;
	v46 =	vadd.bf16 v47, v38  }
0xb8: {  	v33 =	vadd.bf16 v25, v56;
	v38 =	vunpack.i.l.bf16.f32 v34;
	v45 =	vadd.bf16 v45, v22;
	v51 =	vld [tilespmem:s25+$0x70]  }
0xb9: {  	v25 =	vunpack.i.l.bf16.f32 v44;
	v47 =	vld [tilespmem:s31+$0x20];
	v32 =	vadd.bf16 v32, v46;
	v46 =	vadd.bf16 v48, v34  }
0xba: {  	v48 =	vmul.f32 v25, v50;
	v30 =	vadd.bf16 v30, v45;
	v52 =	vld [tilespmem:s25+$0xF0];
	v25 =	vadd.bf16 v31, v55  }
0xbb: {  	v31 =	vunpack.i.u.bf16.f32 v44;
	v44 =	vld [tilespmem:s31+$0x30];
	v27 =	vadd.bf16 v27, v32;
	v32 =	vadd.bf16 v36, v46  }
0xbc: {  	v36 =	vadd.f32 $0.0e+00, v48;
	v31 =	vmul.f32 v31, v43;
	v23 =	vadd.bf16 v23, v25;
	v46 =	vld [tilespmem:s25+$0x80]  }
0xbd: {  	v45 =	vunpack.i.l.bf16.f32 v27;
	v48 =	vld [tilespmem:s31+$0x40];
	v21 =	vadd.bf16 v21, v32;
	v32 =	vadd.bf16 v51, v30  }
0xbe: {  	v31 =	vadd.f32 v36, v31;
	v36 =	vmul.f32 v45, v47;
	v20 =	vadd.bf16 v20, v23;
	v23 =	vld [tilespmem:s25+$0x100]  }
0xbf: {  	v27 =	vunpack.i.u.bf16.f32 v27;
	v45 =	vld [tilespmem:s31+$0x50];
	v18 =	vadd.bf16 v18, v21;
	v21 =	vadd.bf16 v52, v32  }
0xc0: {  	v32 =	vadd.bf16 v17, v33;
	v31 =	vadd.f32 v36, v31;
	v27 =	vmul.f32 v27, v44;
	v36 =	vld [tilespmem:s25+$0x90]  }
0xc1: {  	v51 =	vunpack.i.l.bf16.f32 v18;
	v17 =	vld [tilespmem:s31+$0x60];
	v52 =	vadd.bf16 v16, v21;
	v46 =	vadd.bf16 v46, v20  }
0xc2: {  	v21 =	vadd.bf16 v15, v32;
	v27 =	vadd.f32 v31, v27;
	v31 =	vmul.f32 v51, v48;
	v15 =	vld [tilespmem:s25+$0x110]  }
0xc3: {  	v18 =	vunpack.i.u.bf16.f32 v18;
	v16 =	vld [tilespmem:s31+$0x70];
	v14 =	vadd.bf16 v14, v52;
	v23 =	vadd.bf16 v23, v46  }
0xc4: {  	v13 =	vadd.bf16 v13, v29;
	v27 =	vadd.f32 v31, v27;
	v31 =	vmul.f32 v18, v45;
	v32 =	vld [tilespmem:s25+$0xA0]  }
0xc5: {  	v46 =	vunpack.i.l.bf16.f32 v14;
	v18 =	vld [tilespmem:s31+$0x400];
	v12 =	vadd.bf16 v12, v23;
	v23 =	vadd.bf16 v36, v21  }
0xc6: {  	v31 =	vadd.f32 v27, v31;
	v36 =	vmul.f32 v46, v17;
	v27 =	vadd.bf16 v11, v13;
	v11 =	vld [tilespmem:s25+$0x120]  }
0xc7: {  	v13 =	vunpack.i.u.bf16.f32 v14;
	v46 =	vld [tilespmem:s31+$0x410];
	v10 =	vadd.bf16 v10, v12;
	v12 =	vadd.bf16 v15, v23  }
0xc8: {  	v9 =	vadd.bf16 v9, v24;
	v14 =	vadd.f32 v36, v31;
	v13 =	vmul.f32 v13, v16;
	v15 =	vld [tilespmem:s25+$0xB0]  }
0xc9: {  	v31 =	vunpack.i.l.bf16.f32 v10;
	v23 =	vld [tilespmem:s31+$0x420];
	v8 =	vadd.bf16 v8, v12;
	v12 =	vadd.bf16 v32, v27  }
0xca: {  	v36 =	vadd.bf16 v7, v9;
	v13 =	vadd.f32 v14, v13;
	v14 =	vmul.f32 v31, v18;
	v7 =	vld [tilespmem:s25+$0x130]  }
0xcb: {  	v9 =	vunpack.i.u.bf16.f32 v10;
	v31 =	vld [tilespmem:s31+$0x430];
	v6 =	vadd.bf16 v6, v8;
	v8 =	vadd.bf16 v11, v12  }
0xcc: {  	v10 =	vmul.f32 v49, v50;
	v11 =	vadd.f32 v14, v13;
	v9 =	vmul.f32 v9, v46;
	v12 =	vld [tilespmem:s25+$0x1B0]  }
0xcd: {  	v13 =	vunpack.i.l.bf16.f32 v6;
	v32 =	vld [tilespmem:s31+$0x440];
	v2 =	vadd.bf16 v2, v8;
	v8 =	vadd.bf16 v15, v36  }
0xce: {  	v14 =	vmul.f32 v50, v40;
	v9 =	vadd.f32 v11, v9;
	v11 =	vmul.f32 v13, v23;
	v13 =	vld [tilespmem:s25+$0x230]  }
0xcf: {  	v6 =	vunpack.i.u.bf16.f32 v6;
	s25 =	sadd.s32 $0x480, s25;
	v40 =	vld [tilespmem:s31+$0x450];
	v15 =	vadd.bf16 v1, v2;
	v2 =	vadd.bf16 v7, v8  }
0xd0: {  	v7 =	vadd.f32 $0.0e+00, v10;
	v1 =	vld [tilespmem:s25+$0x220];
	v8 =	vadd.f32 v11, v9;
	v6 =	vmul.f32 v6, v31  }
0xd1: {  	v9 =	vmul.f32 v41, v43;
	v10 =	vunpack.i.l.bf16.f32 v15;
	v41 =	vld [tilespmem:s31+$0x460];
	v11 =	vadd.bf16 v12, v2  }
0xd2: {  	v12 =	vadd.f32 $0.0e+00, v14;
	v2 =	vld [tilespmem:s25+$0x1A0];
	v8 =	vadd.f32 v8, v6;
	v10 =	vmul.f32 v10, v32  }
0xd3: {  	v14 =	vmul.f32 v43, v28;
	v15 =	vunpack.i.u.bf16.f32 v15;
	v43 =	vld [tilespmem:s31+$0x470];
	v11 =	vadd.bf16 v13, v11  }
0xd4: {  	v13 =	vadd.f32 v7, v9;
	v6 =	vld [tilespmem:s25+$0x210];
	v9 =	vadd.f32 v10, v8;
	v10 =	vmul.f32 v15, v40  }
0xd5: {  	v12 =	vadd.f32 v14, v12;
	v14 =	vmul.f32 v42, v47;
	v7 =	vld [tilespmem:s25+$0x30];
	v15 =	vunpack.i.l.bf16.f32 v11  }
0xd6: {  	v28 =	vmul.f32 v47, v35;
	v8 =	vld [tilespmem:s25+$0x190];
	v35 =	vadd.f32 v9, v10;
	v15 =	vmul.f32 v15, v41  }
0xd7: {  	v13 =	vadd.f32 v14, v13;
	v14 =	vmul.f32 v39, v44;
	v11 =	vunpack.i.u.bf16.f32 v11;
	v9 =	vld [tilespmem:s25+$0xFFFFFFB0]  }
0xd8: {  	v28 =	vadd.f32 v28, v12;
	v10 =	vld [tilespmem:s25+$0x200];
	v12 =	vadd.f32 v15, v35;
	v15 =	vmul.f32 v11, v43  }
0xd9: {  	v13 =	vadd.f32 v13, v14;
	v14 =	vmul.f32 v38, v48;
	v35 =	vmul.f32 v44, v19;
	v11 =	vld [tilespmem:s25+$0x20]  }
0xda: {  	v34 =	vunpack.i.u.bf16.f32 v34;
	v37 =	vmul.f32 v48, v37;
	v19 =	vld [tilespmem:s25+$0xFFFFFF30];
	v15 =	vadd.f32 v12, v15  }
0xdb: {  	v26 =	vunpack.i.u.bf16.f32 v26;
	v14 =	vadd.f32 v14, v13;
	v28 =	vadd.f32 v35, v28;
	v12 =	vld [tilespmem:s25+$0x180]  }
0xdc: {  	v34 =	vmul.f32 v34, v45;
	v38 =	vunpack.i.l.bf16.f32 v30;
	v35 =	vmul.f32 v45, v26;
	v13 =	vld [tilespmem:s25+$0xFFFFFFA0];
	(xrf2) =	vadd.scan.msk.f32 $0xffff, v15  }
0xdd: {  	v38 =	vmul.f32 v38, v17;
	v15 =	vadd.f32 v37, v28;
	v37 =	vunpack.i.l.bf16.f32 v22;
	v26 =	vld [tilespmem:s25+$0xFFFFFE30]  }
0xde: {  	v30 =	vunpack.i.u.bf16.f32 v30;
	v34 =	vadd.f32 v14, v34;
	v17 =	vmul.f32 v17, v37;
	v28 =	vld [tilespmem:s25+$0xFFFFFEB0]  }
0xdf: {  	v30 =	vmul.f32 v30, v16;
	v22 =	vunpack.i.u.bf16.f32 v22;
	v35 =	vadd.f32 v35, v15;
	v14 =	vld [tilespmem:s25+$0x1F0]  }
0xe0: {  	v37 =	vmul.f32 v16, v22;
	v34 =	vadd.f32 v38, v34;
	v16 =	vunpack.i.l.bf16.f32 v20;
	v15 =	vld [tilespmem:s25+$0x10]  }
0xe1: {  	v38 =	vmul.f32 v16, v18;
	v35 =	vadd.f32 v17, v35;
	v17 =	vunpack.i.l.bf16.f32 v25;
	v22 =	vld [tilespmem:s25+$0xFFFFFF20]  }
0xe2: {  	v20 =	vunpack.i.u.bf16.f32 v20;
	v30 =	vadd.f32 v34, v30;
	v18 =	vmul.f32 v18, v17;
	v16 =	vld [tilespmem:s25+$0x170]  }
0xe3: {  	v20 =	vmul.f32 v20, v46;
	v25 =	vunpack.i.u.bf16.f32 v25;
	v37 =	vadd.f32 v37, v35;
	v17 =	vld [tilespmem:s25+$0xFFFFFF90]  }
0xe4: {  	v25 =	vmul.f32 v46, v25;
	v30 =	vadd.f32 v38, v30;
	v38 =	vunpack.i.l.bf16.f32 v21;
	v34 =	vld [tilespmem:s25+$0xFFFFFE20]  }
0xe5: {  	v39 =	vunpack.i.l.bf16.f32 v33;
	v38 =	vmul.f32 v38, v23;
	v37 =	vadd.f32 v18, v37;
	v35 =	vld [tilespmem:s25+$0xFFFFFEA0]  }
0xe6: {  	v23 =	vmul.f32 v23, v39;
	v39 =	vunpack.i.u.bf16.f32 v21;
	v30 =	vadd.f32 v30, v20;
	v18 =	vld [tilespmem:s25+$0x1E0];
	v21, _, _ =	vpop (xrf2)  }
0xe7: {  	v42 =	vmov s28;
	s28 =	smov.u32 s30;
	v37 =	vadd.f32 v25, v37;
	v20 =	vld [tilespmem:s25+$0x0];
	v44 =	vbroadcast v21, $0xF  }
0xe8: {  	vm0 =	veq.s32 v42, v0;
	v33 =	vunpack.i.u.bf16.f32 v33;
	v30 =	vadd.f32 v38, v30;
	v25 =	vld [tilespmem:s25+$0xFFFFFF10]  }
0xe9: {  	v38 =	vmul.f32 v39, v31;
	v42 =	vadd.f32 v23, v37;
	v21 =	vld [tilespmem:s25+$0x160];
	v3 =	vsel vm0, v44, v3  }
0xea: {  	v31 =	vmul.f32 v31, v33;
	v33 =	vunpack.i.l.bf16.f32 v29;
	v39 =	vunpack.i.l.bf16.f32 v27;
	v23 =	vld [tilespmem:s25+$0xFFFFFF80]  }
0xeb: {  	v33 =	vmul.f32 v32, v33;
	v32 =	vmul.f32 v39, v32;
	v30 =	vadd.f32 v30, v38;
	v37 =	vld [tilespmem:s25+$0xFFFFFE10]  }
0xec: {  	v29 =	vunpack.i.u.bf16.f32 v29;
	v39 =	vunpack.i.u.bf16.f32 v27;
	v31 =	vadd.f32 v31, v42;
	v38 =	vld [tilespmem:s25+$0xFFFFFE90]  }
0xed: {  	v29 =	vmul.f32 v40, v29;
	v39 =	vmul.f32 v39, v40;
	v32 =	vadd.f32 v32, v30;
	v27 =	vld [tilespmem:s25+$0x1D0]  }
0xee: {  	v40 =	vunpack.i.l.bf16.f32 v24;
	v42 =	vunpack.i.l.bf16.f32 v36;
	v33 =	vadd.f32 v33, v31;
	v30 =	vld [tilespmem:s25+$0xFFFFFFF0]  }
0xef: {  	v40 =	vmul.f32 v41, v40;
	v39 =	vadd.f32 v32, v39;
	v41 =	vmul.f32 v42, v41;
	v31 =	vld [tilespmem:s25+$0xFFFFFF00]  }
0xf0: {  	v36 =	vunpack.i.u.bf16.f32 v36;
	v33 =	vadd.f32 v29, v33;
	v29 =	vunpack.i.u.bf16.f32 v24;
	v32 =	vld [tilespmem:s25+$0x150]  }
0xf1: {  	v36 =	vmul.f32 v36, v43;
	v39 =	vadd.f32 v41, v39;
	v42 =	vmul.f32 v43, v29;
	v24 =	vld [tilespmem:s25+$0xFFFFFE00]  }
0xf2: {  	v40 =	vadd.f32 v40, v33;
	v29 =	vld [tilespmem:s25+$0xFFFFFE80]  }
0xf3: {  	v41 =	vadd.f32 v39, v36;
	v33 =	vld [tilespmem:s25+$0x1C0]  }
0xf4: {  	v40 =	vadd.f32 v42, v40;
	v36 =	vld [tilespmem:s25+$0xFFFFFFE0]  }
0xf5: {  	v39 =	vld [tilespmem:s25+$0x140];
	(xrf2) =	vadd.scan.msk.f32 $0xffff, v41  }
0xf6: {  	v41 =	vld [tilespmem:s25+$0xFFFFFDF0]  }
0xf7: {  	v44 =	vld [tilespmem:s25+$0xFFFFFE70]  }
.Ltmp0:
0xf8: {  	v42 =	vld [tilespmem:s25+$0xC0];
	(xrf2) =	vadd.scan.msk.f32 $0xffff, v40;
	(pc) =	sbr.rel @p0 .LBB2_3-.Ltmp0, $4  }
0xf9: {  	v43 =	vld [tilespmem:s25+$0x40]  }
0xfa: {  	v45 =	vld [tilespmem:s25+$0xFFFFFDE0]  }
0xfb: {  	v40 =	vld [tilespmem:s25+$0xFFFFFDC0]  }
0xfc: {  	s30 =	sadd.s32 $0x1, s30;
	v46 =	vld [tilespmem:s25+$0xFFFFFE40]  }
0xfd: {  	v48 =	vld [tilespmem:s25+$0xFFFFFEC0]  }
0xfe: {  	v49 =	vld [tilespmem:s25+$0xFFFFFDD0]  }
0xff: {  	v50 =	vld [tilespmem:s25+$0xFFFFFE50]  }
0x100: {  	v47 =	vld [tilespmem:s25+$0xFFFFFF40]  }
0x101: {  	v51 =	vld [tilespmem:s25+$0xFFFFFED0];
	v53 =	vadd.bf16 v35, v34;
	v28 =	vadd.bf16 v28, v26  }
0x102: {  	v59 =	vld [tilespmem:s25+$0xFFFFFFC0];
	v41 =	vadd.bf16 v44, v41;
	v40 =	vadd.bf16 v46, v40  }
0x103: {  	v52 =	vld [tilespmem:s25+$0xFFFFFF50];
	v19 =	vadd.bf16 v19, v28;
	v22 =	vadd.bf16 v22, v53  }
0x104: {  	v60 =	vld [tilespmem:s25+$0xFFFFFE60];
	v61 =	vadd.bf16 v50, v49;
	v40 =	vadd.bf16 v48, v40  }
0x105: {  	v63 =	vld [tilespmem:s25+$0xFFFFFFD0];
	v13 =	vadd.bf16 v13, v22;
	v9 =	vadd.bf16 v9, v19  }
0x106: {  	v62 =	vld [tilespmem:s25+$0xFFFFFEE0];
	v34 =	vadd.bf16 v51, v61;
	v26 =	vadd.bf16 v47, v40  }
0x107: {  	v54 =	vld [tilespmem:s25+$0xFFFFFF60];
	v49 =	vadd.bf16 v29, v24;
	v24 =	vadd.bf16 v38, v37  }
0x108: {  	v55 =	vld [tilespmem:s25+$0x50];
	v56 =	vadd.bf16 v52, v34;
	v26 =	vadd.bf16 v59, v26  }
0x109: {  	v45 =	vadd.bf16 v60, v45;
	v11 =	vadd.bf16 v11, v13  }
0x10a: {  	v58 =	vld [tilespmem:s25+$0xD0];
	v59 =	vadd.bf16 v63, v56;
	v43 =	vadd.bf16 v43, v26  }
0x10b: {  	v57 =	vld [tilespmem:s25+$0xFFFFFEF0];
	s0 =	sadd.s32 $0x80, s24;
	s31 =	sadd.s32 $0x100, s29;
	v44 =	vunpack.i.l.bf16.f32 v26;
	v50 =	vunpack.i.u.bf16.f32 v26;
	v26 =	vadd.bf16 v62, v45  }
0x10c: {  	s24 =	sand.u32 $0x800, s31;
	s0 =	sand.u32 $0x380, s0;
	v60 =	vld [tilespmem:s25+$0xFFFFFF70];
	v7 =	vadd.bf16 v7, v9;
	v37 =	vunpack.i.l.bf16.f32 v40;
	v28 =	vadd.bf16 v42, v43  }
0x10d: {  	s24 =	sor.u32 s0, s24;
	v61 =	vld [tilespmem:s25+$0x60];
	v29 =	vunpack.i.u.bf16.f32 v40;
	v40 =	vadd.bf16 v55, v59;
	v38 =	vadd.bf16 v54, v26  }
0x10e: {  	v46 =	vld [tilespmem:s24+$0x0];
	v24 =	vadd.bf16 v25, v24;
	v39 =	vadd.bf16 v39, v28  }
0x10f: {  	v62 =	vld [tilespmem:s25+$0xE0];
	v40 =	vadd.bf16 v58, v40;
	v36 =	vadd.bf16 v36, v38  }
0x110: {  	v28 =	vadd.bf16 v57, v41;
	v41 =	vld [tilespmem:s24+$0x10];
	v39 =	vadd.bf16 v33, v39  }
0x111: {  	v63 =	vld [tilespmem:s25+$0x70];
	v47 =	vunpack.i.l.bf16.f32 v59;
	v42 =	vunpack.i.u.bf16.f32 v59;
	v32 =	vadd.bf16 v32, v40  }
0x112: {  	v52 =	vld [tilespmem:s24+$0x20];
	v43 =	vadd.bf16 v60, v28;
	v53 =	vadd.bf16 v61, v36;
	v25 =	vunpack.i.l.bf16.f32 v39  }
0x113: {  	v55 =	vld [tilespmem:s25+$0xF0];
	v27 =	vadd.bf16 v27, v32;
	v54 =	vmul.f32 v25, v46;
	v25 =	vadd.bf16 v31, v49  }
0x114: {  	v30 =	vadd.bf16 v30, v43;
	v56 =	vadd.bf16 v62, v53;
	v31 =	vunpack.i.u.bf16.f32 v39;
	v39 =	vld [tilespmem:s24+$0x30]  }
0x115: {  	v58 =	vld [tilespmem:s25+$0x80];
	v31 =	vmul.f32 v31, v41;
	v57 =	vadd.f32 $0.0e+00, v54;
	v23 =	vadd.bf16 v23, v25  }
0x116: {  	v60 =	vld [tilespmem:s24+$0x40];
	v59 =	vunpack.i.l.bf16.f32 v27;
	v21 =	vadd.bf16 v21, v56;
	v61 =	vadd.bf16 v63, v30  }
0x117: {  	v62 =	vmul.f32 v59, v52;
	v31 =	vadd.f32 v57, v31;
	v20 =	vadd.bf16 v20, v23;
	v23 =	vld [tilespmem:s25+$0x100]  }
0x118: {  	v27 =	vunpack.i.u.bf16.f32 v27;
	v63 =	vld [tilespmem:s24+$0x50];
	v18 =	vadd.bf16 v18, v21;
	v21 =	vadd.bf16 v55, v61  }
0x119: {  	v51 =	vld [tilespmem:s25+$0x90];
	v17 =	vadd.bf16 v17, v24;
	v27 =	vmul.f32 v27, v39;
	v31 =	vadd.f32 v62, v31  }
0x11a: {  	v54 =	vld [tilespmem:s24+$0x60];
	v53 =	vunpack.i.l.bf16.f32 v18;
	v16 =	vadd.bf16 v16, v21;
	v21 =	vadd.bf16 v58, v20  }
0x11b: {  	v15 =	vadd.bf16 v15, v17;
	v17 =	vld [tilespmem:s25+$0x110];
	v27 =	vadd.f32 v31, v27;
	v31 =	vmul.f32 v53, v60  }
0x11c: {  	v55 =	vld [tilespmem:s24+$0x70];
	v18 =	vunpack.i.u.bf16.f32 v18;
	v14 =	vadd.bf16 v14, v16;
	v16 =	vadd.bf16 v23, v21  }
0x11d: {  	v35 =	vunpack.i.l.bf16.f32 v34;
	v18 =	vmul.f32 v18, v63;
	v23 =	vld [tilespmem:s25+$0xA0];
	v21 =	vadd.f32 v31, v27  }
0x11e: {  	v27 =	vunpack.i.l.bf16.f32 v14;
	v31 =	vld [tilespmem:s24+$0x400];
	v12 =	vadd.bf16 v12, v16;
	v16 =	vadd.bf16 v51, v15  }
0x11f: {  	v13 =	vld [tilespmem:s25+$0x120];
	v34 =	vunpack.i.u.bf16.f32 v34;
	v18 =	vadd.f32 v21, v18;
	v21 =	vmul.f32 v27, v54  }
0x120: {  	v14 =	vunpack.i.u.bf16.f32 v14;
	v27 =	vld [tilespmem:s24+$0x410];
	v10 =	vadd.bf16 v10, v12;
	v12 =	vadd.bf16 v17, v16  }
0x121: {  	v33 =	vunpack.i.l.bf16.f32 v26;
	v14 =	vmul.f32 v14, v55;
	v17 =	vld [tilespmem:s25+$0xB0];
	v16 =	vadd.f32 v21, v18  }
0x122: {  	v21 =	vld [tilespmem:s24+$0x420];
	v18 =	vunpack.i.l.bf16.f32 v10;
	v8 =	vadd.bf16 v8, v12;
	v12 =	vadd.bf16 v23, v11  }
0x123: {  	v9 =	vld [tilespmem:s25+$0x130];
	v48 =	vunpack.i.l.bf16.f32 v36;
	v14 =	vadd.f32 v16, v14;
	v16 =	vmul.f32 v18, v31  }
0x124: {  	v10 =	vunpack.i.u.bf16.f32 v10;
	v18 =	vld [tilespmem:s24+$0x430];
	v6 =	vadd.bf16 v6, v8;
	v8 =	vadd.bf16 v13, v12  }
0x125: {  	v12 =	vmul.f32 v44, v46;
	v10 =	vmul.f32 v10, v27;
	v13 =	vadd.f32 v16, v14;
	v14 =	vld [tilespmem:s25+$0x1B0]  }
0x126: {  	v23 =	vld [tilespmem:s24+$0x440];
	v16 =	vunpack.i.l.bf16.f32 v6;
	v2 =	vadd.bf16 v2, v8;
	v8 =	vadd.bf16 v17, v7  }
0x127: {  	v17 =	vmul.f32 v46, v37;
	v10 =	vadd.f32 v13, v10;
	v13 =	vmul.f32 v16, v21;
	v16 =	vld [tilespmem:s25+$0x230]  }
0x128: {  	v56 =	vld [tilespmem:s24+$0x450];
	v6 =	vunpack.i.u.bf16.f32 v6;
	v1 =	vadd.bf16 v1, v2;
	v2 =	vadd.bf16 v9, v8  }
0x129: {  	v8 =	vadd.f32 $0.0e+00, v12;
	v6 =	vmul.f32 v6, v18;
	v9 =	vadd.f32 v13, v10  }
0x12a: {  	v10 =	vmul.f32 v50, v41;
	v13 =	vld [tilespmem:s24+$0x460];
	v12 =	vunpack.i.l.bf16.f32 v1;
	v2 =	vadd.bf16 v14, v2  }
0x12b: {  	v14 =	vadd.f32 $0.0e+00, v17;
	v6 =	vadd.f32 v9, v6;
	v9 =	vmul.f32 v12, v23  }
0x12c: {  	v1 =	vunpack.i.u.bf16.f32 v1;
	v12 =	vmul.f32 v41, v29;
	v2 =	vadd.bf16 v16, v2  }
0x12d: {  	v8 =	vadd.f32 v8, v10;
	v1 =	vmul.f32 v1, v56;
	v6 =	vadd.f32 v9, v6  }
0x12e: {  	v10 =	vmul.f32 v47, v52;
	v16 =	vld [tilespmem:s24+$0x470];
	v9 =	vadd.f32 v12, v14;
	v12 =	vunpack.i.l.bf16.f32 v2  }
0x12f: {  	v14 =	vmul.f32 v52, v35;
	v1 =	vadd.f32 v6, v1;
	v6 =	vmul.f32 v12, v13  }
0x130: {  	v8 =	vadd.f32 v10, v8;
	v10 =	vmul.f32 v42, v39;
	v2 =	vunpack.i.u.bf16.f32 v2  }
0x131: {  	v9 =	vadd.f32 v14, v9;
	v1 =	vadd.f32 v6, v1;
	v6 =	vmul.f32 v39, v34  }
0x132: {  	v8 =	vadd.f32 v8, v10;
	v10 =	vmul.f32 v48, v60;
	v12 =	vmul.f32 v60, v33  }
0x133: {  	v14 =	vunpack.i.u.bf16.f32 v36;
	v2 =	vmul.f32 v2, v16;
	v6 =	vadd.f32 v6, v9  }
0x134: {  	v8 =	vadd.f32 v10, v8;
	v10 =	vmul.f32 v14, v63;
	v9 =	vunpack.i.u.bf16.f32 v26  }
0x135: {  	v14 =	vunpack.i.l.bf16.f32 v30;
	v9 =	vmul.f32 v63, v9;
	v6 =	vadd.f32 v12, v6  }
0x136: {  	v14 =	vmul.f32 v14, v54;
	v8 =	vadd.f32 v8, v10;
	v12 =	vunpack.i.l.bf16.f32 v28  }
0x137: {  	v10 =	vmul.f32 v54, v12;
	v12 =	vunpack.i.u.bf16.f32 v30;
	v6 =	vadd.f32 v9, v6  }
0x138: {  	v8 =	vadd.f32 v14, v8;
	v9 =	vunpack.i.u.bf16.f32 v28;
	v12 =	vmul.f32 v12, v55  }
0x139: {  	v14 =	vunpack.i.l.bf16.f32 v20;
	v9 =	vmul.f32 v55, v9;
	v6 =	vadd.f32 v10, v6  }
0x13a: {  	v14 =	vmul.f32 v14, v31;
	v10 =	vunpack.i.l.bf16.f32 v25;
	v8 =	vadd.f32 v8, v12  }
0x13b: {  	v12 =	vunpack.i.u.bf16.f32 v20;
	v10 =	vmul.f32 v31, v10;
	v6 =	vadd.f32 v9, v6  }
0x13c: {  	v12 =	vmul.f32 v12, v27;
	v9 =	vunpack.i.u.bf16.f32 v25;
	v8 =	vadd.f32 v14, v8  }
0x13d: {  	v14 =	vunpack.i.l.bf16.f32 v15;
	v9 =	vmul.f32 v27, v9;
	v6 =	vadd.f32 v10, v6  }
0x13e: {  	v14 =	vmul.f32 v14, v21;
	v10 =	vunpack.i.l.bf16.f32 v24;
	v8 =	vadd.f32 v8, v12  }
0x13f: {  	v12 =	vunpack.i.u.bf16.f32 v15;
	v10 =	vmul.f32 v21, v10;
	v6 =	vadd.f32 v9, v6  }
0x140: {  	v12 =	vmul.f32 v12, v18;
	v9 =	vunpack.i.u.bf16.f32 v24;
	v8 =	vadd.f32 v14, v8  }
0x141: {  	v9 =	vmul.f32 v18, v9;
	v6 =	vadd.f32 v10, v6;
	v10 =	vunpack.i.l.bf16.f32 v11  }
0x142: {  	v14 =	vunpack.i.l.bf16.f32 v22;
	v8 =	vadd.f32 v8, v12;
	v10 =	vmul.f32 v10, v23  }
0x143: {  	v12 =	vmul.f32 v23, v14;
	v6 =	vadd.f32 v9, v6;
	v9 =	vunpack.i.u.bf16.f32 v11  }
0x144: {  	v11 =	vunpack.i.u.bf16.f32 v22;
	v8 =	vadd.f32 v10, v8;
	v9 =	vmul.f32 v9, v56  }
0x145: {  	v10 =	vmul.f32 v56, v11;
	v11 =	vunpack.i.l.bf16.f32 v7;
	v6 =	vadd.f32 v12, v6  }
0x146: {  	v12 =	vunpack.i.l.bf16.f32 v19;
	v8 =	vadd.f32 v8, v9;
	v9 =	vmul.f32 v11, v13  }
0x147: {  	v7 =	vunpack.i.u.bf16.f32 v7;
	v11 =	vmul.f32 v13, v12;
	v6 =	vadd.f32 v10, v6  }
0x148: {  	v7 =	vmul.f32 v7, v16;
	v10 =	vunpack.i.u.bf16.f32 v19;
	v8 =	vadd.f32 v9, v8  }
0x149: {  	v1 =	vadd.f32 v1, v2;
	v2 =	vmul.f32 v16, v10;
	v6 =	vadd.f32 v11, v6  }
0x14a: {  	v7 =	vadd.f32 v8, v7  }
0x14b: {  	(xrf2) =	vadd.scan.msk.f32 $0xffff, v1;
	v1 =	vadd.f32 v2, v6  }
0x14c: {  	(xrf2) =	vadd.scan.msk.f32 $0xffff, v7  }
0x14d: {  	(xrf2) =	vadd.scan.msk.f32 $0xffff, v1;
	_ =	sdelay $0x5  }
0x14e: {  	v1, _, _ =	vpop (xrf2)  }
0x14f: {  	v2, _, _ =	vpop (xrf2)  }
0x150: {  	v6, _, _ =	vpop (xrf2);
	v2 =	vbroadcast v2, $0xF  }
0x151: {  	v1 =	vbroadcast v1, $0xF;
	v7, _, _ =	vpop (xrf2)  }
0x152: {  	p0 =	seq.s32 s22, $0x3;
	v9 =	vmov s28;
	v2 =	vsel vm0, v2, v5;
	v8, _, _ =	vpop (xrf2);
	v5 =	vbroadcast v7, $0xF  }
0x153: {  	s0 =	sadd.s32 @!p0 $0x2, s26;
	vm1 =	veq.s32 v9, v0;
	v1 =	vsel vm0, v1, v4;
	v8 =	vbroadcast v8, $0xF  }
0x154: {  	s26 =	sshll.u32 s22, $0x5;
	s25 =	smul.u32 @!p0 $0x240, s0;
	v4 =	vbroadcast v6, $0xF;
	v1 =	vsel vm1, v5, v1  }
0x155: {  	v2 =	vsel vm1, v8, v2;
	[tilespmem:s26+$0xB500] =	vst v1  }
0x156: {  	s0 =	sshll.u32 @!p0 s0, $0x9;
	s25 =	sshra.s32 @!p0 s25, $0x2;
	[tilespmem:s26+$0xB480] =	vst v2;
	v2 =	vsel vm1, v4, v3  }
0x157: {  	s24 =	sadd.s32 @!p0 $0x2000, s25;
	s25 =	simm.s32 @!p0 $0x90;
	[tilespmem:s26+$0xB580] =	vst v2;
	s26 =	simm.s32 @!p0 $0x2480  }
0x158: {  	[tilespmem:s26], [sflag:$0x1] =	stream.indirect.gather @!p0 [hbm4b:s3+s25], $0x80, s24, s25, $0xb8;
	[tilespmem:$0xB680] =	vst v63  }
0x159: {  	s0 =	sadd.s32 @!p0 s0, s5;
	s24 =	simm.s32 @!p0 $0x0  }
0x15a: {  	[tilespmem:s24], [sflag:$0x3] =	stream.linear.gather @!p0 [hbm4b:s0+s24], $0x1000, $0x38;
	[tilespmem:$0xB680] =	vst v63  }
0x15b: {  	_ =	swait.ge [sflag:s16], $0x4800  }
0x15c: {  	[sflag:s16] =	ssyncset.done $0x0  }
0x15d: {  	[sflag:s16] =	ssyncadd.s32 $0xFFFFB800  }
0x15e: {  	_ =	swait.ge [sflag:s17], $0x1000  }
0x15f: {  	[sflag:s17] =	ssyncset.done $0x0  }
0x160: {  	s24 =	simm.s32 $0x6EC0;
	[sflag:s17] =	ssyncadd.s32 $0xFFFFF000  }
0x161: {  	v5 =	vld [tilespmem:s24+$0x220]  }
0x162: {  	v6 =	vld [tilespmem:s24+$0x1A0]  }
0x163: {  	v7 =	vld [tilespmem:s24+$0x210]  }
0x164: {  	v2 =	vld [tilespmem:s24+$0x30]  }
0x165: {  	v8 =	vld [tilespmem:s24+$0x190]  }
0x166: {  	v1 =	vld [tilespmem:s24+$0xFFFFFFB0]  }
0x167: {  	v9 =	vld [tilespmem:s24+$0x200]  }
0x168: {  	v10 =	vld [tilespmem:s24+$0x20]  }
0x169: {  	v3 =	vld [tilespmem:s24+$0xFFFFFF30]  }
0x16a: {  	v11 =	vld [tilespmem:s24+$0x180]  }
0x16b: {  	v12 =	vld [tilespmem:s24+$0xFFFFFFA0]  }
0x16c: {  	v4 =	vld [tilespmem:s24+$0xFFFFFE30]  }
0x16d: {  	v14 =	vld [tilespmem:s24+$0xFFFFFEB0]  }
0x16e: {  	v26 =	vld [tilespmem:s24+$0x1F0]  }
0x16f: {  	v13 =	vld [tilespmem:s24+$0x10]  }
0x170: {  	v18 =	vld [tilespmem:s24+$0xFFFFFF20]  }
0x171: {  	v33 =	vld [tilespmem:s24+$0x170]  }
0x172: {  	v32 =	vld [tilespmem:s24+$0xFFFFFF90]  }
0x173: {  	v15 =	vld [tilespmem:s24+$0xFFFFFE20]  }
0x174: {  	v16 =	vld [tilespmem:s24+$0xFFFFFEA0]  }
0x175: {  	v29 =	vld [tilespmem:s24+$0x1E0]  }
0x176: {  	v23 =	vld [tilespmem:s24+$0x0]  }
0x177: {  	v31 =	vld [tilespmem:s24+$0xFFFFFF10]  }
0x178: {  	v27 =	vld [tilespmem:s24+$0x160]  }
0x179: {  	v30 =	vld [tilespmem:s24+$0xFFFFFF80]  }
0x17a: {  	v17 =	vld [tilespmem:s24+$0xFFFFFE10]  }
0x17b: {  	v19 =	vld [tilespmem:s24+$0xFFFFFE90]  }
0x17c: {  	v36 =	vld [tilespmem:s24+$0x1D0]  }
0x17d: {  	v24 =	vld [tilespmem:s24+$0xFFFFFFF0]  }
0x17e: {  	v25 =	vld [tilespmem:s24+$0xFFFFFF00]  }
0x17f: {  	v21 =	vld [tilespmem:s24+$0x150]  }
0x180: {  	v20 =	vld [tilespmem:s24+$0xFFFFFE00]  }
0x181: {  	v22 =	vld [tilespmem:s24+$0xFFFFFE80]  }
0x182: {  	v35 =	vld [tilespmem:s24+$0xFFFFFFE0]  }
0x183: {  	v37 =	vld [tilespmem:s24+$0x140]  }
0x184: {  	v28 =	vld [tilespmem:s24+$0xFFFFFDF0]  }
0x185: {  	v38 =	vld [tilespmem:s24+$0xFFFFFE70]  }
0x186: {  	v39 =	vld [tilespmem:s24+$0xC0]  }
0x187: {  	v40 =	vld [tilespmem:s24+$0x40]  }
0x188: {  	v41 =	vld [tilespmem:s24+$0xFFFFFDE0]  }
0x189: {  	v57 =	vld [tilespmem:s24+$0xFFFFFDC0]  }
0x18a: {  	v58 =	vld [tilespmem:s24+$0xFFFFFE40]  }
0x18b: {  	v44 =	vld [tilespmem:s24+$0xFFFFFF40]  }
0x18c: {  	v59 =	vld [tilespmem:s24+$0xFFFFFEC0]  }
0x18d: {  	v46 =	vld [tilespmem:s24+$0xFFFFFDD0]  }
0x18e: {  	v47 =	vld [tilespmem:s24+$0xFFFFFE50]  }
0x18f: {  	v48 =	vld [tilespmem:s24+$0xFFFFFFC0]  }
0x190: {  	v49 =	vld [tilespmem:s24+$0xFFFFFED0]  }
0x191: {  	v60 =	vld [tilespmem:s24+$0xFFFFFE60];
	v42 =	vadd.bf16 v58, v57  }
0x192: {  	v51 =	vld [tilespmem:s24+$0xFFFFFF50]  }
0x193: {  	v52 =	vld [tilespmem:s24+$0xFFFFFEE0];
	v55 =	vadd.bf16 v16, v15;
	v42 =	vadd.bf16 v59, v42  }
0x194: {  	v61 =	vld [tilespmem:s24+$0xFFFFFFD0];
	v16 =	vadd.bf16 v47, v46;
	v4 =	vadd.bf16 v14, v4  }
0x195: {  	v62 =	vld [tilespmem:s24+$0xFFFFFF60];
	v46 =	vadd.bf16 v22, v20;
	v15 =	vadd.bf16 v44, v42  }
0x196: {  	s25 =	simm.s32 $0x0;
	v63 =	vld [tilespmem:s24+$0xFFFFFEF0];
	v57 =	vadd.bf16 v19, v17;
	v14 =	vadd.bf16 v60, v41  }
0x197: {  	s30 =	sand.u32 $0x800, s25;
	s31 =	sand.u32 $0x380, s25;
	v54 =	vld [tilespmem:s24+$0x50];
	v22 =	vadd.bf16 v38, v28;
	v20 =	vadd.bf16 v48, v15  }
0x198: {  	s26 =	sor.u32 s31, s30;
	v17 =	vadd.bf16 v52, v14;
	v44 =	vld [tilespmem:s24+$0xFFFFFF70];
	v48 =	vadd.bf16 v49, v16  }
0x199: {  	v19 =	vld [tilespmem:s26+$0x1010];
	v3 =	vadd.bf16 v3, v4;
	v15 =	vadd.bf16 v40, v20  }
0x19a: {  	v47 =	vld [tilespmem:s24+$0x60];
	v4 =	vadd.bf16 v62, v17;
	v16 =	vadd.bf16 v51, v48;
	v43 =	vunpack.i.l.bf16.f32 v20  }
0x19b: {  	v34 =	vld [tilespmem:s24+$0x1C0];
	v51 =	vunpack.i.u.bf16.f32 v20;
	v20 =	vadd.bf16 v63, v22;
	v15 =	vadd.bf16 v39, v15  }
0x19c: {  	v56 =	vld [tilespmem:s24+$0xD0];
	v50 =	vunpack.i.l.bf16.f32 v42;
	v61 =	vadd.bf16 v61, v16;
	v16 =	vadd.bf16 v35, v4  }
0x19d: {  	v60 =	vld [tilespmem:s24+$0xE0];
	v28 =	vunpack.i.u.bf16.f32 v42;
	v4 =	vadd.bf16 v18, v55;
	v18 =	vadd.bf16 v44, v20  }
0x19e: {  	v38 =	vld [tilespmem:s24+$0x70];
	v28 =	vmul.f32 v19, v28;
	v37 =	vadd.bf16 v37, v15;
	v62 =	vadd.bf16 v54, v61  }
0x19f: {  	v49 =	vld [tilespmem:s26+$0x1000];
	v35 =	vunpack.i.l.bf16.f32 v48;
	v47 =	vadd.bf16 v47, v16;
	v18 =	vadd.bf16 v24, v18  }
0x1a0: {  	v40 =	vld [tilespmem:s24+$0xF0];
	v52 =	vunpack.i.l.bf16.f32 v61;
	v24 =	vadd.bf16 v25, v46;
	v12 =	vadd.bf16 v12, v4  }
0x1a1: {  	v63 =	vld [tilespmem:s24+$0x80];
	v37 =	vadd.bf16 v34, v37;
	v42 =	vadd.bf16 v56, v62;
	v34 =	vunpack.i.u.bf16.f32 v48  }
0x1a2: {  	v15 =	vld [tilespmem:s26+$0x1030];
	v41 =	vadd.bf16 v60, v47;
	v47 =	vunpack.i.u.bf16.f32 v61;
	v30 =	vadd.bf16 v30, v24  }
0x1a3: {  	v53 =	vld [tilespmem:s24+$0x90];
	v38 =	vadd.bf16 v38, v18;
	v56 =	vunpack.i.l.bf16.f32 v37;
	v42 =	vadd.bf16 v21, v42  }
0x1a4: {  	v45 =	vld [tilespmem:s24+$0xB0];
	v37 =	vunpack.i.u.bf16.f32 v37;
	v59 =	vadd.bf16 v27, v41;
	v23 =	vadd.bf16 v23, v30  }
0x1a5: {  	v14 =	vld [tilespmem:s26+$0x1020];
	v38 =	vadd.bf16 v40, v38;
	v48 =	vmul.f32 v56, v49;
	v36 =	vadd.bf16 v36, v42  }
0x1a6: {  	v44 =	vld [tilespmem:s24+$0x100];
	v37 =	vmul.f32 v37, v19;
	v39 =	vadd.bf16 v29, v59;
	v29 =	vadd.bf16 v31, v57  }
0x1a7: {  	v22 =	vld [tilespmem:s26+$0x1040];
	v34 =	vmul.f32 v15, v34;
	v33 =	vadd.bf16 v33, v38;
	v63 =	vadd.bf16 v63, v23  }
0x1a8: {  	v25 =	vld [tilespmem:s26+$0x1060];
	v58 =	vadd.f32 $0.0e+00, v48;
	v48 =	vunpack.i.l.bf16.f32 v17;
	v60 =	vunpack.i.l.bf16.f32 v36  }
0x1a9: {  	v46 =	vld [tilespmem:s24+$0x110];
	v36 =	vunpack.i.u.bf16.f32 v36;
	v62 =	vunpack.i.l.bf16.f32 v39;
	v32 =	vadd.bf16 v32, v29  }
0x1aa: {  	v61 =	vld [tilespmem:s24+$0xA0];
	v26 =	vadd.bf16 v26, v33;
	v37 =	vadd.f32 v58, v37;
	v41 =	vmul.f32 v60, v14  }
0x1ab: {  	v21 =	vld [tilespmem:s26+$0x1050];
	v39 =	vunpack.i.u.bf16.f32 v39;
	v56 =	vadd.bf16 v44, v63;
	v33 =	vadd.bf16 v10, v12  }
0x1ac: {  	v27 =	vld [tilespmem:s26+$0x1070];
	v36 =	vmul.f32 v36, v15;
	v55 =	vmul.f32 v62, v22;
	v37 =	vadd.f32 v41, v37  }
0x1ad: {  	v54 =	vld [tilespmem:s24+$0x120];
	v44 =	vadd.bf16 v13, v32;
	v59 =	vunpack.i.l.bf16.f32 v26;
	v11 =	vadd.bf16 v11, v56  }
0x1ae: {  	v31 =	vld [tilespmem:s26+$0x1410];
	v10 =	vunpack.i.u.bf16.f32 v26;
	v26 =	vadd.bf16 v1, v3;
	v36 =	vadd.f32 v37, v36  }
0x1af: {  	v30 =	vld [tilespmem:s26+$0x1400];
	v63 =	vmul.f32 v43, v49;
	v61 =	vadd.bf16 v61, v33;
	v60 =	vadd.bf16 v53, v44  }
0x1b0: {  	v40 =	vld [tilespmem:s26+$0x1420];
	v58 =	vmul.f32 v39, v21;
	v9 =	vadd.bf16 v9, v11;
	v13 =	vadd.f32 v55, v36  }
0x1b1: {  	v57 =	vld [tilespmem:s24+$0x130];
	v10 =	vmul.f32 v10, v27;
	v37 =	vmul.f32 v59, v25;
	v11 =	vadd.bf16 v46, v60  }
0x1b2: {  	v42 =	vld [tilespmem:s26+$0x1460];
	v62 =	vunpack.i.l.bf16.f32 v9;
	v9 =	vunpack.i.u.bf16.f32 v9;
	v13 =	vadd.f32 v13, v58  }
0x1b3: {  	v12 =	vld [tilespmem:s24+$0x230];
	v41 =	vadd.bf16 v2, v26;
	v53 =	vmul.f32 v49, v50;
	v9 =	vmul.f32 v9, v31  }
0x1b4: {  	v43 =	vld [tilespmem:s26+$0x1470];
	v8 =	vadd.bf16 v8, v11;
	v11 =	vmul.f32 v62, v30;
	v13 =	vadd.f32 v37, v13  }
0x1b5: {  	v39 =	vld [tilespmem:s26+$0x1450];
	v50 =	vunpack.i.u.bf16.f32 v23;
	v62 =	vmul.f32 v52, v14;
	v14 =	vmul.f32 v14, v35  }
0x1b6: {  	v32 =	vld [tilespmem:s26+$0x1430];
	v52 =	vmul.f32 v47, v15;
	v10 =	vadd.f32 v13, v10;
	v13 =	vadd.bf16 v54, v61  }
0x1b7: {  	v55 =	vld [tilespmem:s24+$0x1B0];
	v58 =	vmul.f32 v51, v19;
	v26 =	vadd.bf16 v7, v8;
	v37 =	vunpack.i.l.bf16.f32 v16  }
0x1b8: {  	v36 =	vld [tilespmem:s26+$0x1440];
	s24 =	simm.s32 $0x7340;
	v37 =	vmul.f32 v37, v22;
	v8 =	vadd.f32 v11, v10;
	v10 =	vadd.bf16 v6, v13  }
0x1b9: {  	v1 =	vld [tilespmem:s24+$0x220];
	v11 =	vunpack.i.l.bf16.f32 v26;
	v13 =	vadd.bf16 v45, v41;
	v45 =	vadd.f32 $0.0e+00, v53  }
0x1ba: {  	v2 =	vld [tilespmem:s24+$0x1A0];
	v11 =	vmul.f32 v11, v40;
	v54 =	vadd.f32 v8, v9;
	v5 =	vadd.bf16 v5, v10  }
0x1bb: {  	v15 =	vld [tilespmem:s24+$0x10];
	v10 =	vunpack.i.u.bf16.f32 v26;
	v13 =	vadd.bf16 v57, v13;
	v26 =	vadd.f32 $0.0e+00, v63  }
0x1bc: {  	v35 =	vld [tilespmem:s24+$0xFFFFFEA0];
	v45 =	vadd.f32 v28, v45;
	v57 =	vmul.f32 v10, v32;
	v56 =	vadd.f32 v11, v54  }
0x1bd: {  	v19 =	vld [tilespmem:s24+$0xFFFFFF30];
	v59 =	vunpack.i.l.bf16.f32 v5;
	v13 =	vadd.bf16 v55, v13;
	v5 =	vunpack.i.u.bf16.f32 v5  }
0x1be: {  	v7 =	vld [tilespmem:s24+$0x30];
	v49 =	vadd.f32 v26, v58;
	v60 =	vmul.f32 v59, v36;
	v38 =	vadd.f32 v56, v57  }
0x1bf: {  	v6 =	vld [tilespmem:s24+$0x210];
	v45 =	vadd.f32 v14, v45;
	v55 =	vmul.f32 v22, v48;
	v48 =	vunpack.i.l.bf16.f32 v23  }
0x1c0: {  	v8 =	vld [tilespmem:s24+$0x190];
	v5 =	vmul.f32 v5, v39;
	v51 =	vadd.f32 v62, v49;
	v38 =	vadd.f32 v60, v38  }
0x1c1: {  	v9 =	vld [tilespmem:s24+$0xFFFFFFB0];
	v59 =	vunpack.i.l.bf16.f32 v18;
	v61 =	vadd.bf16 v12, v13;
	v34 =	vadd.f32 v34, v45  }
0x1c2: {  	v10 =	vld [tilespmem:s24+$0x200];
	v56 =	vunpack.i.u.bf16.f32 v16;
	v5 =	vadd.f32 v38, v5;
	v38 =	vadd.f32 v51, v52  }
0x1c3: {  	v11 =	vld [tilespmem:s24+$0x20];
	v57 =	vunpack.i.u.bf16.f32 v17;
	v62 =	vunpack.i.u.bf16.f32 v18;
	v58 =	vmul.f32 v56, v21  }
0x1c4: {  	v26 =	vld [tilespmem:s24+$0xFFFFFE30];
	v21 =	vmul.f32 v21, v57;
	v28 =	vunpack.i.l.bf16.f32 v61;
	v37 =	vadd.f32 v37, v38  }
0x1c5: {  	v14 =	vld [tilespmem:s24+$0x1F0];
	v53 =	vunpack.i.u.bf16.f32 v61;
	v45 =	vadd.f32 v55, v34;
	v63 =	vmul.f32 v28, v42  }
0x1c6: {  	v22 =	vld [tilespmem:s24+$0xFFFFFF20];
	v60 =	vunpack.i.l.bf16.f32 v20;
	v61 =	vmul.f32 v59, v25;
	v37 =	vadd.f32 v37, v58  }
0x1c7: {  	v23 =	vld [tilespmem:s24+$0xFFFFFF80];
	v25 =	vmul.f32 v25, v60;
	v21 =	vadd.f32 v21, v45;
	v5 =	vadd.f32 v63, v5  }
0x1c8: {  	v12 =	vld [tilespmem:s24+$0x180];
	v63 =	vunpack.i.u.bf16.f32 v20;
	v38 =	vmul.f32 v62, v27;
	v37 =	vadd.f32 v61, v37  }
0x1c9: {  	v13 =	vld [tilespmem:s24+$0xFFFFFFA0];
	v49 =	vunpack.i.l.bf16.f32 v24;
	v46 =	vadd.f32 v25, v21;
	v27 =	vmul.f32 v27, v63  }
0x1ca: {  	v16 =	vld [tilespmem:s24+$0x170];
	v24 =	vunpack.i.u.bf16.f32 v24;
	v45 =	vmul.f32 v48, v30;
	v37 =	vadd.f32 v37, v38  }
0x1cb: {  	v17 =	vld [tilespmem:s24+$0xFFFFFF90];
	v24 =	vmul.f32 v31, v24;
	v30 =	vmul.f32 v30, v49;
	v27 =	vadd.f32 v27, v46  }
0x1cc: {  	v18 =	vld [tilespmem:s24+$0x1E0];
	v54 =	vmul.f32 v53, v43;
	v51 =	vmul.f32 v50, v31;
	v45 =	vadd.f32 v45, v37  }
0x1cd: {  	v34 =	vld [tilespmem:s24+$0xFFFFFE20];
	v31 =	vunpack.i.l.bf16.f32 v44;
	v52 =	vunpack.i.l.bf16.f32 v29;
	v30 =	vadd.f32 v30, v27  }
0x1ce: {  	v28 =	vld [tilespmem:s24+$0xFFFFFEB0];
	v31 =	vmul.f32 v31, v40;
	v5 =	vadd.f32 v5, v54;
	v45 =	vadd.f32 v45, v51  }
0x1cf: {  	v44 =	vunpack.i.u.bf16.f32 v44;
	v40 =	vmul.f32 v40, v52;
	v20 =	vld [tilespmem:s24+$0x0];
	v24 =	vadd.f32 v24, v30  }
0x1d0: {  	v44 =	vmul.f32 v44, v32;
	v25 =	vld [tilespmem:s24+$0xFFFFFF10];
	(xrf2) =	vadd.scan.msk.f32 $0xffff, v5;
	v5 =	vunpack.i.u.bf16.f32 v29;
	v29 =	vadd.f32 v31, v45  }
0x1d1: {  	v21 =	vld [tilespmem:s24+$0x160];
	v5 =	vmul.f32 v32, v5;
	v40 =	vadd.f32 v40, v24;
	v24 =	vunpack.i.l.bf16.f32 v33  }
0x1d2: {  	v53 =	vunpack.i.l.bf16.f32 v4;
	v46 =	vld [tilespmem:s24+$0xFFFFFE40];
	v54 =	vmul.f32 v24, v36;
	v44 =	vadd.f32 v29, v44  }
0x1d3: {  	v27 =	vld [tilespmem:s24+$0x1D0];
	v33 =	vunpack.i.u.bf16.f32 v33;
	v36 =	vmul.f32 v36, v53;
	v5 =	vadd.f32 v5, v40  }
0x1d4: {  	v4 =	vunpack.i.u.bf16.f32 v4;
	v32 =	vld [tilespmem:s24+$0x150];
	v56 =	vmul.f32 v33, v39;
	v55 =	vadd.f32 v54, v44  }
0x1d5: {  	v57 =	vunpack.i.l.bf16.f32 v41;
	v4 =	vmul.f32 v39, v4;
	v38 =	vld [tilespmem:s24+$0xFFFFFE90];
	v5 =	vadd.f32 v36, v5  }
0x1d6: {  	v59 =	vmul.f32 v57, v42;
	v30 =	vld [tilespmem:s24+$0xFFFFFFF0];
	v40 =	vadd.f32 v55, v56  }
0x1d7: {  	v37 =	vld [tilespmem:s24+$0xFFFFFE10];
	v4 =	vadd.f32 v4, v5;
	v5 =	vunpack.i.u.bf16.f32 v41  }
0x1d8: {  	v58 =	vunpack.i.l.bf16.f32 v3;
	v24 =	vld [tilespmem:s24+$0xFFFFFE00];
	v5 =	vmul.f32 v5, v43;
	v40 =	vadd.f32 v59, v40  }
0x1d9: {  	v42 =	vmul.f32 v42, v58;
	v33 =	vld [tilespmem:s24+$0x1C0]  }
0x1da: {  	v3 =	vunpack.i.u.bf16.f32 v3;
	v39 =	vld [tilespmem:s24+$0x140];
	v5 =	vadd.f32 v40, v5  }
0x1db: {  	v3 =	vmul.f32 v43, v3;
	v31 =	vld [tilespmem:s24+$0xFFFFFF00];
	v4 =	vadd.f32 v42, v4  }
0x1dc: {  	v45 =	vld [tilespmem:s24+$0xFFFFFDE0];
	(xrf2) =	vadd.scan.msk.f32 $0xffff, v5  }
0x1dd: {  	v36 =	vld [tilespmem:s24+$0xFFFFFFE0];
	v63 =	vadd.f32 v3, v4  }
0x1de: {  	v29 =	vld [tilespmem:s24+$0xFFFFFE80]  }
0x1df: {  	v60, _, _ =	vpop (xrf2);
	v41 =	vld [tilespmem:s24+$0xFFFFFDF0];
	(xrf2) =	vadd.scan.msk.f32 $0xffff, v63  }
0x1e0: {  	v44 =	vld [tilespmem:s24+$0xFFFFFE70]  }
0x1e1: {  	v61 =	vmov s25;
	v62 =	vbroadcast v60, $0xF;
	v43 =	vld [tilespmem:s24+$0x40]  }
0x1e2: {  	vm0 =	veq.s32 v61, v0;
	v42 =	vld [tilespmem:s24+$0xC0];
	v4 =	vimm.f32 $0.0e+00  }
0x1e3: {  	s29 =	simm.s32 $0x2;
	s28 =	simm.s32 $0x0;
	s26 =	simm.s32 $0x1;
	v3 =	vsel vm0, v62, v4;
	v40 =	vld [tilespmem:s24+$0xFFFFFDC0];
	v5 =	vimm.f32 $0.0e+00  }
.LBB2_5:
0x1e4: {  	p0 =	sne.s32 s29, $0xF;
	v47 =	vld [tilespmem:s24+$0xFFFFFF40]  }
0x1e5: {  	v48 =	vld [tilespmem:s24+$0xFFFFFEC0]  }
0x1e6: {  	v49 =	vld [tilespmem:s24+$0xFFFFFDD0];
	v50, _, _ =	vpop (xrf2)  }
0x1e7: {  	v51 =	vld [tilespmem:s24+$0xFFFFFE50];
	v53 =	vbroadcast v50, $0xF  }
0x1e8: {  	v40 =	vadd.bf16 v46, v40;
	v46 =	vld [tilespmem:s24+$0xFFFFFFC0]  }
0x1e9: {  	v52 =	vld [tilespmem:s24+$0xFFFFFED0];
	v4 =	vsel vm0, v53, v4;
	v50, _, _ =	vpop (xrf2)  }
0x1ea: {  	v48 =	vadd.bf16 v48, v40;
	v53 =	vld [tilespmem:s24+$0xFFFFFE60];
	v50 =	vbroadcast v50, $0xF  }
0x1eb: {  	v34 =	vadd.bf16 v35, v34;
	v35 =	vadd.bf16 v28, v26;
	v54 =	vld [tilespmem:s24+$0xFFFFFF50]  }
0x1ec: {  	v40 =	vunpack.i.l.bf16.f32 v48;
	v26 =	vadd.bf16 v47, v48;
	v47 =	vadd.bf16 v51, v49;
	v51 =	vld [tilespmem:s24+$0xFFFFFEE0]  }
0x1ed: {  	v55 =	vadd.bf16 v29, v24;
	v56 =	vadd.bf16 v38, v37;
	v28 =	vunpack.i.u.bf16.f32 v48;
	v48 =	vld [tilespmem:s24+$0xFFFFFFD0]  }
0x1ee: {  	v5 =	vsel vm0, v50, v5;
	v24 =	vadd.bf16 v46, v26;
	v29 =	vadd.bf16 v52, v47;
	v37 =	vld [tilespmem:s24+$0xFFFFFF60]  }
0x1ef: {  	v44 =	vadd.bf16 v44, v41;
	v38 =	vld [tilespmem:s24+$0x50];
	v26 =	vadd.bf16 v53, v45  }
0x1f0: {  	v49 =	vunpack.i.l.bf16.f32 v24;
	v43 =	vadd.bf16 v43, v24;
	v45 =	vadd.bf16 v54, v29;
	v46 =	vld [tilespmem:s24+$0xFFFFFEF0]  }
0x1f1: {  	s25 =	sadd.s32 $0x80, s25;
	s28 =	sadd.s32 $0x100, s28;
	v41 =	vunpack.i.u.bf16.f32 v24;
	v24 =	vadd.bf16 v19, v35;
	v47 =	vld [tilespmem:s24+$0xD0];
	v26 =	vadd.bf16 v51, v26  }
0x1f2: {  	s0 =	sand.u32 $0x800, s28;
	s30 =	sand.u32 $0x380, s25;
	v35 =	vunpack.i.l.bf16.f32 v29;
	v42 =	vadd.bf16 v42, v43;
	v43 =	vadd.bf16 v48, v45;
	v45 =	vld [tilespmem:s24+$0xFFFFFF70]  }
0x1f3: {  	s30 =	sor.u32 s30, s0;
	v19 =	vunpack.i.u.bf16.f32 v29;
	v29 =	vadd.bf16 v22, v34;
	v37 =	vadd.bf16 v37, v26;
	v48 =	vld [tilespmem:s24+$0x60]  }
0x1f4: {  	v50 =	vld [tilespmem:s30+$0x1000];
	v51 =	vadd.bf16 v39, v42;
	v42 =	vunpack.i.l.bf16.f32 v43;
	v38 =	vadd.bf16 v38, v43  }
0x1f5: {  	v39 =	vunpack.i.u.bf16.f32 v43;
	v34 =	vadd.bf16 v36, v37;
	v36 =	vld [tilespmem:s24+$0xE0];
	v22 =	vadd.bf16 v46, v44  }
0x1f6: {  	v37 =	vunpack.i.l.bf16.f32 v26;
	v43 =	vld [tilespmem:s30+$0x1010];
	v44 =	vadd.bf16 v33, v51;
	v46 =	vadd.bf16 v47, v38  }
0x1f7: {  	v33 =	vadd.bf16 v25, v56;
	v38 =	vunpack.i.l.bf16.f32 v34;
	v45 =	vadd.bf16 v45, v22;
	v51 =	vld [tilespmem:s24+$0x70]  }
0x1f8: {  	v25 =	vunpack.i.l.bf16.f32 v44;
	v47 =	vld [tilespmem:s30+$0x1020];
	v32 =	vadd.bf16 v32, v46;
	v46 =	vadd.bf16 v48, v34  }
0x1f9: {  	v48 =	vmul.f32 v25, v50;
	v30 =	vadd.bf16 v30, v45;
	v52 =	vld [tilespmem:s24+$0xF0];
	v25 =	vadd.bf16 v31, v55  }
0x1fa: {  	v31 =	vunpack.i.u.bf16.f32 v44;
	v44 =	vld [tilespmem:s30+$0x1030];
	v27 =	vadd.bf16 v27, v32;
	v32 =	vadd.bf16 v36, v46  }
0x1fb: {  	v36 =	vadd.f32 $0.0e+00, v48;
	v31 =	vmul.f32 v31, v43;
	v23 =	vadd.bf16 v23, v25;
	v46 =	vld [tilespmem:s24+$0x80]  }
0x1fc: {  	v45 =	vunpack.i.l.bf16.f32 v27;
	v48 =	vld [tilespmem:s30+$0x1040];
	v21 =	vadd.bf16 v21, v32;
	v32 =	vadd.bf16 v51, v30  }
0x1fd: {  	v31 =	vadd.f32 v36, v31;
	v36 =	vmul.f32 v45, v47;
	v20 =	vadd.bf16 v20, v23;
	v23 =	vld [tilespmem:s24+$0x100]  }
0x1fe: {  	v27 =	vunpack.i.u.bf16.f32 v27;
	v45 =	vld [tilespmem:s30+$0x1050];
	v18 =	vadd.bf16 v18, v21;
	v21 =	vadd.bf16 v52, v32  }
0x1ff: {  	v32 =	vadd.bf16 v17, v33;
	v31 =	vadd.f32 v36, v31;
	v27 =	vmul.f32 v27, v44;
	v36 =	vld [tilespmem:s24+$0x90]  }
0x200: {  	v51 =	vunpack.i.l.bf16.f32 v18;
	v17 =	vld [tilespmem:s30+$0x1060];
	v52 =	vadd.bf16 v16, v21;
	v46 =	vadd.bf16 v46, v20  }
0x201: {  	v21 =	vadd.bf16 v15, v32;
	v27 =	vadd.f32 v31, v27;
	v31 =	vmul.f32 v51, v48;
	v15 =	vld [tilespmem:s24+$0x110]  }
0x202: {  	v18 =	vunpack.i.u.bf16.f32 v18;
	v16 =	vld [tilespmem:s30+$0x1070];
	v14 =	vadd.bf16 v14, v52;
	v23 =	vadd.bf16 v23, v46  }
0x203: {  	v13 =	vadd.bf16 v13, v29;
	v27 =	vadd.f32 v31, v27;
	v31 =	vmul.f32 v18, v45;
	v32 =	vld [tilespmem:s24+$0xA0]  }
0x204: {  	v46 =	vunpack.i.l.bf16.f32 v14;
	v18 =	vld [tilespmem:s30+$0x1400];
	v12 =	vadd.bf16 v12, v23;
	v23 =	vadd.bf16 v36, v21  }
0x205: {  	v31 =	vadd.f32 v27, v31;
	v36 =	vmul.f32 v46, v17;
	v27 =	vadd.bf16 v11, v13;
	v11 =	vld [tilespmem:s24+$0x120]  }
0x206: {  	v13 =	vunpack.i.u.bf16.f32 v14;
	v46 =	vld [tilespmem:s30+$0x1410];
	v10 =	vadd.bf16 v10, v12;
	v12 =	vadd.bf16 v15, v23  }
0x207: {  	v9 =	vadd.bf16 v9, v24;
	v14 =	vadd.f32 v36, v31;
	v13 =	vmul.f32 v13, v16;
	v15 =	vld [tilespmem:s24+$0xB0]  }
0x208: {  	v31 =	vunpack.i.l.bf16.f32 v10;
	v23 =	vld [tilespmem:s30+$0x1420];
	v8 =	vadd.bf16 v8, v12;
	v12 =	vadd.bf16 v32, v27  }
0x209: {  	v36 =	vadd.bf16 v7, v9;
	v13 =	vadd.f32 v14, v13;
	v14 =	vmul.f32 v31, v18;
	v7 =	vld [tilespmem:s24+$0x130]  }
0x20a: {  	v9 =	vunpack.i.u.bf16.f32 v10;
	v31 =	vld [tilespmem:s30+$0x1430];
	v6 =	vadd.bf16 v6, v8;
	v8 =	vadd.bf16 v11, v12  }
0x20b: {  	v10 =	vmul.f32 v49, v50;
	v11 =	vadd.f32 v14, v13;
	v9 =	vmul.f32 v9, v46;
	v12 =	vld [tilespmem:s24+$0x1B0]  }
0x20c: {  	v13 =	vunpack.i.l.bf16.f32 v6;
	v32 =	vld [tilespmem:s30+$0x1440];
	v2 =	vadd.bf16 v2, v8;
	v8 =	vadd.bf16 v15, v36  }
0x20d: {  	v14 =	vmul.f32 v50, v40;
	v9 =	vadd.f32 v11, v9;
	v11 =	vmul.f32 v13, v23;
	v13 =	vld [tilespmem:s24+$0x230]  }
0x20e: {  	v6 =	vunpack.i.u.bf16.f32 v6;
	s24 =	sadd.s32 $0x480, s24;
	v40 =	vld [tilespmem:s30+$0x1450];
	v15 =	vadd.bf16 v1, v2;
	v2 =	vadd.bf16 v7, v8  }
0x20f: {  	v7 =	vadd.f32 $0.0e+00, v10;
	v1 =	vld [tilespmem:s24+$0x220];
	v8 =	vadd.f32 v11, v9;
	v6 =	vmul.f32 v6, v31  }
0x210: {  	v9 =	vmul.f32 v41, v43;
	v10 =	vunpack.i.l.bf16.f32 v15;
	v41 =	vld [tilespmem:s30+$0x1460];
	v11 =	vadd.bf16 v12, v2  }
0x211: {  	v12 =	vadd.f32 $0.0e+00, v14;
	v2 =	vld [tilespmem:s24+$0x1A0];
	v8 =	vadd.f32 v8, v6;
	v10 =	vmul.f32 v10, v32  }
0x212: {  	v14 =	vmul.f32 v43, v28;
	v15 =	vunpack.i.u.bf16.f32 v15;
	v43 =	vld [tilespmem:s30+$0x1470];
	v11 =	vadd.bf16 v13, v11  }
0x213: {  	v13 =	vadd.f32 v7, v9;
	v6 =	vld [tilespmem:s24+$0x210];
	v9 =	vadd.f32 v10, v8;
	v10 =	vmul.f32 v15, v40  }
0x214: {  	v12 =	vadd.f32 v14, v12;
	v14 =	vmul.f32 v42, v47;
	v7 =	vld [tilespmem:s24+$0x30];
	v15 =	vunpack.i.l.bf16.f32 v11  }
0x215: {  	v28 =	vmul.f32 v47, v35;
	v8 =	vld [tilespmem:s24+$0x190];
	v35 =	vadd.f32 v9, v10;
	v15 =	vmul.f32 v15, v41  }
0x216: {  	v13 =	vadd.f32 v14, v13;
	v14 =	vmul.f32 v39, v44;
	v11 =	vunpack.i.u.bf16.f32 v11;
	v9 =	vld [tilespmem:s24+$0xFFFFFFB0]  }
0x217: {  	v28 =	vadd.f32 v28, v12;
	v10 =	vld [tilespmem:s24+$0x200];
	v12 =	vadd.f32 v15, v35;
	v15 =	vmul.f32 v11, v43  }
0x218: {  	v13 =	vadd.f32 v13, v14;
	v14 =	vmul.f32 v38, v48;
	v35 =	vmul.f32 v44, v19;
	v11 =	vld [tilespmem:s24+$0x20]  }
0x219: {  	v34 =	vunpack.i.u.bf16.f32 v34;
	v37 =	vmul.f32 v48, v37;
	v19 =	vld [tilespmem:s24+$0xFFFFFF30];
	v15 =	vadd.f32 v12, v15  }
0x21a: {  	v26 =	vunpack.i.u.bf16.f32 v26;
	v14 =	vadd.f32 v14, v13;
	v28 =	vadd.f32 v35, v28;
	v12 =	vld [tilespmem:s24+$0x180]  }
0x21b: {  	v34 =	vmul.f32 v34, v45;
	v38 =	vunpack.i.l.bf16.f32 v30;
	v35 =	vmul.f32 v45, v26;
	v13 =	vld [tilespmem:s24+$0xFFFFFFA0];
	(xrf2) =	vadd.scan.msk.f32 $0xffff, v15  }
0x21c: {  	v38 =	vmul.f32 v38, v17;
	v15 =	vadd.f32 v37, v28;
	v37 =	vunpack.i.l.bf16.f32 v22;
	v26 =	vld [tilespmem:s24+$0xFFFFFE30]  }
0x21d: {  	v30 =	vunpack.i.u.bf16.f32 v30;
	v34 =	vadd.f32 v14, v34;
	v17 =	vmul.f32 v17, v37;
	v28 =	vld [tilespmem:s24+$0xFFFFFEB0]  }
0x21e: {  	v30 =	vmul.f32 v30, v16;
	v22 =	vunpack.i.u.bf16.f32 v22;
	v35 =	vadd.f32 v35, v15;
	v14 =	vld [tilespmem:s24+$0x1F0]  }
0x21f: {  	v37 =	vmul.f32 v16, v22;
	v34 =	vadd.f32 v38, v34;
	v16 =	vunpack.i.l.bf16.f32 v20;
	v15 =	vld [tilespmem:s24+$0x10]  }
0x220: {  	v38 =	vmul.f32 v16, v18;
	v35 =	vadd.f32 v17, v35;
	v17 =	vunpack.i.l.bf16.f32 v25;
	v22 =	vld [tilespmem:s24+$0xFFFFFF20]  }
0x221: {  	v20 =	vunpack.i.u.bf16.f32 v20;
	v30 =	vadd.f32 v34, v30;
	v18 =	vmul.f32 v18, v17;
	v16 =	vld [tilespmem:s24+$0x170]  }
0x222: {  	v20 =	vmul.f32 v20, v46;
	v25 =	vunpack.i.u.bf16.f32 v25;
	v37 =	vadd.f32 v37, v35;
	v17 =	vld [tilespmem:s24+$0xFFFFFF90]  }
0x223: {  	v25 =	vmul.f32 v46, v25;
	v30 =	vadd.f32 v38, v30;
	v38 =	vunpack.i.l.bf16.f32 v21;
	v34 =	vld [tilespmem:s24+$0xFFFFFE20]  }
0x224: {  	v39 =	vunpack.i.l.bf16.f32 v33;
	v38 =	vmul.f32 v38, v23;
	v37 =	vadd.f32 v18, v37;
	v35 =	vld [tilespmem:s24+$0xFFFFFEA0]  }
0x225: {  	v23 =	vmul.f32 v23, v39;
	v39 =	vunpack.i.u.bf16.f32 v21;
	v30 =	vadd.f32 v30, v20;
	v18 =	vld [tilespmem:s24+$0x1E0];
	v21, _, _ =	vpop (xrf2)  }
0x226: {  	v42 =	vmov s26;
	s26 =	smov.u32 s29;
	v37 =	vadd.f32 v25, v37;
	v20 =	vld [tilespmem:s24+$0x0];
	v44 =	vbroadcast v21, $0xF  }
0x227: {  	vm0 =	veq.s32 v42, v0;
	v33 =	vunpack.i.u.bf16.f32 v33;
	v30 =	vadd.f32 v38, v30;
	v25 =	vld [tilespmem:s24+$0xFFFFFF10]  }
0x228: {  	v38 =	vmul.f32 v39, v31;
	v42 =	vadd.f32 v23, v37;
	v21 =	vld [tilespmem:s24+$0x160];
	v3 =	vsel vm0, v44, v3  }
0x229: {  	v31 =	vmul.f32 v31, v33;
	v33 =	vunpack.i.l.bf16.f32 v29;
	v39 =	vunpack.i.l.bf16.f32 v27;
	v23 =	vld [tilespmem:s24+$0xFFFFFF80]  }
0x22a: {  	v33 =	vmul.f32 v32, v33;
	v32 =	vmul.f32 v39, v32;
	v30 =	vadd.f32 v30, v38;
	v37 =	vld [tilespmem:s24+$0xFFFFFE10]  }
0x22b: {  	v29 =	vunpack.i.u.bf16.f32 v29;
	v39 =	vunpack.i.u.bf16.f32 v27;
	v31 =	vadd.f32 v31, v42;
	v38 =	vld [tilespmem:s24+$0xFFFFFE90]  }
0x22c: {  	v29 =	vmul.f32 v40, v29;
	v39 =	vmul.f32 v39, v40;
	v32 =	vadd.f32 v32, v30;
	v27 =	vld [tilespmem:s24+$0x1D0]  }
0x22d: {  	v40 =	vunpack.i.l.bf16.f32 v24;
	v42 =	vunpack.i.l.bf16.f32 v36;
	v33 =	vadd.f32 v33, v31;
	v30 =	vld [tilespmem:s24+$0xFFFFFFF0]  }
0x22e: {  	v40 =	vmul.f32 v41, v40;
	v39 =	vadd.f32 v32, v39;
	v41 =	vmul.f32 v42, v41;
	v31 =	vld [tilespmem:s24+$0xFFFFFF00]  }
0x22f: {  	v36 =	vunpack.i.u.bf16.f32 v36;
	v33 =	vadd.f32 v29, v33;
	v29 =	vunpack.i.u.bf16.f32 v24;
	v32 =	vld [tilespmem:s24+$0x150]  }
0x230: {  	v36 =	vmul.f32 v36, v43;
	v39 =	vadd.f32 v41, v39;
	v42 =	vmul.f32 v43, v29;
	v24 =	vld [tilespmem:s24+$0xFFFFFE00]  }
0x231: {  	v40 =	vadd.f32 v40, v33;
	v29 =	vld [tilespmem:s24+$0xFFFFFE80]  }
0x232: {  	v41 =	vadd.f32 v39, v36;
	v33 =	vld [tilespmem:s24+$0x1C0]  }
0x233: {  	v40 =	vadd.f32 v42, v40;
	v36 =	vld [tilespmem:s24+$0xFFFFFFE0]  }
0x234: {  	v39 =	vld [tilespmem:s24+$0x140];
	(xrf2) =	vadd.scan.msk.f32 $0xffff, v41  }
0x235: {  	v41 =	vld [tilespmem:s24+$0xFFFFFDF0]  }
0x236: {  	v44 =	vld [tilespmem:s24+$0xFFFFFE70]  }
.Ltmp1:
0x237: {  	v42 =	vld [tilespmem:s24+$0xC0];
	(xrf2) =	vadd.scan.msk.f32 $0xffff, v40;
	(pc) =	sbr.rel @p0 .LBB2_5-.Ltmp1, $4  }
0x238: {  	v43 =	vld [tilespmem:s24+$0x40]  }
0x239: {  	v45 =	vld [tilespmem:s24+$0xFFFFFDE0]  }
0x23a: {  	v40 =	vld [tilespmem:s24+$0xFFFFFDC0]  }
0x23b: {  	s29 =	sadd.s32 $0x1, s29;
	v46 =	vld [tilespmem:s24+$0xFFFFFE40]  }
0x23c: {  	v47 =	vld [tilespmem:s24+$0xFFFFFF40]  }
0x23d: {  	v48 =	vld [tilespmem:s24+$0xFFFFFEC0]  }
0x23e: {  	v49 =	vld [tilespmem:s24+$0xFFFFFDD0]  }
0x23f: {  	v50 =	vld [tilespmem:s24+$0xFFFFFE50];
	v53 =	vadd.bf16 v35, v34  }
0x240: {  	v62 =	vld [tilespmem:s24+$0xFFFFFFC0];
	v28 =	vadd.bf16 v28, v26  }
0x241: {  	v63 =	vld [tilespmem:s24+$0xFFFFFE60];
	v22 =	vadd.bf16 v22, v53  }
0x242: {  	v51 =	vld [tilespmem:s24+$0xFFFFFED0];
	v41 =	vadd.bf16 v44, v41;
	v19 =	vadd.bf16 v19, v28  }
0x243: {  	v52 =	vld [tilespmem:s24+$0xFFFFFF50];
	v40 =	vadd.bf16 v46, v40;
	v13 =	vadd.bf16 v13, v22  }
0x244: {  	v58 =	vld [tilespmem:s24+$0xFFFFFEE0];
	v9 =	vadd.bf16 v9, v19;
	v57 =	vadd.bf16 v50, v49  }
0x245: {  	v59 =	vld [tilespmem:s24+$0xFFFFFFD0];
	v49 =	vadd.bf16 v29, v24;
	v24 =	vadd.bf16 v38, v37  }
0x246: {  	v60 =	vld [tilespmem:s24+$0xFFFFFF60];
	v45 =	vadd.bf16 v63, v45;
	v40 =	vadd.bf16 v48, v40  }
0x247: {  	v63 =	vld [tilespmem:s24+$0xFFFFFEF0];
	v11 =	vadd.bf16 v11, v13;
	v24 =	vadd.bf16 v25, v24  }
0x248: {  	v61 =	vld [tilespmem:s24+$0x50];
	v25 =	vadd.bf16 v31, v49;
	v56 =	vadd.bf16 v47, v40  }
0x249: {  	v54 =	vld [tilespmem:s24+$0xD0];
	s0 =	sadd.s32 $0x80, s25;
	s30 =	sadd.s32 $0x100, s28;
	v7 =	vadd.bf16 v7, v9;
	v34 =	vadd.bf16 v51, v57  }
0x24a: {  	s25 =	sand.u32 $0x800, s30;
	s0 =	sand.u32 $0x380, s0;
	v53 =	vld [tilespmem:s24+$0xF0];
	v23 =	vadd.bf16 v23, v25;
	v26 =	vadd.bf16 v62, v56  }
0x24b: {  	s25 =	sor.u32 s0, s25;
	v57 =	vld [tilespmem:s24+$0xFFFFFF70];
	v17 =	vadd.bf16 v17, v24;
	v62 =	vadd.bf16 v52, v34  }
0x24c: {  	v46 =	vld [tilespmem:s25+$0x1000];
	v28 =	vadd.bf16 v63, v41;
	v20 =	vadd.bf16 v20, v23;
	v44 =	vunpack.i.l.bf16.f32 v26  }
0x24d: {  	v49 =	vld [tilespmem:s25+$0x1040];
	v43 =	vadd.bf16 v43, v26;
	v50 =	vunpack.i.u.bf16.f32 v26;
	v26 =	vadd.bf16 v58, v45  }
0x24e: {  	v37 =	vunpack.i.l.bf16.f32 v40;
	v15 =	vadd.bf16 v15, v17;
	v56 =	vadd.bf16 v59, v62;
	v58 =	vld [tilespmem:s24+$0x60]  }
0x24f: {  	v29 =	vunpack.i.u.bf16.f32 v40;
	v41 =	vld [tilespmem:s25+$0x1010];
	v55 =	vadd.bf16 v42, v43;
	v38 =	vadd.bf16 v60, v26  }
0x250: {  	v35 =	vunpack.i.l.bf16.f32 v34;
	v59 =	vld [tilespmem:s24+$0xE0];
	v40 =	vadd.bf16 v61, v56;
	v43 =	vadd.bf16 v57, v28  }
0x251: {  	v34 =	vunpack.i.u.bf16.f32 v34;
	v60 =	vld [tilespmem:s24+$0x70];
	v39 =	vadd.bf16 v39, v55;
	v36 =	vadd.bf16 v36, v38  }
0x252: {  	v52 =	vld [tilespmem:s25+$0x1020];
	v47 =	vunpack.i.l.bf16.f32 v56;
	v40 =	vadd.bf16 v54, v40;
	v30 =	vadd.bf16 v30, v43  }
0x253: {  	v45 =	vld [tilespmem:s25+$0x1050];
	v42 =	vunpack.i.u.bf16.f32 v56;
	v39 =	vadd.bf16 v33, v39;
	v62 =	vadd.bf16 v58, v36  }
0x254: {  	v57 =	vld [tilespmem:s24+$0x80];
	v33 =	vunpack.i.l.bf16.f32 v26;
	v48 =	vunpack.i.l.bf16.f32 v36;
	v32 =	vadd.bf16 v32, v40  }
0x255: {  	v61 =	vunpack.i.l.bf16.f32 v39;
	v54 =	vunpack.i.u.bf16.f32 v39;
	v39 =	vld [tilespmem:s25+$0x1030];
	v55 =	vadd.bf16 v59, v62  }
0x256: {  	v27 =	vadd.bf16 v27, v32;
	v59 =	vadd.bf16 v60, v30;
	v63 =	vmul.f32 v61, v46;
	v61 =	vld [tilespmem:s24+$0x100]  }
0x257: {  	v43 =	vld [tilespmem:s25+$0x1060];
	v17 =	vunpack.i.u.bf16.f32 v36;
	v31 =	vmul.f32 v54, v41;
	v21 =	vadd.bf16 v21, v55  }
0x258: {  	v38 =	vld [tilespmem:s25+$0x1070];
	v58 =	vunpack.i.l.bf16.f32 v27;
	v62 =	vadd.bf16 v53, v59;
	v56 =	vadd.f32 $0.0e+00, v63  }
0x259: {  	v27 =	vunpack.i.u.bf16.f32 v27;
	v53 =	vadd.bf16 v57, v20;
	v63 =	vld [tilespmem:s24+$0x90];
	v18 =	vadd.bf16 v18, v21  }
0x25a: {  	v60 =	vmul.f32 v58, v52;
	v58 =	vld [tilespmem:s24+$0xA0];
	v16 =	vadd.bf16 v16, v62;
	v31 =	vadd.f32 v56, v31  }
0x25b: {  	v55 =	vld [tilespmem:s24+$0x110];
	v27 =	vmul.f32 v27, v39;
	v51 =	vunpack.i.l.bf16.f32 v18;
	v56 =	vadd.bf16 v61, v53  }
0x25c: {  	v62 =	vld [tilespmem:s24+$0x120];
	v18 =	vunpack.i.u.bf16.f32 v18;
	v14 =	vadd.bf16 v14, v16;
	v31 =	vadd.f32 v60, v31  }
0x25d: {  	v54 =	vmul.f32 v51, v49;
	v18 =	vmul.f32 v18, v45;
	v12 =	vadd.bf16 v12, v56  }
0x25e: {  	v59 =	vunpack.i.l.bf16.f32 v14;
	v60 =	vadd.bf16 v63, v15;
	v27 =	vadd.f32 v31, v27  }
0x25f: {  	v14 =	vunpack.i.u.bf16.f32 v14;
	v53 =	vadd.bf16 v58, v11;
	v10 =	vadd.bf16 v10, v12  }
0x260: {  	v61 =	vmul.f32 v59, v43;
	v63 =	vadd.bf16 v55, v60;
	v57 =	vadd.f32 v54, v27  }
0x261: {  	v31 =	vld [tilespmem:s25+$0x1400];
	v14 =	vmul.f32 v14, v38;
	v56 =	vadd.bf16 v62, v53;
	v62 =	vmul.f32 v46, v37  }
0x262: {  	v40 =	vld [tilespmem:s24+$0xB0];
	v51 =	vunpack.i.l.bf16.f32 v10;
	v8 =	vadd.bf16 v8, v63;
	v18 =	vadd.f32 v57, v18  }
0x263: {  	v27 =	vld [tilespmem:s25+$0x1410];
	v10 =	vunpack.i.u.bf16.f32 v10;
	v2 =	vadd.bf16 v2, v56;
	v56 =	vmul.f32 v47, v52  }
0x264: {  	v23 =	vld [tilespmem:s25+$0x1440];
	v47 =	vunpack.i.u.bf16.f32 v24;
	v57 =	vmul.f32 v44, v46;
	v32 =	vadd.f32 v61, v18  }
0x265: {  	v21 =	vld [tilespmem:s25+$0x1420];
	v46 =	vmul.f32 v50, v41;
	v6 =	vadd.bf16 v6, v8;
	v1 =	vadd.bf16 v1, v2  }
0x266: {  	v55 =	vld [tilespmem:s24+$0x130];
	v54 =	vmul.f32 v51, v31;
	v51 =	vadd.f32 $0.0e+00, v62;
	v14 =	vadd.f32 v32, v14  }
0x267: {  	v62 =	vmul.f32 v48, v49;
	v48 =	vunpack.i.l.bf16.f32 v11;
	v18 =	vld [tilespmem:s25+$0x1430];
	v61 =	vadd.bf16 v40, v7  }
0x268: {  	v40 =	vadd.f32 $0.0e+00, v57;
	v10 =	vmul.f32 v10, v27;
	v58 =	vadd.f32 v54, v14  }
0x269: {  	v60 =	vunpack.i.l.bf16.f32 v6;
	v6 =	vunpack.i.u.bf16.f32 v6;
	v50 =	vunpack.i.l.bf16.f32 v1  }
0x26a: {  	v1 =	vunpack.i.u.bf16.f32 v1;
	v63 =	vmul.f32 v60, v21;
	v10 =	vadd.f32 v58, v10  }
0x26b: {  	v32 =	vld [tilespmem:s25+$0x1450];
	v2 =	vadd.bf16 v55, v61;
	v53 =	vmul.f32 v50, v23;
	v8 =	vadd.f32 v40, v46  }
0x26c: {  	v59 =	vld [tilespmem:s24+$0x1B0];
	v54 =	vmul.f32 v41, v29;
	v6 =	vmul.f32 v6, v18;
	v44 =	vadd.f32 v63, v10  }
0x26d: {  	v60 =	vmul.f32 v42, v39;
	v61 =	vmul.f32 v39, v34;
	v34 =	vunpack.i.l.bf16.f32 v30  }
0x26e: {  	v55 =	vadd.f32 v54, v51;
	v58 =	vmul.f32 v52, v35;
	v6 =	vadd.f32 v44, v6  }
0x26f: {  	v39 =	vunpack.i.u.bf16.f32 v28;
	v40 =	vunpack.i.l.bf16.f32 v20;
	v8 =	vadd.f32 v56, v8  }
0x270: {  	v37 =	vld [tilespmem:s24+$0x230];
	v1 =	vmul.f32 v1, v32;
	v9 =	vadd.f32 v58, v55;
	v6 =	vadd.f32 v53, v6  }
0x271: {  	v42 =	vunpack.i.u.bf16.f32 v20;
	v2 =	vadd.bf16 v59, v2;
	v8 =	vadd.f32 v8, v60  }
0x272: {  	v63 =	vmul.f32 v49, v33;
	v1 =	vadd.f32 v6, v1;
	v6 =	vadd.f32 v61, v9  }
0x273: {  	v29 =	vunpack.i.u.bf16.f32 v26;
	v8 =	vadd.f32 v62, v8;
	v33 =	vmul.f32 v17, v45  }
0x274: {  	v14 =	vmul.f32 v34, v43;
	v9 =	vmul.f32 v45, v29;
	v6 =	vadd.f32 v63, v6  }
0x275: {  	v2 =	vadd.bf16 v37, v2;
	v35 =	vunpack.i.l.bf16.f32 v28;
	v8 =	vadd.f32 v8, v33  }
0x276: {  	v37 =	vunpack.i.u.bf16.f32 v30;
	v36 =	vmul.f32 v43, v35;
	v6 =	vadd.f32 v9, v6  }
0x277: {  	v46 =	vunpack.i.u.bf16.f32 v15;
	v12 =	vmul.f32 v37, v38;
	v8 =	vadd.f32 v14, v8  }
0x278: {  	v41 =	vunpack.i.l.bf16.f32 v25;
	v9 =	vmul.f32 v38, v39;
	v6 =	vadd.f32 v36, v6  }
0x279: {  	v51 =	vunpack.i.u.bf16.f32 v11;
	v14 =	vmul.f32 v40, v31;
	v8 =	vadd.f32 v8, v12  }
0x27a: {  	v52 =	vunpack.i.u.bf16.f32 v22;
	v10 =	vmul.f32 v31, v41;
	v6 =	vadd.f32 v9, v6  }
0x27b: {  	v13 =	vld [tilespmem:s25+$0x1460];
	v43 =	vunpack.i.u.bf16.f32 v25;
	v12 =	vmul.f32 v42, v27;
	v8 =	vadd.f32 v14, v8  }
0x27c: {  	v44 =	vunpack.i.l.bf16.f32 v15;
	v9 =	vmul.f32 v27, v43;
	v6 =	vadd.f32 v10, v6  }
0x27d: {  	v45 =	vunpack.i.l.bf16.f32 v24;
	v14 =	vmul.f32 v44, v21;
	v8 =	vadd.f32 v8, v12  }
0x27e: {  	v54 =	vunpack.i.l.bf16.f32 v7;
	v10 =	vmul.f32 v21, v45;
	v6 =	vadd.f32 v9, v6  }
0x27f: {  	v7 =	vunpack.i.u.bf16.f32 v7;
	v12 =	vmul.f32 v46, v18;
	v8 =	vadd.f32 v14, v8  }
0x280: {  	v16 =	vld [tilespmem:s25+$0x1470];
	v56 =	vmul.f32 v54, v13;
	v9 =	vmul.f32 v18, v47;
	v6 =	vadd.f32 v10, v6  }
0x281: {  	v49 =	vunpack.i.l.bf16.f32 v22;
	v8 =	vadd.f32 v8, v12;
	v10 =	vmul.f32 v48, v23  }
0x282: {  	v57 =	vunpack.i.l.bf16.f32 v2;
	v50 =	vmul.f32 v23, v49;
	v6 =	vadd.f32 v9, v6  }
0x283: {  	v2 =	vunpack.i.u.bf16.f32 v2;
	v8 =	vadd.f32 v10, v8;
	v9 =	vmul.f32 v51, v32  }
0x284: {  	v59 =	vmul.f32 v57, v13;
	v53 =	vmul.f32 v32, v52;
	v6 =	vadd.f32 v50, v6  }
0x285: {  	v55 =	vunpack.i.l.bf16.f32 v19;
	v2 =	vmul.f32 v2, v16;
	v8 =	vadd.f32 v8, v9  }
0x286: {  	v57 =	vmul.f32 v13, v55;
	v1 =	vadd.f32 v59, v1;
	v6 =	vadd.f32 v53, v6  }
0x287: {  	v7 =	vmul.f32 v7, v16;
	v58 =	vunpack.i.u.bf16.f32 v19;
	v8 =	vadd.f32 v56, v8  }
0x288: {  	v1 =	vadd.f32 v1, v2;
	v2 =	vmul.f32 v16, v58;
	v6 =	vadd.f32 v57, v6  }
0x289: {  	v7 =	vadd.f32 v8, v7  }
0x28a: {  	(xrf2) =	vadd.scan.msk.f32 $0xffff, v1;
	v1 =	vadd.f32 v2, v6  }
0x28b: {  	(xrf2) =	vadd.scan.msk.f32 $0xffff, v7  }
0x28c: {  	(xrf2) =	vadd.scan.msk.f32 $0xffff, v1;
	_ =	sdelay $0x5  }
0x28d: {  	v1, _, _ =	vpop (xrf2)  }
0x28e: {  	v2, _, _ =	vpop (xrf2)  }
0x28f: {  	v59, _, _ =	vpop (xrf2)  }
0x290: {  	s22 =	sadd.s32 $0x1, s22;
	v1 =	vbroadcast v1, $0xF;
	v7, _, _ =	vpop (xrf2)  }
0x291: {  	p0 =	sne.s32 s22, $0x4;
	v61 =	vmov s26;
	v2 =	vbroadcast v2, $0xF;
	v62 =	vbroadcast v7, $0xF;
	v60, _, _ =	vpop (xrf2)  }
.Ltmp2:
0x292: {  	vm1 =	veq.s32 v61, v0;
	v1 =	vsel vm0, v1, v4;
	v8 =	vbroadcast v60, $0xF;
	(pc) =	sbr.rel @p0 .LBB2_2-.Ltmp2, $4  }
0x293: {  	s31 =	sshll.u32 s23, $0x4;
	v63 =	vbroadcast v59, $0xF;
	v2 =	vsel vm0, v2, v5;
	v1 =	vsel vm1, v62, v1  }
0x294: {  	[tilespmem:s31+$0xB500] =	vst v1;
	v2 =	vsel vm1, v8, v2  }
0x295: {  	[tilespmem:s31+$0xB480] =	vst v2;
	v2 =	vsel vm1, v63, v3  }
0x296: {  	[tilespmem:s31+$0xB580] =	vst v2  }
0x297: {  	[hbm4b:s6+s18] =	stream.strided.scatter [tilespmem:s20], [sflag:$0x5], $0x0, s19, s18, $0x38;
	[tilespmem:$0xB680] =	vst v63  }
0x298: {  	s21 =	sadd.s32 $0x1, s21  }
0x299: {  	p0 =	sne.s32 s21, s7  }
.Ltmp3:
0x29a: {  	_ = 	snop;
	(pc) =	sbr.rel @p0 .LBB2_1-.Ltmp3, $4  }
0x29b: {  	[hbm4b:s6+s2] =	stream.linear.scatter [tilespmem:s20], [sflag:$0x5], $0x180, $0x38;
	[tilespmem:$0xB680] =	vst v63  }
0x29c: {  	_ =	swait.ge [sflag:s9], $0x180  }
0x29d: {  	[sflag:s9] =	ssyncset.done $0x0  }
0x29e: {  	[sflag:s9] =	ssyncadd.s32 $0xFFFFFE80  }
0x29f: {  	_ =	sfence.sel $0x180000  }
0x2a0: {  	[bflag:$0x0] =	sbarrier.arrive $0xFFFF  }
0x2a1: {  	_ =	strace $0x90000047  }
0x2a2: {  	[bflag:$0x2] =	sbarrier.arrive $0xFFFF  }
0x2a3: {  	p0 =	sne.s32 s1, $0x0;
	s0 =	rddreg [dreg:$0x1]  }
0x2a4: {  	s0 =	sadd.s32 @!p0 $0x100000, s0  }
0x2a5: {  	[sflag:s0] =	ssyncadd.tile.s32 @!p0 $0x1;
	_ =	shalt  }
.Lfunc_end2:
_tile_overlayer_lowered:
.L_overlay_start_2:
0x2a6: {  	(tag) =	ssettag $0x2  }
0x2a7: {  	s0 =	rddreg [dreg:$0x0];
	s2 =	stileid.u32  }
0x2a8: {  	s1 =	rddreg [dreg:$0x1];
	p0 =	sne.s32 s2, $0x0  }
0x2a9: {  	s3 =	rddreg [dreg:$0x2];
	[bflag:$0x3] =	sbarrier.arrive $0xFFFF;
	s2 =	simm.s32 @!p0 $0x1C05  }
0x2aa: {  	[timem:s3], [sflag:s2] =	dma.local @!p0 [hbm:s0], s1  }
0x2ab: {  	s0 =	simm.s32 @!p0 $0x5  }
0x2ac: {  	_ =	swait.ge @!p0 [sflag:s0], s1  }
0x2ad: {  	s1 =	ssub.s32 @!p0 $0x0, s1;
	[sflag:s0] =	ssyncset.done @!p0 $0x0  }
0x2ae: {  	[sflag:s0] =	ssyncadd.s32 @!p0 s1  }
0x2af: {  	[bflag:$0x3] =	sbarrier.arrive $0xFFFF  }
0x2b0: {  	_ =	shalt  }

</sc_bundles>
